<compile_context>
chip_gen: v7x
topology: tpu7x:2x2x1
jax: 0.10.2.dev20260603
libtpu: 0.0.44.dev20260713+nightly
codegen_flags: <defaults>
</compile_context>

<pallas_src>
import functools

import jax
import jax.numpy as jnp
from jax import lax
from jax.experimental import pallas as pl
from jax.experimental.pallas import tpu as pltpu
from jax.experimental.pallas import tpu_sc as plsc

N_NODES = 10000
N_EDGES = 320000
D_FEAT = 128
HID = 16
N_CLASSES = 64

NC = 2
NS = 16
NW = NC * NS
CHUNK = 128
ROWS_E = N_EDGES // CHUNK
K_BASE = ROWS_E // NW
N_XTRA = ROWS_E - K_BASE * NW
N_ACC = 10240
ZROWS = N_ACC // NS
NBUF = 6
LAG = 3


def _spmm_body(x_src, src_v, dst_v, rows, gsems, ssems, acc, has_extra):
    def gather_wait(j, b):
        pltpu.make_async_copy(
            x_src.at[src_v.at[j]], rows.at[b], gsems.at[b]).wait()

    def scatter_wait(j, b):
        pltpu.make_async_copy(
            rows.at[b], acc.at[dst_v.at[j]], ssems.at[b]).wait()

    for b in range(LAG):
        pltpu.async_copy(x_src.at[src_v.at[b]], rows.at[b], gsems.at[b])

    def step(g, carry):
        for b in range(NBUF):
            j = g * NBUF + b
            gather_wait(j, b)
            pltpu.async_copy(rows.at[b], acc.at[dst_v.at[j]], ssems.at[b],
                             add=True)
            bn = (b + LAG) % NBUF

            @pl.when(j + LAG < K_BASE)
            def _():
                @pl.when(j >= LAG)
                def _():
                    scatter_wait(j - LAG, bn)

                pltpu.async_copy(
                    x_src.at[src_v.at[j + LAG]], rows.at[bn], gsems.at[bn])

        return carry

    lax.fori_loop(0, K_BASE // NBUF, step, 0)
    for j in range(K_BASE - 2 * LAG, K_BASE):
        scatter_wait(j, j % NBUF)

    @pl.when(has_extra)
    def _():
        pltpu.async_copy(x_src.at[src_v.at[K_BASE]], rows.at[0], gsems.at[0])
        gather_wait(K_BASE, 0)
        pltpu.async_copy(rows.at[0], acc.at[dst_v.at[K_BASE]], ssems.at[0],
                         add=True)
        scatter_wait(K_BASE, 0)


def _sc_scratch():
    return [
        pltpu.VMEM((K_BASE + 1, CHUNK), jnp.int32),
        pltpu.VMEM((K_BASE + 1, CHUNK), jnp.int32),
        pltpu.VMEM((NBUF, CHUNK, HID), jnp.float32),
        pltpu.VMEM_SHARED((N_ACC, HID), jnp.float32),
        pltpu.SemaphoreType.DMA((NBUF,)),
        pltpu.SemaphoreType.DMA((NBUF,)),
    ]


def _stage_indices(e_hbm, src_v, dst_v, wid):
    row0 = wid * K_BASE + jnp.minimum(wid, N_XTRA)
    pltpu.sync_copy(e_hbm.at[0, pl.ds(row0, K_BASE)],
                    src_v.at[pl.ds(0, K_BASE)])
    pltpu.sync_copy(e_hbm.at[1, pl.ds(row0, K_BASE)],
                    dst_v.at[pl.ds(0, K_BASE)])

    @pl.when(wid < N_XTRA)
    def _():
        pltpu.sync_copy(e_hbm.at[0, pl.ds(row0 + K_BASE, 1)],
                        src_v.at[pl.ds(K_BASE, 1)])
        pltpu.sync_copy(e_hbm.at[1, pl.ds(row0 + K_BASE, 1)],
                        dst_v.at[pl.ds(K_BASE, 1)])


def _spmm_sc1(x, edges, zeros_hbm):
    mesh = plsc.VectorSubcoreMesh(core_axis_name="c", subcore_axis_name="s")

    @functools.partial(
        pl.kernel,
        mesh=mesh,
        out_type=jax.ShapeDtypeStruct((NC, N_ACC, HID), jnp.float32),
        scratch_types=_sc_scratch() + [
            pltpu.VMEM_SHARED((N_NODES, HID), jnp.float32),
        ],
        compiler_params=pltpu.CompilerParams(use_tc_tiling_on_sc=False),
    )
    def spmm(x_hbm, e_hbm, z_hbm, out_hbm,
             src_v, dst_v, rows, acc, gsems, ssems, xtab):
        c = lax.axis_index("c")
        s = lax.axis_index("s")
        wid = c * NS + s
        xrows = N_NODES // NS

        pltpu.sync_copy(z_hbm, acc.at[pl.ds(s * ZROWS, ZROWS)])
        pltpu.sync_copy(x_hbm.at[pl.ds(s * xrows, xrows)],
                        xtab.at[pl.ds(s * xrows, xrows)])
        _stage_indices(e_hbm, src_v, dst_v, wid)
        plsc.subcore_barrier()

        _spmm_body(xtab, src_v, dst_v, rows, gsems, ssems, acc,
                   wid < N_XTRA)

        plsc.subcore_barrier()
        pltpu.sync_copy(acc.at[pl.ds(s * ZROWS, ZROWS)],
                        out_hbm.at[c, pl.ds(s * ZROWS, ZROWS)])

    return spmm(x, edges, zeros_hbm)


def _spmm_sc2(parts, edges, zeros_hbm):
    mesh = plsc.VectorSubcoreMesh(core_axis_name="c", subcore_axis_name="s")

    @functools.partial(
        pl.kernel,
        mesh=mesh,
        out_type=jax.ShapeDtypeStruct((NC, N_ACC, HID), jnp.float32),
        scratch_types=_sc_scratch() + [
            pltpu.VMEM_SHARED((N_ACC, HID), jnp.float32),
            pltpu.VMEM((ZROWS, HID), jnp.float32),
            pltpu.VMEM((ZROWS, HID), jnp.float32),
        ],
        compiler_params=pltpu.CompilerParams(use_tc_tiling_on_sc=False),
    )
    def spmm(p_hbm, e_hbm, z_hbm, out_hbm,
             src_v, dst_v, rows, acc, gsems, ssems, htab, p0_v, p1_v):
        c = lax.axis_index("c")
        s = lax.axis_index("s")
        wid = c * NS + s

        pltpu.sync_copy(z_hbm, acc.at[pl.ds(s * ZROWS, ZROWS)])
        _stage_indices(e_hbm, src_v, dst_v, wid)

        pltpu.sync_copy(p_hbm.at[0, pl.ds(s * ZROWS, ZROWS)], p0_v)
        pltpu.sync_copy(p_hbm.at[1, pl.ds(s * ZROWS, ZROWS)], p1_v)

        def relu_row(i, carry):
            p0_v[i, :] = jnp.maximum(p0_v[i, :] + p1_v[i, :], 0.0)
            return carry

        lax.fori_loop(0, ZROWS, relu_row, 0)
        pltpu.sync_copy(p0_v, htab.at[pl.ds(s * ZROWS, ZROWS)])
        plsc.subcore_barrier()

        _spmm_body(htab, src_v, dst_v, rows, gsems, ssems, acc,
                   wid < N_XTRA)

        plsc.subcore_barrier()
        pltpu.sync_copy(acc.at[pl.ds(s * ZROWS, ZROWS)],
                        out_hbm.at[c, pl.ds(s * ZROWS, ZROWS)])

    return spmm(parts, edges, zeros_hbm)


def _project(features, w1):
    def body(f_ref, w_ref, o_ref):
        o_ref[...] = jnp.dot(f_ref[...], w_ref[...],
                             preferred_element_type=jnp.float32)

    return pl.pallas_call(
        body,
        grid=(5,),
        in_specs=[
            pl.BlockSpec((2000, D_FEAT), lambda i: (i, 0)),
            pl.BlockSpec((D_FEAT, HID), lambda i: (0, 0)),
        ],
        out_specs=pl.BlockSpec((2000, HID), lambda i: (i, 0)),
        out_shape=jax.ShapeDtypeStruct((N_NODES, HID), jnp.float32),
    )(features, w1)


def _combine_matmul(parts, w3):
    def body(p_ref, w_ref, o_ref):
        z = p_ref[0] + p_ref[1]
        o_ref[...] = jnp.dot(z, w_ref[...],
                             preferred_element_type=jnp.float32)

    return pl.pallas_call(
        body,
        grid=(5,),
        in_specs=[
            pl.BlockSpec((NC, 2000, HID), lambda i: (0, i, 0)),
            pl.BlockSpec((HID, N_CLASSES), lambda i: (0, 0)),
        ],
        out_specs=pl.BlockSpec((2000, N_CLASSES), lambda i: (i, 0)),
        out_shape=jax.ShapeDtypeStruct((N_NODES, N_CLASSES), jnp.float32),
    )(parts, w3)


def kernel(features, edge_index, weight1, weight3):
    edges = edge_index.reshape(2, ROWS_E, CHUNK)
    zeros_hbm = jnp.zeros((ZROWS, HID), jnp.float32)

    x1 = _project(features, weight1)
    p1 = _spmm_sc1(x1, edges, zeros_hbm)
    p2 = _spmm_sc2(p1, edges, zeros_hbm)
    return _combine_matmul(p2, weight3)

# --- scband reference (transcript-rebuilt; emitter-appended) ---
"""Pipeline reference for scband-cached-gcn-45896020525491 (READ-ONLY COPY).

The authoritative reference and input builder live on the scoring server;
editing this copy changes nothing except your own understanding.
"""

import jax, jax.numpy as jnp
import numpy as np

N_NODES = 10000
N_EDGES = 320000
D_FEAT = 128
HIDDEN = 16
N_CLASSES = 64


def setup_inputs(seed: int = 0) -> dict:
    key = jax.random.key(seed)
    k1, k2, k3, k4 = jax.random.split(key, 4)
    features = jax.random.normal(k1, (N_NODES, D_FEAT), dtype=jnp.float32)
    edge_index = jax.random.randint(k2, (2, N_EDGES), 0, N_NODES, dtype=jnp.int32)
    # torch.manual_seed(0); nn.Parameter(torch.rand(...)) -> uniform [0,1)
    weight1 = jax.random.uniform(k3, (D_FEAT, HIDDEN), dtype=jnp.float32)
    weight3 = jax.random.uniform(k4, (HIDDEN, N_CLASSES), dtype=jnp.float32)
    return {"features": features, "edge_index": edge_index, "weight1": weight1, "weight3": weight3}


def _spmm(edge_index, x, n_nodes):
    # Equivalent of sum over src shards of spmm(adj_parts[src], feature_bcast):
    # full sparse A @ x where A has a 1 at (dst, src) for every edge.
    src = edge_index[0]
    dst = edge_index[1]
    gathered = jnp.take(x, src, axis=0)
    return jax.ops.segment_sum(gathered, dst, num_segments=n_nodes)


def reference(features, edge_index, weight1, weight3):
    # Layer 1: z = A @ features; h = relu(z @ W1)
    z1 = _spmm(edge_index, features, N_NODES)
    hidden = jax.nn.relu(jnp.dot(z1, weight1))
    # Layer 2: z = A @ h; out = z @ W3  (weight2 is unused in the original forward)
    z2 = _spmm(edge_index, hidden, N_NODES)
    out = jnp.dot(z2, weight3)
    return out

if __name__ == "__main__":
    import jax
    _d = setup_inputs()
    print(jax.jit(kernel)(*tuple(_d.values())))

</pallas_src>

<mosaic_0001>
#map = affine_map<(d0, d1) -> (0, 0)>
#map1 = affine_map<(d0, d1) -> (0, 0, 0)>
module attributes {stable_mosaic.version = 14 : i64} {
  func.func @spmm(%arg0: i32, %arg1: i32, %arg2: memref<10000x16xf32, #tpu.memory_space<hbm>>, %arg3: memref<2x2500x128xi32, #tpu.memory_space<hbm>>, %arg4: memref<640x16xf32, #tpu.memory_space<hbm>>, %arg5: memref<2x10240x16xf32, #tpu.memory_space<hbm>>, %arg6: memref<79x128xi32, #tpu.memory_space<vmem>>, %arg7: memref<79x128xi32, #tpu.memory_space<vmem>>, %arg8: memref<6x128x16xf32, #tpu.memory_space<vmem>>, %arg9: memref<10240x16xf32, #tpu.memory_space<vmem_shared>>, %arg10: memref<6x!tpu.dma_semaphore, #tpu.memory_space<semaphore_mem>>, %arg11: memref<6x!tpu.dma_semaphore, #tpu.memory_space<semaphore_mem>>, %arg12: memref<10000x16xf32, #tpu.memory_space<vmem_shared>>) attributes {dimension_semantics = [#tpu.dimension_semantics<core_parallel>, #tpu.dimension_semantics<subcore_parallel>], iteration_bounds = array<i64: 2, 16>, scalar_prefetch = 0 : i64, scratch_operands = 7 : i64, tpu.core_type = #tpu.core_type<sc_vector_subcore>, window_params = [{transform_indices = #map}, {transform_indices = #map1}, {transform_indices = #map}, {transform_indices = #map1}]} {
    %mul3A = arith.constant 16 : i32
    %mul3A_0 = arith.muli %arg0, %mul3A : i32
    %add3A = arith.addi %mul3A_0, %arg1 : i32
    %mul3A_1 = arith.constant 640 : i32
    %mul3A_2 = arith.muli %arg1, %mul3A_1 : i32
    "tpu.region"() ({
      %run_scoped3A_162 = tpu.sem_alloc : memref<!tpu.dma_semaphore, #tpu.memory_space<semaphore_mem>>
      %dma_start3A_163 = arith.constant 0 : i32
      %dma_start3A_164 = tpu.memref_slice %arg9[%mul3A_2, %dma_start3A_163] : memref<10240x16xf32, #tpu.memory_space<vmem_shared>> -> memref<640x16xf32, #tpu.memory_space<vmem_shared>>
      tpu.enqueue_dma source(%arg4 : memref<640x16xf32, #tpu.memory_space<hbm>>) target(%dma_start3A_164 : memref<640x16xf32, #tpu.memory_space<vmem_shared>>) target_semaphore(%run_scoped3A_162 : memref<!tpu.dma_semaphore, #tpu.memory_space<semaphore_mem>>)
      %dma_wait3A_165 = arith.constant 0 : i32
      %dma_wait3A_166 = tpu.memref_slice %arg9[%mul3A_2, %dma_wait3A_165] : memref<10240x16xf32, #tpu.memory_space<vmem_shared>> -> memref<640x16xf32, #tpu.memory_space<vmem_shared>>
      tpu.wait_dma2 semaphore(%run_scoped3A_162 : memref<!tpu.dma_semaphore, #tpu.memory_space<semaphore_mem>>) src(%arg4 : memref<640x16xf32, #tpu.memory_space<hbm>>) dst(%dma_wait3A_166 : memref<640x16xf32, #tpu.memory_space<vmem_shared>>)
      tpu.yield
    }) : () -> ()
    %mul3A_3 = arith.constant 625 : i32
    %mul3A_4 = arith.muli %arg1, %mul3A_3 : i32
    %mul3A_5 = arith.constant 625 : i32
    %mul3A_6 = arith.muli %arg1, %mul3A_5 : i32
    "tpu.region"() ({
      %run_scoped3A_162 = tpu.sem_alloc : memref<!tpu.dma_semaphore, #tpu.memory_space<semaphore_mem>>
      %dma_start3A_163 = arith.constant 0 : i32
      %dma_start3A_164 = tpu.memref_slice %arg12[%mul3A_6, %dma_start3A_163] : memref<10000x16xf32, #tpu.memory_space<vmem_shared>> -> memref<625x16xf32, #tpu.memory_space<vmem_shared>>
      %dma_start3A_165 = arith.constant 0 : i32
      %dma_start3A_166 = tpu.memref_slice %arg2[%mul3A_4, %dma_start3A_165] : memref<10000x16xf32, #tpu.memory_space<hbm>> -> memref<625x16xf32, #tpu.memory_space<hbm>>
      tpu.enqueue_dma source(%dma_start3A_166 : memref<625x16xf32, #tpu.memory_space<hbm>>) target(%dma_start3A_164 : memref<625x16xf32, #tpu.memory_space<vmem_shared>>) target_semaphore(%run_scoped3A_162 : memref<!tpu.dma_semaphore, #tpu.memory_space<semaphore_mem>>)
      %dma_wait3A_167 = arith.constant 0 : i32
      %dma_wait3A_168 = tpu.memref_slice %arg12[%mul3A_6, %dma_wait3A_167] : memref<10000x16xf32, #tpu.memory_space<vmem_shared>> -> memref<625x16xf32, #tpu.memory_space<vmem_shared>>
      %dma_wait3A_169 = arith.constant 0 : i32
      %dma_wait3A_170 = tpu.memref_slice %arg2[%mul3A_4, %dma_wait3A_169] : memref<10000x16xf32, #tpu.memory_space<hbm>> -> memref<625x16xf32, #tpu.memory_space<hbm>>
      tpu.wait_dma2 semaphore(%run_scoped3A_162 : memref<!tpu.dma_semaphore, #tpu.memory_space<semaphore_mem>>) src(%dma_wait3A_170 : memref<625x16xf32, #tpu.memory_space<hbm>>) dst(%dma_wait3A_168 : memref<625x16xf32, #tpu.memory_space<vmem_shared>>)
      tpu.yield
    }) : () -> ()
    %mul3A_7 = arith.constant 78 : i32
    %mul3A_8 = arith.muli %add3A, %mul3A_7 : i32
    %min3A = arith.constant 4 : i32
    %min3A_9 = arith.minsi %add3A, %min3A : i32
    %add3A_10 = arith.addi %mul3A_8, %min3A_9 : i32
    %run_scoped3A = arith.constant 0 : i32
    "tpu.region"() ({
      %run_scoped3A_162 = tpu.sem_alloc : memref<!tpu.dma_semaphore, #tpu.memory_space<semaphore_mem>>
      %dma_start3A_163 = arith.constant 0 : i32
      %dma_start3A_164 = arith.constant 0 : i32
      %dma_start3A_165 = tpu.memref_slice %arg6[%dma_start3A_163, %dma_start3A_164] : memref<79x128xi32, #tpu.memory_space<vmem>> -> memref<78x128xi32, #tpu.memory_space<vmem>>
      %dma_start3A_166 = arith.constant 0 : i32
      %dma_start3A_167 = tpu.memref_slice %arg3[%run_scoped3A, %add3A_10, %dma_start3A_166] : memref<2x2500x128xi32, #tpu.memory_space<hbm>> -> memref<1x78x128xi32, #tpu.memory_space<hbm>>
      %dma_start3A_168 = tpu.memref_squeeze %dma_start3A_167 : memref<1x78x128xi32, #tpu.memory_space<hbm>> -> memref<78x128xi32, #tpu.memory_space<hbm>>
      %dma_start3A_169 = arith.constant 0 : i32
      %dma_start3A_170 = arith.constant 0 : i32
      %dma_start3A_171 = tpu.memref_slice %arg6[%dma_start3A_169, %dma_start3A_170] : memref<79x128xi32, #tpu.memory_space<vmem>> -> memref<78x128xi32, #tpu.memory_space<vmem>>
      %dma_start3A_172 = arith.constant 0 : i32
      %dma_start3A_173 = tpu.memref_slice %arg3[%run_scoped3A, %add3A_10, %dma_start3A_172] : memref<2x2500x128xi32, #tpu.memory_space<hbm>> -> memref<1x78x128xi32, #tpu.memory_space<hbm>>
      %dma_start3A_174 = tpu.memref_squeeze %dma_start3A_173 : memref<1x78x128xi32, #tpu.memory_space<hbm>> -> memref<78x128xi32, #tpu.memory_space<hbm>>
      tpu.enqueue_dma source(%dma_start3A_174 : memref<78x128xi32, #tpu.memory_space<hbm>>) target(%dma_start3A_171 : memref<78x128xi32, #tpu.memory_space<vmem>>) target_semaphore(%run_scoped3A_162 : memref<!tpu.dma_semaphore, #tpu.memory_space<semaphore_mem>>)
      %dma_wait3A_175 = arith.constant 0 : i32
      %dma_wait3A_176 = arith.constant 0 : i32
      %dma_wait3A_177 = tpu.memref_slice %arg6[%dma_wait3A_175, %dma_wait3A_176] : memref<79x128xi32, #tpu.memory_space<vmem>> -> memref<78x128xi32, #tpu.memory_space<vmem>>
      %dma_wait3A_178 = arith.constant 0 : i32
      %dma_wait3A_179 = tpu.memref_slice %arg3[%run_scoped3A, %add3A_10, %dma_wait3A_178] : memref<2x2500x128xi32, #tpu.memory_space<hbm>> -> memref<1x78x128xi32, #tpu.memory_space<hbm>>
      %dma_wait3A_180 = tpu.memref_squeeze %dma_wait3A_179 : memref<1x78x128xi32, #tpu.memory_space<hbm>> -> memref<78x128xi32, #tpu.memory_space<hbm>>
      %dma_wait3A_181 = arith.constant 0 : i32
      %dma_wait3A_182 = arith.constant 0 : i32
      %dma_wait3A_183 = tpu.memref_slice %arg6[%dma_wait3A_181, %dma_wait3A_182] : memref<79x128xi32, #tpu.memory_space<vmem>> -> memref<78x128xi32, #tpu.memory_space<vmem>>
      %dma_wait3A_184 = arith.constant 0 : i32
      %dma_wait3A_185 = tpu.memref_slice %arg3[%run_scoped3A, %add3A_10, %dma_wait3A_184] : memref<2x2500x128xi32, #tpu.memory_space<hbm>> -> memref<1x78x128xi32, #tpu.memory_space<hbm>>
      %dma_wait3A_186 = tpu.memref_squeeze %dma_wait3A_185 : memref<1x78x128xi32, #tpu.memory_space<hbm>> -> memref<78x128xi32, #tpu.memory_space<hbm>>
      tpu.wait_dma2 semaphore(%run_scoped3A_162 : memref<!tpu.dma_semaphore, #tpu.memory_space<semaphore_mem>>) src(%dma_wait3A_186 : memref<78x128xi32, #tpu.memory_space<hbm>>) dst(%dma_wait3A_183 : memref<78x128xi32, #tpu.memory_space<vmem>>)
      tpu.yield
    }) : () -> ()
    %run_scoped3A_11 = arith.constant 1 : i32
    "tpu.region"() ({
      %run_scoped3A_162 = tpu.sem_alloc : memref<!tpu.dma_semaphore, #tpu.memory_space<semaphore_mem>>
      %dma_start3A_163 = arith.constant 0 : i32
      %dma_start3A_164 = arith.constant 0 : i32
      %dma_start3A_165 = tpu.memref_slice %arg7[%dma_start3A_163, %dma_start3A_164] : memref<79x128xi32, #tpu.memory_space<vmem>> -> memref<78x128xi32, #tpu.memory_space<vmem>>
      %dma_start3A_166 = arith.constant 0 : i32
      %dma_start3A_167 = tpu.memref_slice %arg3[%run_scoped3A_11, %add3A_10, %dma_start3A_166] : memref<2x2500x128xi32, #tpu.memory_space<hbm>> -> memref<1x78x128xi32, #tpu.memory_space<hbm>>
      %dma_start3A_168 = tpu.memref_squeeze %dma_start3A_167 : memref<1x78x128xi32, #tpu.memory_space<hbm>> -> memref<78x128xi32, #tpu.memory_space<hbm>>
      %dma_start3A_169 = arith.constant 0 : i32
      %dma_start3A_170 = arith.constant 0 : i32
      %dma_start3A_171 = tpu.memref_slice %arg7[%dma_start3A_169, %dma_start3A_170] : memref<79x128xi32, #tpu.memory_space<vmem>> -> memref<78x128xi32, #tpu.memory_space<vmem>>
      %dma_start3A_172 = arith.constant 0 : i32
      %dma_start3A_173 = tpu.memref_slice %arg3[%run_scoped3A_11, %add3A_10, %dma_start3A_172] : memref<2x2500x128xi32, #tpu.memory_space<hbm>> -> memref<1x78x128xi32, #tpu.memory_space<hbm>>
      %dma_start3A_174 = tpu.memref_squeeze %dma_start3A_173 : memref<1x78x128xi32, #tpu.memory_space<hbm>> -> memref<78x128xi32, #tpu.memory_space<hbm>>
      tpu.enqueue_dma source(%dma_start3A_174 : memref<78x128xi32, #tpu.memory_space<hbm>>) target(%dma_start3A_171 : memref<78x128xi32, #tpu.memory_space<vmem>>) target_semaphore(%run_scoped3A_162 : memref<!tpu.dma_semaphore, #tpu.memory_space<semaphore_mem>>)
      %dma_wait3A_175 = arith.constant 0 : i32
      %dma_wait3A_176 = arith.constant 0 : i32
      %dma_wait3A_177 = tpu.memref_slice %arg7[%dma_wait3A_175, %dma_wait3A_176] : memref<79x128xi32, #tpu.memory_space<vmem>> -> memref<78x128xi32, #tpu.memory_space<vmem>>
      %dma_wait3A_178 = arith.constant 0 : i32
      %dma_wait3A_179 = tpu.memref_slice %arg3[%run_scoped3A_11, %add3A_10, %dma_wait3A_178] : memref<2x2500x128xi32, #tpu.memory_space<hbm>> -> memref<1x78x128xi32, #tpu.memory_space<hbm>>
      %dma_wait3A_180 = tpu.memref_squeeze %dma_wait3A_179 : memref<1x78x128xi32, #tpu.memory_space<hbm>> -> memref<78x128xi32, #tpu.memory_space<hbm>>
      %dma_wait3A_181 = arith.constant 0 : i32
      %dma_wait3A_182 = arith.constant 0 : i32
      %dma_wait3A_183 = tpu.memref_slice %arg7[%dma_wait3A_181, %dma_wait3A_182] : memref<79x128xi32, #tpu.memory_space<vmem>> -> memref<78x128xi32, #tpu.memory_space<vmem>>
      %dma_wait3A_184 = arith.constant 0 : i32
      %dma_wait3A_185 = tpu.memref_slice %arg3[%run_scoped3A_11, %add3A_10, %dma_wait3A_184] : memref<2x2500x128xi32, #tpu.memory_space<hbm>> -> memref<1x78x128xi32, #tpu.memory_space<hbm>>
      %dma_wait3A_186 = tpu.memref_squeeze %dma_wait3A_185 : memref<1x78x128xi32, #tpu.memory_space<hbm>> -> memref<78x128xi32, #tpu.memory_space<hbm>>
      tpu.wait_dma2 semaphore(%run_scoped3A_162 : memref<!tpu.dma_semaphore, #tpu.memory_space<semaphore_mem>>) src(%dma_wait3A_186 : memref<78x128xi32, #tpu.memory_space<hbm>>) dst(%dma_wait3A_183 : memref<78x128xi32, #tpu.memory_space<vmem>>)
      tpu.yield
    }) : () -> ()
    %lt3A = arith.constant 4 : i32
    %lt3A_12 = arith.cmpi slt, %add3A, %lt3A : i32
    %convert_element_type3A = arith.extui %lt3A_12 : i1 to i32
    %cond3A = arith.constant 0 : i32
    %cond3A_13 = arith.cmpi ne, %convert_element_type3A, %cond3A : i32
    scf.if %cond3A_13 {
      %add3A_162 = arith.constant 78 : i32
      %add3A_163 = arith.addi %add3A_10, %add3A_162 : i32
      %run_scoped3A_164 = arith.constant 0 : i32
      "tpu.region"() ({
        %run_scoped3A_168 = tpu.sem_alloc : memref<!tpu.dma_semaphore, #tpu.memory_space<semaphore_mem>>
        %dma_start3A_169 = arith.constant 78 : i32
        %dma_start3A_170 = arith.constant 0 : i32
        %dma_start3A_171 = tpu.memref_slice %arg6[%dma_start3A_169, %dma_start3A_170] : memref<79x128xi32, #tpu.memory_space<vmem>> -> memref<1x128xi32, #tpu.memory_space<vmem>>
        %dma_start3A_172 = arith.constant 0 : i32
        %dma_start3A_173 = tpu.memref_slice %arg3[%run_scoped3A_164, %add3A_163, %dma_start3A_172] : memref<2x2500x128xi32, #tpu.memory_space<hbm>> -> memref<1x1x128xi32, #tpu.memory_space<hbm>>
        %dma_start3A_174 = tpu.memref_squeeze %dma_start3A_173 : memref<1x1x128xi32, #tpu.memory_space<hbm>> -> memref<1x128xi32, #tpu.memory_space<hbm>>
        %dma_start3A_175 = arith.constant 78 : i32
        %dma_start3A_176 = arith.constant 0 : i32
        %dma_start3A_177 = tpu.memref_slice %arg6[%dma_start3A_175, %dma_start3A_176] : memref<79x128xi32, #tpu.memory_space<vmem>> -> memref<1x128xi32, #tpu.memory_space<vmem>>
        %dma_start3A_178 = arith.constant 0 : i32
        %dma_start3A_179 = tpu.memref_slice %arg3[%run_scoped3A_164, %add3A_163, %dma_start3A_178] : memref<2x2500x128xi32, #tpu.memory_space<hbm>> -> memref<1x1x128xi32, #tpu.memory_space<hbm>>
        %dma_start3A_180 = tpu.memref_squeeze %dma_start3A_179 : memref<1x1x128xi32, #tpu.memory_space<hbm>> -> memref<1x128xi32, #tpu.memory_space<hbm>>
        tpu.enqueue_dma source(%dma_start3A_180 : memref<1x128xi32, #tpu.memory_space<hbm>>) target(%dma_start3A_177 : memref<1x128xi32, #tpu.memory_space<vmem>>) target_semaphore(%run_scoped3A_168 : memref<!tpu.dma_semaphore, #tpu.memory_space<semaphore_mem>>)
        %dma_wait3A_181 = arith.constant 78 : i32
        %dma_wait3A_182 = arith.constant 0 : i32
        %dma_wait3A_183 = tpu.memref_slice %arg6[%dma_wait3A_181, %dma_wait3A_182] : memref<79x128xi32, #tpu.memory_space<vmem>> -> memref<1x128xi32, #tpu.memory_space<vmem>>
        %dma_wait3A_184 = arith.constant 0 : i32
        %dma_wait3A_185 = tpu.memref_slice %arg3[%run_scoped3A_164, %add3A_163, %dma_wait3A_184] : memref<2x2500x128xi32, #tpu.memory_space<hbm>> -> memref<1x1x128xi32, #tpu.memory_space<hbm>>
        %dma_wait3A_186 = tpu.memref_squeeze %dma_wait3A_185 : memref<1x1x128xi32, #tpu.memory_space<hbm>> -> memref<1x128xi32, #tpu.memory_space<hbm>>
        %dma_wait3A_187 = arith.constant 78 : i32
        %dma_wait3A_188 = arith.constant 0 : i32
        %dma_wait3A_189 = tpu.memref_slice %arg6[%dma_wait3A_187, %dma_wait3A_188] : memref<79x128xi32, #tpu.memory_space<vmem>> -> memref<1x128xi32, #tpu.memory_space<vmem>>
        %dma_wait3A_190 = arith.constant 0 : i32
        %dma_wait3A_191 = tpu.memref_slice %arg3[%run_scoped3A_164, %add3A_163, %dma_wait3A_190] : memref<2x2500x128xi32, #tpu.memory_space<hbm>> -> memref<1x1x128xi32, #tpu.memory_space<hbm>>
        %dma_wait3A_192 = tpu.memref_squeeze %dma_wait3A_191 : memref<1x1x128xi32, #tpu.memory_space<hbm>> -> memref<1x128xi32, #tpu.memory_space<hbm>>
        tpu.wait_dma2 semaphore(%run_scoped3A_168 : memref<!tpu.dma_semaphore, #tpu.memory_space<semaphore_mem>>) src(%dma_wait3A_192 : memref<1x128xi32, #tpu.memory_space<hbm>>) dst(%dma_wait3A_189 : memref<1x128xi32, #tpu.memory_space<vmem>>)
        tpu.yield
      }) : () -> ()
      %add3A_165 = arith.constant 78 : i32
      %add3A_166 = arith.addi %add3A_10, %add3A_165 : i32
      %run_scoped3A_167 = arith.constant 1 : i32
      "tpu.region"() ({
        %run_scoped3A_168 = tpu.sem_alloc : memref<!tpu.dma_semaphore, #tpu.memory_space<semaphore_mem>>
        %dma_start3A_169 = arith.constant 78 : i32
        %dma_start3A_170 = arith.constant 0 : i32
        %dma_start3A_171 = tpu.memref_slice %arg7[%dma_start3A_169, %dma_start3A_170] : memref<79x128xi32, #tpu.memory_space<vmem>> -> memref<1x128xi32, #tpu.memory_space<vmem>>
        %dma_start3A_172 = arith.constant 0 : i32
        %dma_start3A_173 = tpu.memref_slice %arg3[%run_scoped3A_167, %add3A_166, %dma_start3A_172] : memref<2x2500x128xi32, #tpu.memory_space<hbm>> -> memref<1x1x128xi32, #tpu.memory_space<hbm>>
        %dma_start3A_174 = tpu.memref_squeeze %dma_start3A_173 : memref<1x1x128xi32, #tpu.memory_space<hbm>> -> memref<1x128xi32, #tpu.memory_space<hbm>>
        %dma_start3A_175 = arith.constant 78 : i32
        %dma_start3A_176 = arith.constant 0 : i32
        %dma_start3A_177 = tpu.memref_slice %arg7[%dma_start3A_175, %dma_start3A_176] : memref<79x128xi32, #tpu.memory_space<vmem>> -> memref<1x128xi32, #tpu.memory_space<vmem>>
        %dma_start3A_178 = arith.constant 0 : i32
        %dma_start3A_179 = tpu.memref_slice %arg3[%run_scoped3A_167, %add3A_166, %dma_start3A_178] : memref<2x2500x128xi32, #tpu.memory_space<hbm>> -> memref<1x1x128xi32, #tpu.memory_space<hbm>>
        %dma_start3A_180 = tpu.memref_squeeze %dma_start3A_179 : memref<1x1x128xi32, #tpu.memory_space<hbm>> -> memref<1x128xi32, #tpu.memory_space<hbm>>
        tpu.enqueue_dma source(%dma_start3A_180 : memref<1x128xi32, #tpu.memory_space<hbm>>) target(%dma_start3A_177 : memref<1x128xi32, #tpu.memory_space<vmem>>) target_semaphore(%run_scoped3A_168 : memref<!tpu.dma_semaphore, #tpu.memory_space<semaphore_mem>>)
        %dma_wait3A_181 = arith.constant 78 : i32
        %dma_wait3A_182 = arith.constant 0 : i32
        %dma_wait3A_183 = tpu.memref_slice %arg7[%dma_wait3A_181, %dma_wait3A_182] : memref<79x128xi32, #tpu.memory_space<vmem>> -> memref<1x128xi32, #tpu.memory_space<vmem>>
        %dma_wait3A_184 = arith.constant 0 : i32
        %dma_wait3A_185 = tpu.memref_slice %arg3[%run_scoped3A_167, %add3A_166, %dma_wait3A_184] : memref<2x2500x128xi32, #tpu.memory_space<hbm>> -> memref<1x1x128xi32, #tpu.memory_space<hbm>>
        %dma_wait3A_186 = tpu.memref_squeeze %dma_wait3A_185 : memref<1x1x128xi32, #tpu.memory_space<hbm>> -> memref<1x128xi32, #tpu.memory_space<hbm>>
        %dma_wait3A_187 = arith.constant 78 : i32
        %dma_wait3A_188 = arith.constant 0 : i32
        %dma_wait3A_189 = tpu.memref_slice %arg7[%dma_wait3A_187, %dma_wait3A_188] : memref<79x128xi32, #tpu.memory_space<vmem>> -> memref<1x128xi32, #tpu.memory_space<vmem>>
        %dma_wait3A_190 = arith.constant 0 : i32
        %dma_wait3A_191 = tpu.memref_slice %arg3[%run_scoped3A_167, %add3A_166, %dma_wait3A_190] : memref<2x2500x128xi32, #tpu.memory_space<hbm>> -> memref<1x1x128xi32, #tpu.memory_space<hbm>>
        %dma_wait3A_192 = tpu.memref_squeeze %dma_wait3A_191 : memref<1x1x128xi32, #tpu.memory_space<hbm>> -> memref<1x128xi32, #tpu.memory_space<hbm>>
        tpu.wait_dma2 semaphore(%run_scoped3A_168 : memref<!tpu.dma_semaphore, #tpu.memory_space<semaphore_mem>>) src(%dma_wait3A_192 : memref<1x128xi32, #tpu.memory_space<hbm>>) dst(%dma_wait3A_189 : memref<1x128xi32, #tpu.memory_space<vmem>>)
        tpu.yield
      }) : () -> ()
    } else {
    }
    %barrier3A = arith.constant 0 : index
    tpu.barrier barrier_id(%barrier3A)
    %lt3A_14 = arith.constant 4 : i32
    %lt3A_15 = arith.cmpi slt, %add3A, %lt3A_14 : i32
    %dma_start3A = arith.constant 0 : i32
    %dma_start3A_16 = arith.constant 0 : i32
    %dma_start3A_17 = arith.constant 0 : i32
    %dma_start3A_18 = arith.constant 0 : i32
    %dma_start3A_19 = arith.constant 0 : i32
    %dma_start3A_20 = tpu.memref_slice %arg8[%dma_start3A_16, %dma_start3A_18, %dma_start3A_19] : memref<6x128x16xf32, #tpu.memory_space<vmem>> -> memref<1x128x16xf32, #tpu.memory_space<vmem>>
    %dma_start3A_21 = tpu.memref_squeeze %dma_start3A_20 : memref<1x128x16xf32, #tpu.memory_space<vmem>> -> memref<128x16xf32, #tpu.memory_space<vmem>>
    %dma_start3A_22 = arith.constant 0 : i32
    %dma_start3A_23 = tpu.memref_slice %arg6[%dma_start3A, %dma_start3A_22] : memref<79x128xi32, #tpu.memory_space<vmem>> -> memref<1x128xi32, #tpu.memory_space<vmem>>
    %dma_start3A_24 = tpu.memref_squeeze %dma_start3A_23 : memref<1x128xi32, #tpu.memory_space<vmem>> -> memref<128xi32, #tpu.memory_space<vmem>>
    %dma_start3A_25 = arith.constant 0 : i32
    %dma_start3A_26 = arith.constant 0 : i32
    %dma_start3A_27 = tpu.memref_slice %arg12[%dma_start3A_25, %dma_start3A_26] : memref<10000x16xf32, #tpu.memory_space<vmem_shared>> -> memref<10000x16xf32, #tpu.memory_space<vmem_shared>>
    %dma_start3A_28 = tpu.memref_slice %arg10[%dma_start3A_17] : memref<6x!tpu.dma_semaphore, #tpu.memory_space<semaphore_mem>> -> memref<1x!tpu.dma_semaphore, #tpu.memory_space<semaphore_mem>>
    %dma_start3A_29 = tpu.memref_squeeze %dma_start3A_28 : memref<1x!tpu.dma_semaphore, #tpu.memory_space<semaphore_mem>> -> memref<!tpu.dma_semaphore, #tpu.memory_space<semaphore_mem>>
    tpu.enqueue_indirect_dma source(%dma_start3A_27 : memref<10000x16xf32, #tpu.memory_space<vmem_shared>>) target(%dma_start3A_21 : memref<128x16xf32, #tpu.memory_space<vmem>>) offsets(%dma_start3A_24 : memref<128xi32, #tpu.memory_space<vmem>>) semaphore(%dma_start3A_29 : memref<!tpu.dma_semaphore, #tpu.memory_space<semaphore_mem>>)
    %dma_start3A_30 = arith.constant 1 : i32
    %dma_start3A_31 = arith.constant 1 : i32
    %dma_start3A_32 = arith.constant 1 : i32
    %dma_start3A_33 = arith.constant 0 : i32
    %dma_start3A_34 = arith.constant 0 : i32
    %dma_start3A_35 = tpu.memref_slice %arg8[%dma_start3A_31, %dma_start3A_33, %dma_start3A_34] : memref<6x128x16xf32, #tpu.memory_space<vmem>> -> memref<1x128x16xf32, #tpu.memory_space<vmem>>
    %dma_start3A_36 = tpu.memref_squeeze %dma_start3A_35 : memref<1x128x16xf32, #tpu.memory_space<vmem>> -> memref<128x16xf32, #tpu.memory_space<vmem>>
    %dma_start3A_37 = arith.constant 0 : i32
    %dma_start3A_38 = tpu.memref_slice %arg6[%dma_start3A_30, %dma_start3A_37] : memref<79x128xi32, #tpu.memory_space<vmem>> -> memref<1x128xi32, #tpu.memory_space<vmem>>
    %dma_start3A_39 = tpu.memref_squeeze %dma_start3A_38 : memref<1x128xi32, #tpu.memory_space<vmem>> -> memref<128xi32, #tpu.memory_space<vmem>>
    %dma_start3A_40 = arith.constant 0 : i32
    %dma_start3A_41 = arith.constant 0 : i32
    %dma_start3A_42 = tpu.memref_slice %arg12[%dma_start3A_40, %dma_start3A_41] : memref<10000x16xf32, #tpu.memory_space<vmem_shared>> -> memref<10000x16xf32, #tpu.memory_space<vmem_shared>>
    %dma_start3A_43 = tpu.memref_slice %arg10[%dma_start3A_32] : memref<6x!tpu.dma_semaphore, #tpu.memory_space<semaphore_mem>> -> memref<1x!tpu.dma_semaphore, #tpu.memory_space<semaphore_mem>>
    %dma_start3A_44 = tpu.memref_squeeze %dma_start3A_43 : memref<1x!tpu.dma_semaphore, #tpu.memory_space<semaphore_mem>> -> memref<!tpu.dma_semaphore, #tpu.memory_space<semaphore_mem>>
    tpu.enqueue_indirect_dma source(%dma_start3A_42 : memref<10000x16xf32, #tpu.memory_space<vmem_shared>>) target(%dma_start3A_36 : memref<128x16xf32, #tpu.memory_space<vmem>>) offsets(%dma_start3A_39 : memref<128xi32, #tpu.memory_space<vmem>>) semaphore(%dma_start3A_44 : memref<!tpu.dma_semaphore, #tpu.memory_space<semaphore_mem>>)
    %dma_start3A_45 = arith.constant 2 : i32
    %dma_start3A_46 = arith.constant 2 : i32
    %dma_start3A_47 = arith.constant 2 : i32
    %dma_start3A_48 = arith.constant 0 : i32
    %dma_start3A_49 = arith.constant 0 : i32
    %dma_start3A_50 = tpu.memref_slice %arg8[%dma_start3A_46, %dma_start3A_48, %dma_start3A_49] : memref<6x128x16xf32, #tpu.memory_space<vmem>> -> memref<1x128x16xf32, #tpu.memory_space<vmem>>
    %dma_start3A_51 = tpu.memref_squeeze %dma_start3A_50 : memref<1x128x16xf32, #tpu.memory_space<vmem>> -> memref<128x16xf32, #tpu.memory_space<vmem>>
    %dma_start3A_52 = arith.constant 0 : i32
    %dma_start3A_53 = tpu.memref_slice %arg6[%dma_start3A_45, %dma_start3A_52] : memref<79x128xi32, #tpu.memory_space<vmem>> -> memref<1x128xi32, #tpu.memory_space<vmem>>
    %dma_start3A_54 = tpu.memref_squeeze %dma_start3A_53 : memref<1x128xi32, #tpu.memory_space<vmem>> -> memref<128xi32, #tpu.memory_space<vmem>>
    %dma_start3A_55 = arith.constant 0 : i32
    %dma_start3A_56 = arith.constant 0 : i32
    %dma_start3A_57 = tpu.memref_slice %arg12[%dma_start3A_55, %dma_start3A_56] : memref<10000x16xf32, #tpu.memory_space<vmem_shared>> -> memref<10000x16xf32, #tpu.memory_space<vmem_shared>>
    %dma_start3A_58 = tpu.memref_slice %arg10[%dma_start3A_47] : memref<6x!tpu.dma_semaphore, #tpu.memory_space<semaphore_mem>> -> memref<1x!tpu.dma_semaphore, #tpu.memory_space<semaphore_mem>>
    %dma_start3A_59 = tpu.memref_squeeze %dma_start3A_58 : memref<1x!tpu.dma_semaphore, #tpu.memory_space<semaphore_mem>> -> memref<!tpu.dma_semaphore, #tpu.memory_space<semaphore_mem>>
    tpu.enqueue_indirect_dma source(%dma_start3A_57 : memref<10000x16xf32, #tpu.memory_space<vmem_shared>>) target(%dma_start3A_51 : memref<128x16xf32, #tpu.memory_space<vmem>>) offsets(%dma_start3A_54 : memref<128xi32, #tpu.memory_space<vmem>>) semaphore(%dma_start3A_59 : memref<!tpu.dma_semaphore, #tpu.memory_space<semaphore_mem>>)
    %scan3A = arith.constant 0 : i32
    %scan3A_60 = arith.constant 0 : i32
    %scan3A_61 = arith.constant 13 : i32
    %scan3A_62 = arith.addi %scan3A_60, %scan3A_61 : i32
    %scan3A_63 = arith.constant 1 : i32
    scf.for %scan3A_162 = %scan3A_60 to %scan3A_62 step %scan3A_63  : i32 {
      %mul3A_163 = arith.constant 6 : i32
      %mul3A_164 = arith.muli %scan3A_162, %mul3A_163 : i32
      %add3A_165 = arith.constant 0 : i32
      %add3A_166 = arith.addi %mul3A_164, %add3A_165 : i32
      %dma_wait3A_167 = arith.constant 0 : i32
      %dma_wait3A_168 = arith.constant 0 : i32
      %dma_wait3A_169 = arith.constant 0 : i32
      %dma_wait3A_170 = arith.constant 0 : i32
      %dma_wait3A_171 = tpu.memref_slice %arg8[%dma_wait3A_167, %dma_wait3A_169, %dma_wait3A_170] : memref<6x128x16xf32, #tpu.memory_space<vmem>> -> memref<1x128x16xf32, #tpu.memory_space<vmem>>
      %dma_wait3A_172 = tpu.memref_squeeze %dma_wait3A_171 : memref<1x128x16xf32, #tpu.memory_space<vmem>> -> memref<128x16xf32, #tpu.memory_space<vmem>>
      %dma_wait3A_173 = arith.constant 0 : i32
      %dma_wait3A_174 = tpu.memref_slice %arg6[%add3A_166, %dma_wait3A_173] : memref<79x128xi32, #tpu.memory_space<vmem>> -> memref<1x128xi32, #tpu.memory_space<vmem>>
      %dma_wait3A_175 = tpu.memref_squeeze %dma_wait3A_174 : memref<1x128xi32, #tpu.memory_space<vmem>> -> memref<128xi32, #tpu.memory_space<vmem>>
      %dma_wait3A_176 = arith.constant 0 : i32
      %dma_wait3A_177 = arith.constant 0 : i32
      %dma_wait3A_178 = tpu.memref_slice %arg12[%dma_wait3A_176, %dma_wait3A_177] : memref<10000x16xf32, #tpu.memory_space<vmem_shared>> -> memref<10000x16xf32, #tpu.memory_space<vmem_shared>>
      %dma_wait3A_179 = tpu.memref_slice %arg10[%dma_wait3A_168] : memref<6x!tpu.dma_semaphore, #tpu.memory_space<semaphore_mem>> -> memref<1x!tpu.dma_semaphore, #tpu.memory_space<semaphore_mem>>
      %dma_wait3A_180 = tpu.memref_squeeze %dma_wait3A_179 : memref<1x!tpu.dma_semaphore, #tpu.memory_space<semaphore_mem>> -> memref<!tpu.dma_semaphore, #tpu.memory_space<semaphore_mem>>
      tpu.wait_indirect_dma semaphore(%dma_wait3A_180 : memref<!tpu.dma_semaphore, #tpu.memory_space<semaphore_mem>>) src(%dma_wait3A_178 : memref<10000x16xf32, #tpu.memory_space<vmem_shared>>) dst(%dma_wait3A_172 : memref<128x16xf32, #tpu.memory_space<vmem>>)
      %dma_start3A_181 = arith.constant 0 : i32
      %dma_start3A_182 = arith.constant 0 : i32
      %dma_start3A_183 = arith.constant 0 : i32
      %dma_start3A_184 = arith.constant 0 : i32
      %dma_start3A_185 = tpu.memref_slice %arg8[%dma_start3A_181, %dma_start3A_183, %dma_start3A_184] : memref<6x128x16xf32, #tpu.memory_space<vmem>> -> memref<1x128x16xf32, #tpu.memory_space<vmem>>
      %dma_start3A_186 = tpu.memref_squeeze %dma_start3A_185 : memref<1x128x16xf32, #tpu.memory_space<vmem>> -> memref<128x16xf32, #tpu.memory_space<vmem>>
      %dma_start3A_187 = arith.constant 0 : i32
      %dma_start3A_188 = tpu.memref_slice %arg7[%add3A_166, %dma_start3A_187] : memref<79x128xi32, #tpu.memory_space<vmem>> -> memref<1x128xi32, #tpu.memory_space<vmem>>
      %dma_start3A_189 = tpu.memref_squeeze %dma_start3A_188 : memref<1x128xi32, #tpu.memory_space<vmem>> -> memref<128xi32, #tpu.memory_space<vmem>>
      %dma_start3A_190 = arith.constant 0 : i32
      %dma_start3A_191 = arith.constant 0 : i32
      %dma_start3A_192 = tpu.memref_slice %arg9[%dma_start3A_190, %dma_start3A_191] : memref<10240x16xf32, #tpu.memory_space<vmem_shared>> -> memref<10240x16xf32, #tpu.memory_space<vmem_shared>>
      %dma_start3A_193 = tpu.memref_slice %arg11[%dma_start3A_182] : memref<6x!tpu.dma_semaphore, #tpu.memory_space<semaphore_mem>> -> memref<1x!tpu.dma_semaphore, #tpu.memory_space<semaphore_mem>>
      %dma_start3A_194 = tpu.memref_squeeze %dma_start3A_193 : memref<1x!tpu.dma_semaphore, #tpu.memory_space<semaphore_mem>> -> memref<!tpu.dma_semaphore, #tpu.memory_space<semaphore_mem>>
      tpu.enqueue_indirect_dma source(%dma_start3A_186 : memref<128x16xf32, #tpu.memory_space<vmem>>) target(%dma_start3A_192 : memref<10240x16xf32, #tpu.memory_space<vmem_shared>>) offsets(%dma_start3A_189 : memref<128xi32, #tpu.memory_space<vmem>>) semaphore(%dma_start3A_194 : memref<!tpu.dma_semaphore, #tpu.memory_space<semaphore_mem>>) {add = true}
      %add3A_195 = arith.constant 3 : i32
      %add3A_196 = arith.addi %add3A_166, %add3A_195 : i32
      %lt3A_197 = arith.constant 78 : i32
      %lt3A_198 = arith.cmpi slt, %add3A_196, %lt3A_197 : i32
      %convert_element_type3A_199 = arith.extui %lt3A_198 : i1 to i32
      %cond3A_200 = arith.constant 0 : i32
      %cond3A_201 = arith.cmpi ne, %convert_element_type3A_199, %cond3A_200 : i32
      scf.if %cond3A_201 {
        %ge3A = arith.constant 3 : i32
        %ge3A_397 = arith.cmpi sge, %add3A_166, %ge3A : i32
        %convert_element_type3A_398 = arith.extui %ge3A_397 : i1 to i32
        %cond3A_399 = arith.constant 0 : i32
        %cond3A_400 = arith.cmpi ne, %convert_element_type3A_398, %cond3A_399 : i32
        scf.if %cond3A_400 {
          %sub3A = arith.constant 3 : i32
          %sub3A_417 = arith.subi %add3A_166, %sub3A : i32
          %dma_wait3A_418 = arith.constant 3 : i32
          %dma_wait3A_419 = arith.constant 3 : i32
          %dma_wait3A_420 = arith.constant 0 : i32
          %dma_wait3A_421 = arith.constant 0 : i32
          %dma_wait3A_422 = tpu.memref_slice %arg8[%dma_wait3A_418, %dma_wait3A_420, %dma_wait3A_421] : memref<6x128x16xf32, #tpu.memory_space<vmem>> -> memref<1x128x16xf32, #tpu.memory_space<vmem>>
          %dma_wait3A_423 = tpu.memref_squeeze %dma_wait3A_422 : memref<1x128x16xf32, #tpu.memory_space<vmem>> -> memref<128x16xf32, #tpu.memory_space<vmem>>
          %dma_wait3A_424 = arith.constant 0 : i32
          %dma_wait3A_425 = tpu.memref_slice %arg7[%sub3A_417, %dma_wait3A_424] : memref<79x128xi32, #tpu.memory_space<vmem>> -> memref<1x128xi32, #tpu.memory_space<vmem>>
          %dma_wait3A_426 = tpu.memref_squeeze %dma_wait3A_425 : memref<1x128xi32, #tpu.memory_space<vmem>> -> memref<128xi32, #tpu.memory_space<vmem>>
          %dma_wait3A_427 = arith.constant 0 : i32
          %dma_wait3A_428 = arith.constant 0 : i32
          %dma_wait3A_429 = tpu.memref_slice %arg9[%dma_wait3A_427, %dma_wait3A_428] : memref<10240x16xf32, #tpu.memory_space<vmem_shared>> -> memref<10240x16xf32, #tpu.memory_space<vmem_shared>>
          %dma_wait3A_430 = tpu.memref_slice %arg11[%dma_wait3A_419] : memref<6x!tpu.dma_semaphore, #tpu.memory_space<semaphore_mem>> -> memref<1x!tpu.dma_semaphore, #tpu.memory_space<semaphore_mem>>
          %dma_wait3A_431 = tpu.memref_squeeze %dma_wait3A_430 : memref<1x!tpu.dma_semaphore, #tpu.memory_space<semaphore_mem>> -> memref<!tpu.dma_semaphore, #tpu.memory_space<semaphore_mem>>
          tpu.wait_indirect_dma semaphore(%dma_wait3A_431 : memref<!tpu.dma_semaphore, #tpu.memory_space<semaphore_mem>>) src(%dma_wait3A_423 : memref<128x16xf32, #tpu.memory_space<vmem>>) dst(%dma_wait3A_429 : memref<10240x16xf32, #tpu.memory_space<vmem_shared>>)
        } else {
        }
        %add3A_401 = arith.constant 3 : i32
        %add3A_402 = arith.addi %add3A_166, %add3A_401 : i32
        %dma_start3A_403 = arith.constant 3 : i32
        %dma_start3A_404 = arith.constant 3 : i32
        %dma_start3A_405 = arith.constant 0 : i32
        %dma_start3A_406 = arith.constant 0 : i32
        %dma_start3A_407 = tpu.memref_slice %arg8[%dma_start3A_403, %dma_start3A_405, %dma_start3A_406] : memref<6x128x16xf32, #tpu.memory_space<vmem>> -> memref<1x128x16xf32, #tpu.memory_space<vmem>>
        %dma_start3A_408 = tpu.memref_squeeze %dma_start3A_407 : memref<1x128x16xf32, #tpu.memory_space<vmem>> -> memref<128x16xf32, #tpu.memory_space<vmem>>
        %dma_start3A_409 = arith.constant 0 : i32
        %dma_start3A_410 = tpu.memref_slice %arg6[%add3A_402, %dma_start3A_409] : memref<79x128xi32, #tpu.memory_space<vmem>> -> memref<1x128xi32, #tpu.memory_space<vmem>>
        %dma_start3A_411 = tpu.memref_squeeze %dma_start3A_410 : memref<1x128xi32, #tpu.memory_space<vmem>> -> memref<128xi32, #tpu.memory_space<vmem>>
        %dma_start3A_412 = arith.constant 0 : i32
        %dma_start3A_413 = arith.constant 0 : i32
        %dma_start3A_414 = tpu.memref_slice %arg12[%dma_start3A_412, %dma_start3A_413] : memref<10000x16xf32, #tpu.memory_space<vmem_shared>> -> memref<10000x16xf32, #tpu.memory_space<vmem_shared>>
        %dma_start3A_415 = tpu.memref_slice %arg10[%dma_start3A_404] : memref<6x!tpu.dma_semaphore, #tpu.memory_space<semaphore_mem>> -> memref<1x!tpu.dma_semaphore, #tpu.memory_space<semaphore_mem>>
        %dma_start3A_416 = tpu.memref_squeeze %dma_start3A_415 : memref<1x!tpu.dma_semaphore, #tpu.memory_space<semaphore_mem>> -> memref<!tpu.dma_semaphore, #tpu.memory_space<semaphore_mem>>
        tpu.enqueue_indirect_dma source(%dma_start3A_414 : memref<10000x16xf32, #tpu.memory_space<vmem_shared>>) target(%dma_start3A_408 : memref<128x16xf32, #tpu.memory_space<vmem>>) offsets(%dma_start3A_411 : memref<128xi32, #tpu.memory_space<vmem>>) semaphore(%dma_start3A_416 : memref<!tpu.dma_semaphore, #tpu.memory_space<semaphore_mem>>)
      } else {
      }
      %mul3A_202 = arith.constant 6 : i32
      %mul3A_203 = arith.muli %scan3A_162, %mul3A_202 : i32
      %add3A_204 = arith.constant 1 : i32
      %add3A_205 = arith.addi %mul3A_203, %add3A_204 : i32
      %dma_wait3A_206 = arith.constant 1 : i32
      %dma_wait3A_207 = arith.constant 1 : i32
      %dma_wait3A_208 = arith.constant 0 : i32
      %dma_wait3A_209 = arith.constant 0 : i32
      %dma_wait3A_210 = tpu.memref_slice %arg8[%dma_wait3A_206, %dma_wait3A_208, %dma_wait3A_209] : memref<6x128x16xf32, #tpu.memory_space<vmem>> -> memref<1x128x16xf32, #tpu.memory_space<vmem>>
      %dma_wait3A_211 = tpu.memref_squeeze %dma_wait3A_210 : memref<1x128x16xf32, #tpu.memory_space<vmem>> -> memref<128x16xf32, #tpu.memory_space<vmem>>
      %dma_wait3A_212 = arith.constant 0 : i32
      %dma_wait3A_213 = tpu.memref_slice %arg6[%add3A_205, %dma_wait3A_212] : memref<79x128xi32, #tpu.memory_space<vmem>> -> memref<1x128xi32, #tpu.memory_space<vmem>>
      %dma_wait3A_214 = tpu.memref_squeeze %dma_wait3A_213 : memref<1x128xi32, #tpu.memory_space<vmem>> -> memref<128xi32, #tpu.memory_space<vmem>>
      %dma_wait3A_215 = arith.constant 0 : i32
      %dma_wait3A_216 = arith.constant 0 : i32
      %dma_wait3A_217 = tpu.memref_slice %arg12[%dma_wait3A_215, %dma_wait3A_216] : memref<10000x16xf32, #tpu.memory_space<vmem_shared>> -> memref<10000x16xf32, #tpu.memory_space<vmem_shared>>
      %dma_wait3A_218 = tpu.memref_slice %arg10[%dma_wait3A_207] : memref<6x!tpu.dma_semaphore, #tpu.memory_space<semaphore_mem>> -> memref<1x!tpu.dma_semaphore, #tpu.memory_space<semaphore_mem>>
      %dma_wait3A_219 = tpu.memref_squeeze %dma_wait3A_218 : memref<1x!tpu.dma_semaphore, #tpu.memory_space<semaphore_mem>> -> memref<!tpu.dma_semaphore, #tpu.memory_space<semaphore_mem>>
      tpu.wait_indirect_dma semaphore(%dma_wait3A_219 : memref<!tpu.dma_semaphore, #tpu.memory_space<semaphore_mem>>) src(%dma_wait3A_217 : memref<10000x16xf32, #tpu.memory_space<vmem_shared>>) dst(%dma_wait3A_211 : memref<128x16xf32, #tpu.memory_space<vmem>>)
      %dma_start3A_220 = arith.constant 1 : i32
      %dma_start3A_221 = arith.constant 1 : i32
      %dma_start3A_222 = arith.constant 0 : i32
      %dma_start3A_223 = arith.constant 0 : i32
      %dma_start3A_224 = tpu.memref_slice %arg8[%dma_start3A_220, %dma_start3A_222, %dma_start3A_223] : memref<6x128x16xf32, #tpu.memory_space<vmem>> -> memref<1x128x16xf32, #tpu.memory_space<vmem>>
      %dma_start3A_225 = tpu.memref_squeeze %dma_start3A_224 : memref<1x128x16xf32, #tpu.memory_space<vmem>> -> memref<128x16xf32, #tpu.memory_space<vmem>>
      %dma_start3A_226 = arith.constant 0 : i32
      %dma_start3A_227 = tpu.memref_slice %arg7[%add3A_205, %dma_start3A_226] : memref<79x128xi32, #tpu.memory_space<vmem>> -> memref<1x128xi32, #tpu.memory_space<vmem>>
      %dma_start3A_228 = tpu.memref_squeeze %dma_start3A_227 : memref<1x128xi32, #tpu.memory_space<vmem>> -> memref<128xi32, #tpu.memory_space<vmem>>
      %dma_start3A_229 = arith.constant 0 : i32
      %dma_start3A_230 = arith.constant 0 : i32
      %dma_start3A_231 = tpu.memref_slice %arg9[%dma_start3A_229, %dma_start3A_230] : memref<10240x16xf32, #tpu.memory_space<vmem_shared>> -> memref<10240x16xf32, #tpu.memory_space<vmem_shared>>
      %dma_start3A_232 = tpu.memref_slice %arg11[%dma_start3A_221] : memref<6x!tpu.dma_semaphore, #tpu.memory_space<semaphore_mem>> -> memref<1x!tpu.dma_semaphore, #tpu.memory_space<semaphore_mem>>
      %dma_start3A_233 = tpu.memref_squeeze %dma_start3A_232 : memref<1x!tpu.dma_semaphore, #tpu.memory_space<semaphore_mem>> -> memref<!tpu.dma_semaphore, #tpu.memory_space<semaphore_mem>>
      tpu.enqueue_indirect_dma source(%dma_start3A_225 : memref<128x16xf32, #tpu.memory_space<vmem>>) target(%dma_start3A_231 : memref<10240x16xf32, #tpu.memory_space<vmem_shared>>) offsets(%dma_start3A_228 : memref<128xi32, #tpu.memory_space<vmem>>) semaphore(%dma_start3A_233 : memref<!tpu.dma_semaphore, #tpu.memory_space<semaphore_mem>>) {add = true}
      %add3A_234 = arith.constant 3 : i32
      %add3A_235 = arith.addi %add3A_205, %add3A_234 : i32
      %lt3A_236 = arith.constant 78 : i32
      %lt3A_237 = arith.cmpi slt, %add3A_235, %lt3A_236 : i32
      %convert_element_type3A_238 = arith.extui %lt3A_237 : i1 to i32
      %cond3A_239 = arith.constant 0 : i32
      %cond3A_240 = arith.cmpi ne, %convert_element_type3A_238, %cond3A_239 : i32
      scf.if %cond3A_240 {
        %ge3A = arith.constant 3 : i32
        %ge3A_397 = arith.cmpi sge, %add3A_205, %ge3A : i32
        %convert_element_type3A_398 = arith.extui %ge3A_397 : i1 to i32
        %cond3A_399 = arith.constant 0 : i32
        %cond3A_400 = arith.cmpi ne, %convert_element_type3A_398, %cond3A_399 : i32
        scf.if %cond3A_400 {
          %sub3A = arith.constant 3 : i32
          %sub3A_417 = arith.subi %add3A_205, %sub3A : i32
          %dma_wait3A_418 = arith.constant 4 : i32
          %dma_wait3A_419 = arith.constant 4 : i32
          %dma_wait3A_420 = arith.constant 0 : i32
          %dma_wait3A_421 = arith.constant 0 : i32
          %dma_wait3A_422 = tpu.memref_slice %arg8[%dma_wait3A_418, %dma_wait3A_420, %dma_wait3A_421] : memref<6x128x16xf32, #tpu.memory_space<vmem>> -> memref<1x128x16xf32, #tpu.memory_space<vmem>>
          %dma_wait3A_423 = tpu.memref_squeeze %dma_wait3A_422 : memref<1x128x16xf32, #tpu.memory_space<vmem>> -> memref<128x16xf32, #tpu.memory_space<vmem>>
          %dma_wait3A_424 = arith.constant 0 : i32
          %dma_wait3A_425 = tpu.memref_slice %arg7[%sub3A_417, %dma_wait3A_424] : memref<79x128xi32, #tpu.memory_space<vmem>> -> memref<1x128xi32, #tpu.memory_space<vmem>>
          %dma_wait3A_426 = tpu.memref_squeeze %dma_wait3A_425 : memref<1x128xi32, #tpu.memory_space<vmem>> -> memref<128xi32, #tpu.memory_space<vmem>>
          %dma_wait3A_427 = arith.constant 0 : i32
          %dma_wait3A_428 = arith.constant 0 : i32
          %dma_wait3A_429 = tpu.memref_slice %arg9[%dma_wait3A_427, %dma_wait3A_428] : memref<10240x16xf32, #tpu.memory_space<vmem_shared>> -> memref<10240x16xf32, #tpu.memory_space<vmem_shared>>
          %dma_wait3A_430 = tpu.memref_slice %arg11[%dma_wait3A_419] : memref<6x!tpu.dma_semaphore, #tpu.memory_space<semaphore_mem>> -> memref<1x!tpu.dma_semaphore, #tpu.memory_space<semaphore_mem>>
          %dma_wait3A_431 = tpu.memref_squeeze %dma_wait3A_430 : memref<1x!tpu.dma_semaphore, #tpu.memory_space<semaphore_mem>> -> memref<!tpu.dma_semaphore, #tpu.memory_space<semaphore_mem>>
          tpu.wait_indirect_dma semaphore(%dma_wait3A_431 : memref<!tpu.dma_semaphore, #tpu.memory_space<semaphore_mem>>) src(%dma_wait3A_423 : memref<128x16xf32, #tpu.memory_space<vmem>>) dst(%dma_wait3A_429 : memref<10240x16xf32, #tpu.memory_space<vmem_shared>>)
        } else {
        }
        %add3A_401 = arith.constant 3 : i32
        %add3A_402 = arith.addi %add3A_205, %add3A_401 : i32
        %dma_start3A_403 = arith.constant 4 : i32
        %dma_start3A_404 = arith.constant 4 : i32
        %dma_start3A_405 = arith.constant 0 : i32
        %dma_start3A_406 = arith.constant 0 : i32
        %dma_start3A_407 = tpu.memref_slice %arg8[%dma_start3A_403, %dma_start3A_405, %dma_start3A_406] : memref<6x128x16xf32, #tpu.memory_space<vmem>> -> memref<1x128x16xf32, #tpu.memory_space<vmem>>
        %dma_start3A_408 = tpu.memref_squeeze %dma_start3A_407 : memref<1x128x16xf32, #tpu.memory_space<vmem>> -> memref<128x16xf32, #tpu.memory_space<vmem>>
        %dma_start3A_409 = arith.constant 0 : i32
        %dma_start3A_410 = tpu.memref_slice %arg6[%add3A_402, %dma_start3A_409] : memref<79x128xi32, #tpu.memory_space<vmem>> -> memref<1x128xi32, #tpu.memory_space<vmem>>
        %dma_start3A_411 = tpu.memref_squeeze %dma_start3A_410 : memref<1x128xi32, #tpu.memory_space<vmem>> -> memref<128xi32, #tpu.memory_space<vmem>>
        %dma_start3A_412 = arith.constant 0 : i32
        %dma_start3A_413 = arith.constant 0 : i32
        %dma_start3A_414 = tpu.memref_slice %arg12[%dma_start3A_412, %dma_start3A_413] : memref<10000x16xf32, #tpu.memory_space<vmem_shared>> -> memref<10000x16xf32, #tpu.memory_space<vmem_shared>>
        %dma_start3A_415 = tpu.memref_slice %arg10[%dma_start3A_404] : memref<6x!tpu.dma_semaphore, #tpu.memory_space<semaphore_mem>> -> memref<1x!tpu.dma_semaphore, #tpu.memory_space<semaphore_mem>>
        %dma_start3A_416 = tpu.memref_squeeze %dma_start3A_415 : memref<1x!tpu.dma_semaphore, #tpu.memory_space<semaphore_mem>> -> memref<!tpu.dma_semaphore, #tpu.memory_space<semaphore_mem>>
        tpu.enqueue_indirect_dma source(%dma_start3A_414 : memref<10000x16xf32, #tpu.memory_space<vmem_shared>>) target(%dma_start3A_408 : memref<128x16xf32, #tpu.memory_space<vmem>>) offsets(%dma_start3A_411 : memref<128xi32, #tpu.memory_space<vmem>>) semaphore(%dma_start3A_416 : memref<!tpu.dma_semaphore, #tpu.memory_space<semaphore_mem>>)
      } else {
      }
      %mul3A_241 = arith.constant 6 : i32
      %mul3A_242 = arith.muli %scan3A_162, %mul3A_241 : i32
      %add3A_243 = arith.constant 2 : i32
      %add3A_244 = arith.addi %mul3A_242, %add3A_243 : i32
      %dma_wait3A_245 = arith.constant 2 : i32
      %dma_wait3A_246 = arith.constant 2 : i32
      %dma_wait3A_247 = arith.constant 0 : i32
      %dma_wait3A_248 = arith.constant 0 : i32
      %dma_wait3A_249 = tpu.memref_slice %arg8[%dma_wait3A_245, %dma_wait3A_247, %dma_wait3A_248] : memref<6x128x16xf32, #tpu.memory_space<vmem>> -> memref<1x128x16xf32, #tpu.memory_space<vmem>>
      %dma_wait3A_250 = tpu.memref_squeeze %dma_wait3A_249 : memref<1x128x16xf32, #tpu.memory_space<vmem>> -> memref<128x16xf32, #tpu.memory_space<vmem>>
      %dma_wait3A_251 = arith.constant 0 : i32
      %dma_wait3A_252 = tpu.memref_slice %arg6[%add3A_244, %dma_wait3A_251] : memref<79x128xi32, #tpu.memory_space<vmem>> -> memref<1x128xi32, #tpu.memory_space<vmem>>
      %dma_wait3A_253 = tpu.memref_squeeze %dma_wait3A_252 : memref<1x128xi32, #tpu.memory_space<vmem>> -> memref<128xi32, #tpu.memory_space<vmem>>
      %dma_wait3A_254 = arith.constant 0 : i32
      %dma_wait3A_255 = arith.constant 0 : i32
      %dma_wait3A_256 = tpu.memref_slice %arg12[%dma_wait3A_254, %dma_wait3A_255] : memref<10000x16xf32, #tpu.memory_space<vmem_shared>> -> memref<10000x16xf32, #tpu.memory_space<vmem_shared>>
      %dma_wait3A_257 = tpu.memref_slice %arg10[%dma_wait3A_246] : memref<6x!tpu.dma_semaphore, #tpu.memory_space<semaphore_mem>> -> memref<1x!tpu.dma_semaphore, #tpu.memory_space<semaphore_mem>>
      %dma_wait3A_258 = tpu.memref_squeeze %dma_wait3A_257 : memref<1x!tpu.dma_semaphore, #tpu.memory_space<semaphore_mem>> -> memref<!tpu.dma_semaphore, #tpu.memory_space<semaphore_mem>>
      tpu.wait_indirect_dma semaphore(%dma_wait3A_258 : memref<!tpu.dma_semaphore, #tpu.memory_space<semaphore_mem>>) src(%dma_wait3A_256 : memref<10000x16xf32, #tpu.memory_space<vmem_shared>>) dst(%dma_wait3A_250 : memref<128x16xf32, #tpu.memory_space<vmem>>)
      %dma_start3A_259 = arith.constant 2 : i32
      %dma_start3A_260 = arith.constant 2 : i32
      %dma_start3A_261 = arith.constant 0 : i32
      %dma_start3A_262 = arith.constant 0 : i32
      %dma_start3A_263 = tpu.memref_slice %arg8[%dma_start3A_259, %dma_start3A_261, %dma_start3A_262] : memref<6x128x16xf32, #tpu.memory_space<vmem>> -> memref<1x128x16xf32, #tpu.memory_space<vmem>>
      %dma_start3A_264 = tpu.memref_squeeze %dma_start3A_263 : memref<1x128x16xf32, #tpu.memory_space<vmem>> -> memref<128x16xf32, #tpu.memory_space<vmem>>
      %dma_start3A_265 = arith.constant 0 : i32
      %dma_start3A_266 = tpu.memref_slice %arg7[%add3A_244, %dma_start3A_265] : memref<79x128xi32, #tpu.memory_space<vmem>> -> memref<1x128xi32, #tpu.memory_space<vmem>>
      %dma_start3A_267 = tpu.memref_squeeze %dma_start3A_266 : memref<1x128xi32, #tpu.memory_space<vmem>> -> memref<128xi32, #tpu.memory_space<vmem>>
      %dma_start3A_268 = arith.constant 0 : i32
      %dma_start3A_269 = arith.constant 0 : i32
      %dma_start3A_270 = tpu.memref_slice %arg9[%dma_start3A_268, %dma_start3A_269] : memref<10240x16xf32, #tpu.memory_space<vmem_shared>> -> memref<10240x16xf32, #tpu.memory_space<vmem_shared>>
      %dma_start3A_271 = tpu.memref_slice %arg11[%dma_start3A_260] : memref<6x!tpu.dma_semaphore, #tpu.memory_space<semaphore_mem>> -> memref<1x!tpu.dma_semaphore, #tpu.memory_space<semaphore_mem>>
      %dma_start3A_272 = tpu.memref_squeeze %dma_start3A_271 : memref<1x!tpu.dma_semaphore, #tpu.memory_space<semaphore_mem>> -> memref<!tpu.dma_semaphore, #tpu.memory_space<semaphore_mem>>
      tpu.enqueue_indirect_dma source(%dma_start3A_264 : memref<128x16xf32, #tpu.memory_space<vmem>>) target(%dma_start3A_270 : memref<10240x16xf32, #tpu.memory_space<vmem_shared>>) offsets(%dma_start3A_267 : memref<128xi32, #tpu.memory_space<vmem>>) semaphore(%dma_start3A_272 : memref<!tpu.dma_semaphore, #tpu.memory_space<semaphore_mem>>) {add = true}
      %add3A_273 = arith.constant 3 : i32
      %add3A_274 = arith.addi %add3A_244, %add3A_273 : i32
      %lt3A_275 = arith.constant 78 : i32
      %lt3A_276 = arith.cmpi slt, %add3A_274, %lt3A_275 : i32
      %convert_element_type3A_277 = arith.extui %lt3A_276 : i1 to i32
      %cond3A_278 = arith.constant 0 : i32
      %cond3A_279 = arith.cmpi ne, %convert_element_type3A_277, %cond3A_278 : i32
      scf.if %cond3A_279 {
        %ge3A = arith.constant 3 : i32
        %ge3A_397 = arith.cmpi sge, %add3A_244, %ge3A : i32
        %convert_element_type3A_398 = arith.extui %ge3A_397 : i1 to i32
        %cond3A_399 = arith.constant 0 : i32
        %cond3A_400 = arith.cmpi ne, %convert_element_type3A_398, %cond3A_399 : i32
        scf.if %cond3A_400 {
          %sub3A = arith.constant 3 : i32
          %sub3A_417 = arith.subi %add3A_244, %sub3A : i32
          %dma_wait3A_418 = arith.constant 5 : i32
          %dma_wait3A_419 = arith.constant 5 : i32
          %dma_wait3A_420 = arith.constant 0 : i32
          %dma_wait3A_421 = arith.constant 0 : i32
          %dma_wait3A_422 = tpu.memref_slice %arg8[%dma_wait3A_418, %dma_wait3A_420, %dma_wait3A_421] : memref<6x128x16xf32, #tpu.memory_space<vmem>> -> memref<1x128x16xf32, #tpu.memory_space<vmem>>
          %dma_wait3A_423 = tpu.memref_squeeze %dma_wait3A_422 : memref<1x128x16xf32, #tpu.memory_space<vmem>> -> memref<128x16xf32, #tpu.memory_space<vmem>>
          %dma_wait3A_424 = arith.constant 0 : i32
          %dma_wait3A_425 = tpu.memref_slice %arg7[%sub3A_417, %dma_wait3A_424] : memref<79x128xi32, #tpu.memory_space<vmem>> -> memref<1x128xi32, #tpu.memory_space<vmem>>
          %dma_wait3A_426 = tpu.memref_squeeze %dma_wait3A_425 : memref<1x128xi32, #tpu.memory_space<vmem>> -> memref<128xi32, #tpu.memory_space<vmem>>
          %dma_wait3A_427 = arith.constant 0 : i32
          %dma_wait3A_428 = arith.constant 0 : i32
          %dma_wait3A_429 = tpu.memref_slice %arg9[%dma_wait3A_427, %dma_wait3A_428] : memref<10240x16xf32, #tpu.memory_space<vmem_shared>> -> memref<10240x16xf32, #tpu.memory_space<vmem_shared>>
          %dma_wait3A_430 = tpu.memref_slice %arg11[%dma_wait3A_419] : memref<6x!tpu.dma_semaphore, #tpu.memory_space<semaphore_mem>> -> memref<1x!tpu.dma_semaphore, #tpu.memory_space<semaphore_mem>>
          %dma_wait3A_431 = tpu.memref_squeeze %dma_wait3A_430 : memref<1x!tpu.dma_semaphore, #tpu.memory_space<semaphore_mem>> -> memref<!tpu.dma_semaphore, #tpu.memory_space<semaphore_mem>>
          tpu.wait_indirect_dma semaphore(%dma_wait3A_431 : memref<!tpu.dma_semaphore, #tpu.memory_space<semaphore_mem>>) src(%dma_wait3A_423 : memref<128x16xf32, #tpu.memory_space<vmem>>) dst(%dma_wait3A_429 : memref<10240x16xf32, #tpu.memory_space<vmem_shared>>)
        } else {
        }
        %add3A_401 = arith.constant 3 : i32
        %add3A_402 = arith.addi %add3A_244, %add3A_401 : i32
        %dma_start3A_403 = arith.constant 5 : i32
        %dma_start3A_404 = arith.constant 5 : i32
        %dma_start3A_405 = arith.constant 0 : i32
        %dma_start3A_406 = arith.constant 0 : i32
        %dma_start3A_407 = tpu.memref_slice %arg8[%dma_start3A_403, %dma_start3A_405, %dma_start3A_406] : memref<6x128x16xf32, #tpu.memory_space<vmem>> -> memref<1x128x16xf32, #tpu.memory_space<vmem>>
        %dma_start3A_408 = tpu.memref_squeeze %dma_start3A_407 : memref<1x128x16xf32, #tpu.memory_space<vmem>> -> memref<128x16xf32, #tpu.memory_space<vmem>>
        %dma_start3A_409 = arith.constant 0 : i32
        %dma_start3A_410 = tpu.memref_slice %arg6[%add3A_402, %dma_start3A_409] : memref<79x128xi32, #tpu.memory_space<vmem>> -> memref<1x128xi32, #tpu.memory_space<vmem>>
        %dma_start3A_411 = tpu.memref_squeeze %dma_start3A_410 : memref<1x128xi32, #tpu.memory_space<vmem>> -> memref<128xi32, #tpu.memory_space<vmem>>
        %dma_start3A_412 = arith.constant 0 : i32
        %dma_start3A_413 = arith.constant 0 : i32
        %dma_start3A_414 = tpu.memref_slice %arg12[%dma_start3A_412, %dma_start3A_413] : memref<10000x16xf32, #tpu.memory_space<vmem_shared>> -> memref<10000x16xf32, #tpu.memory_space<vmem_shared>>
        %dma_start3A_415 = tpu.memref_slice %arg10[%dma_start3A_404] : memref<6x!tpu.dma_semaphore, #tpu.memory_space<semaphore_mem>> -> memref<1x!tpu.dma_semaphore, #tpu.memory_space<semaphore_mem>>
        %dma_start3A_416 = tpu.memref_squeeze %dma_start3A_415 : memref<1x!tpu.dma_semaphore, #tpu.memory_space<semaphore_mem>> -> memref<!tpu.dma_semaphore, #tpu.memory_space<semaphore_mem>>
        tpu.enqueue_indirect_dma source(%dma_start3A_414 : memref<10000x16xf32, #tpu.memory_space<vmem_shared>>) target(%dma_start3A_408 : memref<128x16xf32, #tpu.memory_space<vmem>>) offsets(%dma_start3A_411 : memref<128xi32, #tpu.memory_space<vmem>>) semaphore(%dma_start3A_416 : memref<!tpu.dma_semaphore, #tpu.memory_space<semaphore_mem>>)
      } else {
      }
      %mul3A_280 = arith.constant 6 : i32
      %mul3A_281 = arith.muli %scan3A_162, %mul3A_280 : i32
      %add3A_282 = arith.constant 3 : i32
      %add3A_283 = arith.addi %mul3A_281, %add3A_282 : i32
      %dma_wait3A_284 = arith.constant 3 : i32
      %dma_wait3A_285 = arith.constant 3 : i32
      %dma_wait3A_286 = arith.constant 0 : i32
      %dma_wait3A_287 = arith.constant 0 : i32
      %dma_wait3A_288 = tpu.memref_slice %arg8[%dma_wait3A_284, %dma_wait3A_286, %dma_wait3A_287] : memref<6x128x16xf32, #tpu.memory_space<vmem>> -> memref<1x128x16xf32, #tpu.memory_space<vmem>>
      %dma_wait3A_289 = tpu.memref_squeeze %dma_wait3A_288 : memref<1x128x16xf32, #tpu.memory_space<vmem>> -> memref<128x16xf32, #tpu.memory_space<vmem>>
      %dma_wait3A_290 = arith.constant 0 : i32
      %dma_wait3A_291 = tpu.memref_slice %arg6[%add3A_283, %dma_wait3A_290] : memref<79x128xi32, #tpu.memory_space<vmem>> -> memref<1x128xi32, #tpu.memory_space<vmem>>
      %dma_wait3A_292 = tpu.memref_squeeze %dma_wait3A_291 : memref<1x128xi32, #tpu.memory_space<vmem>> -> memref<128xi32, #tpu.memory_space<vmem>>
      %dma_wait3A_293 = arith.constant 0 : i32
      %dma_wait3A_294 = arith.constant 0 : i32
      %dma_wait3A_295 = tpu.memref_slice %arg12[%dma_wait3A_293, %dma_wait3A_294] : memref<10000x16xf32, #tpu.memory_space<vmem_shared>> -> memref<10000x16xf32, #tpu.memory_space<vmem_shared>>
      %dma_wait3A_296 = tpu.memref_slice %arg10[%dma_wait3A_285] : memref<6x!tpu.dma_semaphore, #tpu.memory_space<semaphore_mem>> -> memref<1x!tpu.dma_semaphore, #tpu.memory_space<semaphore_mem>>
      %dma_wait3A_297 = tpu.memref_squeeze %dma_wait3A_296 : memref<1x!tpu.dma_semaphore, #tpu.memory_space<semaphore_mem>> -> memref<!tpu.dma_semaphore, #tpu.memory_space<semaphore_mem>>
      tpu.wait_indirect_dma semaphore(%dma_wait3A_297 : memref<!tpu.dma_semaphore, #tpu.memory_space<semaphore_mem>>) src(%dma_wait3A_295 : memref<10000x16xf32, #tpu.memory_space<vmem_shared>>) dst(%dma_wait3A_289 : memref<128x16xf32, #tpu.memory_space<vmem>>)
      %dma_start3A_298 = arith.constant 3 : i32
      %dma_start3A_299 = arith.constant 3 : i32
      %dma_start3A_300 = arith.constant 0 : i32
      %dma_start3A_301 = arith.constant 0 : i32
      %dma_start3A_302 = tpu.memref_slice %arg8[%dma_start3A_298, %dma_start3A_300, %dma_start3A_301] : memref<6x128x16xf32, #tpu.memory_space<vmem>> -> memref<1x128x16xf32, #tpu.memory_space<vmem>>
      %dma_start3A_303 = tpu.memref_squeeze %dma_start3A_302 : memref<1x128x16xf32, #tpu.memory_space<vmem>> -> memref<128x16xf32, #tpu.memory_space<vmem>>
      %dma_start3A_304 = arith.constant 0 : i32
      %dma_start3A_305 = tpu.memref_slice %arg7[%add3A_283, %dma_start3A_304] : memref<79x128xi32, #tpu.memory_space<vmem>> -> memref<1x128xi32, #tpu.memory_space<vmem>>
      %dma_start3A_306 = tpu.memref_squeeze %dma_start3A_305 : memref<1x128xi32, #tpu.memory_space<vmem>> -> memref<128xi32, #tpu.memory_space<vmem>>
      %dma_start3A_307 = arith.constant 0 : i32
      %dma_start3A_308 = arith.constant 0 : i32
      %dma_start3A_309 = tpu.memref_slice %arg9[%dma_start3A_307, %dma_start3A_308] : memref<10240x16xf32, #tpu.memory_space<vmem_shared>> -> memref<10240x16xf32, #tpu.memory_space<vmem_shared>>
      %dma_start3A_310 = tpu.memref_slice %arg11[%dma_start3A_299] : memref<6x!tpu.dma_semaphore, #tpu.memory_space<semaphore_mem>> -> memref<1x!tpu.dma_semaphore, #tpu.memory_space<semaphore_mem>>
      %dma_start3A_311 = tpu.memref_squeeze %dma_start3A_310 : memref<1x!tpu.dma_semaphore, #tpu.memory_space<semaphore_mem>> -> memref<!tpu.dma_semaphore, #tpu.memory_space<semaphore_mem>>
      tpu.enqueue_indirect_dma source(%dma_start3A_303 : memref<128x16xf32, #tpu.memory_space<vmem>>) target(%dma_start3A_309 : memref<10240x16xf32, #tpu.memory_space<vmem_shared>>) offsets(%dma_start3A_306 : memref<128xi32, #tpu.memory_space<vmem>>) semaphore(%dma_start3A_311 : memref<!tpu.dma_semaphore, #tpu.memory_space<semaphore_mem>>) {add = true}
      %add3A_312 = arith.constant 3 : i32
      %add3A_313 = arith.addi %add3A_283, %add3A_312 : i32
      %lt3A_314 = arith.constant 78 : i32
      %lt3A_315 = arith.cmpi slt, %add3A_313, %lt3A_314 : i32
      %convert_element_type3A_316 = arith.extui %lt3A_315 : i1 to i32
      %cond3A_317 = arith.constant 0 : i32
      %cond3A_318 = arith.cmpi ne, %convert_element_type3A_316, %cond3A_317 : i32
      scf.if %cond3A_318 {
        %ge3A = arith.constant 3 : i32
        %ge3A_397 = arith.cmpi sge, %add3A_283, %ge3A : i32
        %convert_element_type3A_398 = arith.extui %ge3A_397 : i1 to i32
        %cond3A_399 = arith.constant 0 : i32
        %cond3A_400 = arith.cmpi ne, %convert_element_type3A_398, %cond3A_399 : i32
        scf.if %cond3A_400 {
          %sub3A = arith.constant 3 : i32
          %sub3A_417 = arith.subi %add3A_283, %sub3A : i32
          %dma_wait3A_418 = arith.constant 0 : i32
          %dma_wait3A_419 = arith.constant 0 : i32
          %dma_wait3A_420 = arith.constant 0 : i32
          %dma_wait3A_421 = arith.constant 0 : i32
          %dma_wait3A_422 = tpu.memref_slice %arg8[%dma_wait3A_418, %dma_wait3A_420, %dma_wait3A_421] : memref<6x128x16xf32, #tpu.memory_space<vmem>> -> memref<1x128x16xf32, #tpu.memory_space<vmem>>
          %dma_wait3A_423 = tpu.memref_squeeze %dma_wait3A_422 : memref<1x128x16xf32, #tpu.memory_space<vmem>> -> memref<128x16xf32, #tpu.memory_space<vmem>>
          %dma_wait3A_424 = arith.constant 0 : i32
          %dma_wait3A_425 = tpu.memref_slice %arg7[%sub3A_417, %dma_wait3A_424] : memref<79x128xi32, #tpu.memory_space<vmem>> -> memref<1x128xi32, #tpu.memory_space<vmem>>
          %dma_wait3A_426 = tpu.memref_squeeze %dma_wait3A_425 : memref<1x128xi32, #tpu.memory_space<vmem>> -> memref<128xi32, #tpu.memory_space<vmem>>
          %dma_wait3A_427 = arith.constant 0 : i32
          %dma_wait3A_428 = arith.constant 0 : i32
          %dma_wait3A_429 = tpu.memref_slice %arg9[%dma_wait3A_427, %dma_wait3A_428] : memref<10240x16xf32, #tpu.memory_space<vmem_shared>> -> memref<10240x16xf32, #tpu.memory_space<vmem_shared>>
          %dma_wait3A_430 = tpu.memref_slice %arg11[%dma_wait3A_419] : memref<6x!tpu.dma_semaphore, #tpu.memory_space<semaphore_mem>> -> memref<1x!tpu.dma_semaphore, #tpu.memory_space<semaphore_mem>>
          %dma_wait3A_431 = tpu.memref_squeeze %dma_wait3A_430 : memref<1x!tpu.dma_semaphore, #tpu.memory_space<semaphore_mem>> -> memref<!tpu.dma_semaphore, #tpu.memory_space<semaphore_mem>>
          tpu.wait_indirect_dma semaphore(%dma_wait3A_431 : memref<!tpu.dma_semaphore, #tpu.memory_space<semaphore_mem>>) src(%dma_wait3A_423 : memref<128x16xf32, #tpu.memory_space<vmem>>) dst(%dma_wait3A_429 : memref<10240x16xf32, #tpu.memory_space<vmem_shared>>)
        } else {
        }
        %add3A_401 = arith.constant 3 : i32
        %add3A_402 = arith.addi %add3A_283, %add3A_401 : i32
        %dma_start3A_403 = arith.constant 0 : i32
        %dma_start3A_404 = arith.constant 0 : i32
        %dma_start3A_405 = arith.constant 0 : i32
        %dma_start3A_406 = arith.constant 0 : i32
        %dma_start3A_407 = tpu.memref_slice %arg8[%dma_start3A_403, %dma_start3A_405, %dma_start3A_406] : memref<6x128x16xf32, #tpu.memory_space<vmem>> -> memref<1x128x16xf32, #tpu.memory_space<vmem>>
        %dma_start3A_408 = tpu.memref_squeeze %dma_start3A_407 : memref<1x128x16xf32, #tpu.memory_space<vmem>> -> memref<128x16xf32, #tpu.memory_space<vmem>>
        %dma_start3A_409 = arith.constant 0 : i32
        %dma_start3A_410 = tpu.memref_slice %arg6[%add3A_402, %dma_start3A_409] : memref<79x128xi32, #tpu.memory_space<vmem>> -> memref<1x128xi32, #tpu.memory_space<vmem>>
        %dma_start3A_411 = tpu.memref_squeeze %dma_start3A_410 : memref<1x128xi32, #tpu.memory_space<vmem>> -> memref<128xi32, #tpu.memory_space<vmem>>
        %dma_start3A_412 = arith.constant 0 : i32
        %dma_start3A_413 = arith.constant 0 : i32
        %dma_start3A_414 = tpu.memref_slice %arg12[%dma_start3A_412, %dma_start3A_413] : memref<10000x16xf32, #tpu.memory_space<vmem_shared>> -> memref<10000x16xf32, #tpu.memory_space<vmem_shared>>
        %dma_start3A_415 = tpu.memref_slice %arg10[%dma_start3A_404] : memref<6x!tpu.dma_semaphore, #tpu.memory_space<semaphore_mem>> -> memref<1x!tpu.dma_semaphore, #tpu.memory_space<semaphore_mem>>
        %dma_start3A_416 = tpu.memref_squeeze %dma_start3A_415 : memref<1x!tpu.dma_semaphore, #tpu.memory_space<semaphore_mem>> -> memref<!tpu.dma_semaphore, #tpu.memory_space<semaphore_mem>>
        tpu.enqueue_indirect_dma source(%dma_start3A_414 : memref<10000x16xf32, #tpu.memory_space<vmem_shared>>) target(%dma_start3A_408 : memref<128x16xf32, #tpu.memory_space<vmem>>) offsets(%dma_start3A_411 : memref<128xi32, #tpu.memory_space<vmem>>) semaphore(%dma_start3A_416 : memref<!tpu.dma_semaphore, #tpu.memory_space<semaphore_mem>>)
      } else {
      }
      %mul3A_319 = arith.constant 6 : i32
      %mul3A_320 = arith.muli %scan3A_162, %mul3A_319 : i32
      %add3A_321 = arith.constant 4 : i32
      %add3A_322 = arith.addi %mul3A_320, %add3A_321 : i32
      %dma_wait3A_323 = arith.constant 4 : i32
      %dma_wait3A_324 = arith.constant 4 : i32
      %dma_wait3A_325 = arith.constant 0 : i32
      %dma_wait3A_326 = arith.constant 0 : i32
      %dma_wait3A_327 = tpu.memref_slice %arg8[%dma_wait3A_323, %dma_wait3A_325, %dma_wait3A_326] : memref<6x128x16xf32, #tpu.memory_space<vmem>> -> memref<1x128x16xf32, #tpu.memory_space<vmem>>
      %dma_wait3A_328 = tpu.memref_squeeze %dma_wait3A_327 : memref<1x128x16xf32, #tpu.memory_space<vmem>> -> memref<128x16xf32, #tpu.memory_space<vmem>>
      %dma_wait3A_329 = arith.constant 0 : i32
      %dma_wait3A_330 = tpu.memref_slice %arg6[%add3A_322, %dma_wait3A_329] : memref<79x128xi32, #tpu.memory_space<vmem>> -> memref<1x128xi32, #tpu.memory_space<vmem>>
      %dma_wait3A_331 = tpu.memref_squeeze %dma_wait3A_330 : memref<1x128xi32, #tpu.memory_space<vmem>> -> memref<128xi32, #tpu.memory_space<vmem>>
      %dma_wait3A_332 = arith.constant 0 : i32
      %dma_wait3A_333 = arith.constant 0 : i32
      %dma_wait3A_334 = tpu.memref_slice %arg12[%dma_wait3A_332, %dma_wait3A_333] : memref<10000x16xf32, #tpu.memory_space<vmem_shared>> -> memref<10000x16xf32, #tpu.memory_space<vmem_shared>>
      %dma_wait3A_335 = tpu.memref_slice %arg10[%dma_wait3A_324] : memref<6x!tpu.dma_semaphore, #tpu.memory_space<semaphore_mem>> -> memref<1x!tpu.dma_semaphore, #tpu.memory_space<semaphore_mem>>
      %dma_wait3A_336 = tpu.memref_squeeze %dma_wait3A_335 : memref<1x!tpu.dma_semaphore, #tpu.memory_space<semaphore_mem>> -> memref<!tpu.dma_semaphore, #tpu.memory_space<semaphore_mem>>
      tpu.wait_indirect_dma semaphore(%dma_wait3A_336 : memref<!tpu.dma_semaphore, #tpu.memory_space<semaphore_mem>>) src(%dma_wait3A_334 : memref<10000x16xf32, #tpu.memory_space<vmem_shared>>) dst(%dma_wait3A_328 : memref<128x16xf32, #tpu.memory_space<vmem>>)
      %dma_start3A_337 = arith.constant 4 : i32
      %dma_start3A_338 = arith.constant 4 : i32
      %dma_start3A_339 = arith.constant 0 : i32
      %dma_start3A_340 = arith.constant 0 : i32
      %dma_start3A_341 = tpu.memref_slice %arg8[%dma_start3A_337, %dma_start3A_339, %dma_start3A_340] : memref<6x128x16xf32, #tpu.memory_space<vmem>> -> memref<1x128x16xf32, #tpu.memory_space<vmem>>
      %dma_start3A_342 = tpu.memref_squeeze %dma_start3A_341 : memref<1x128x16xf32, #tpu.memory_space<vmem>> -> memref<128x16xf32, #tpu.memory_space<vmem>>
      %dma_start3A_343 = arith.constant 0 : i32
      %dma_start3A_344 = tpu.memref_slice %arg7[%add3A_322, %dma_start3A_343] : memref<79x128xi32, #tpu.memory_space<vmem>> -> memref<1x128xi32, #tpu.memory_space<vmem>>
      %dma_start3A_345 = tpu.memref_squeeze %dma_start3A_344 : memref<1x128xi32, #tpu.memory_space<vmem>> -> memref<128xi32, #tpu.memory_space<vmem>>
      %dma_start3A_346 = arith.constant 0 : i32
      %dma_start3A_347 = arith.constant 0 : i32
      %dma_start3A_348 = tpu.memref_slice %arg9[%dma_start3A_346, %dma_start3A_347] : memref<10240x16xf32, #tpu.memory_space<vmem_shared>> -> memref<10240x16xf32, #tpu.memory_space<vmem_shared>>
      %dma_start3A_349 = tpu.memref_slice %arg11[%dma_start3A_338] : memref<6x!tpu.dma_semaphore, #tpu.memory_space<semaphore_mem>> -> memref<1x!tpu.dma_semaphore, #tpu.memory_space<semaphore_mem>>
      %dma_start3A_350 = tpu.memref_squeeze %dma_start3A_349 : memref<1x!tpu.dma_semaphore, #tpu.memory_space<semaphore_mem>> -> memref<!tpu.dma_semaphore, #tpu.memory_space<semaphore_mem>>
      tpu.enqueue_indirect_dma source(%dma_start3A_342 : memref<128x16xf32, #tpu.memory_space<vmem>>) target(%dma_start3A_348 : memref<10240x16xf32, #tpu.memory_space<vmem_shared>>) offsets(%dma_start3A_345 : memref<128xi32, #tpu.memory_space<vmem>>) semaphore(%dma_start3A_350 : memref<!tpu.dma_semaphore, #tpu.memory_space<semaphore_mem>>) {add = true}
      %add3A_351 = arith.constant 3 : i32
      %add3A_352 = arith.addi %add3A_322, %add3A_351 : i32
      %lt3A_353 = arith.constant 78 : i32
      %lt3A_354 = arith.cmpi slt, %add3A_352, %lt3A_353 : i32
      %convert_element_type3A_355 = arith.extui %lt3A_354 : i1 to i32
      %cond3A_356 = arith.constant 0 : i32
      %cond3A_357 = arith.cmpi ne, %convert_element_type3A_355, %cond3A_356 : i32
      scf.if %cond3A_357 {
        %ge3A = arith.constant 3 : i32
        %ge3A_397 = arith.cmpi sge, %add3A_322, %ge3A : i32
        %convert_element_type3A_398 = arith.extui %ge3A_397 : i1 to i32
        %cond3A_399 = arith.constant 0 : i32
        %cond3A_400 = arith.cmpi ne, %convert_element_type3A_398, %cond3A_399 : i32
        scf.if %cond3A_400 {
          %sub3A = arith.constant 3 : i32
          %sub3A_417 = arith.subi %add3A_322, %sub3A : i32
          %dma_wait3A_418 = arith.constant 1 : i32
          %dma_wait3A_419 = arith.constant 1 : i32
          %dma_wait3A_420 = arith.constant 0 : i32
          %dma_wait3A_421 = arith.constant 0 : i32
          %dma_wait3A_422 = tpu.memref_slice %arg8[%dma_wait3A_418, %dma_wait3A_420, %dma_wait3A_421] : memref<6x128x16xf32, #tpu.memory_space<vmem>> -> memref<1x128x16xf32, #tpu.memory_space<vmem>>
          %dma_wait3A_423 = tpu.memref_squeeze %dma_wait3A_422 : memref<1x128x16xf32, #tpu.memory_space<vmem>> -> memref<128x16xf32, #tpu.memory_space<vmem>>
          %dma_wait3A_424 = arith.constant 0 : i32
          %dma_wait3A_425 = tpu.memref_slice %arg7[%sub3A_417, %dma_wait3A_424] : memref<79x128xi32, #tpu.memory_space<vmem>> -> memref<1x128xi32, #tpu.memory_space<vmem>>
          %dma_wait3A_426 = tpu.memref_squeeze %dma_wait3A_425 : memref<1x128xi32, #tpu.memory_space<vmem>> -> memref<128xi32, #tpu.memory_space<vmem>>
          %dma_wait3A_427 = arith.constant 0 : i32
          %dma_wait3A_428 = arith.constant 0 : i32
          %dma_wait3A_429 = tpu.memref_slice %arg9[%dma_wait3A_427, %dma_wait3A_428] : memref<10240x16xf32, #tpu.memory_space<vmem_shared>> -> memref<10240x16xf32, #tpu.memory_space<vmem_shared>>
          %dma_wait3A_430 = tpu.memref_slice %arg11[%dma_wait3A_419] : memref<6x!tpu.dma_semaphore, #tpu.memory_space<semaphore_mem>> -> memref<1x!tpu.dma_semaphore, #tpu.memory_space<semaphore_mem>>
          %dma_wait3A_431 = tpu.memref_squeeze %dma_wait3A_430 : memref<1x!tpu.dma_semaphore, #tpu.memory_space<semaphore_mem>> -> memref<!tpu.dma_semaphore, #tpu.memory_space<semaphore_mem>>
          tpu.wait_indirect_dma semaphore(%dma_wait3A_431 : memref<!tpu.dma_semaphore, #tpu.memory_space<semaphore_mem>>) src(%dma_wait3A_423 : memref<128x16xf32, #tpu.memory_space<vmem>>) dst(%dma_wait3A_429 : memref<10240x16xf32, #tpu.memory_space<vmem_shared>>)
        } else {
        }
        %add3A_401 = arith.constant 3 : i32
        %add3A_402 = arith.addi %add3A_322, %add3A_401 : i32
        %dma_start3A_403 = arith.constant 1 : i32
        %dma_start3A_404 = arith.constant 1 : i32
        %dma_start3A_405 = arith.constant 0 : i32
        %dma_start3A_406 = arith.constant 0 : i32
        %dma_start3A_407 = tpu.memref_slice %arg8[%dma_start3A_403, %dma_start3A_405, %dma_start3A_406] : memref<6x128x16xf32, #tpu.memory_space<vmem>> -> memref<1x128x16xf32, #tpu.memory_space<vmem>>
        %dma_start3A_408 = tpu.memref_squeeze %dma_start3A_407 : memref<1x128x16xf32, #tpu.memory_space<vmem>> -> memref<128x16xf32, #tpu.memory_space<vmem>>
        %dma_start3A_409 = arith.constant 0 : i32
        %dma_start3A_410 = tpu.memref_slice %arg6[%add3A_402, %dma_start3A_409] : memref<79x128xi32, #tpu.memory_space<vmem>> -> memref<1x128xi32, #tpu.memory_space<vmem>>
        %dma_start3A_411 = tpu.memref_squeeze %dma_start3A_410 : memref<1x128xi32, #tpu.memory_space<vmem>> -> memref<128xi32, #tpu.memory_space<vmem>>
        %dma_start3A_412 = arith.constant 0 : i32
        %dma_start3A_413 = arith.constant 0 : i32
        %dma_start3A_414 = tpu.memref_slice %arg12[%dma_start3A_412, %dma_start3A_413] : memref<10000x16xf32, #tpu.memory_space<vmem_shared>> -> memref<10000x16xf32, #tpu.memory_space<vmem_shared>>
        %dma_start3A_415 = tpu.memref_slice %arg10[%dma_start3A_404] : memref<6x!tpu.dma_semaphore, #tpu.memory_space<semaphore_mem>> -> memref<1x!tpu.dma_semaphore, #tpu.memory_space<semaphore_mem>>
        %dma_start3A_416 = tpu.memref_squeeze %dma_start3A_415 : memref<1x!tpu.dma_semaphore, #tpu.memory_space<semaphore_mem>> -> memref<!tpu.dma_semaphore, #tpu.memory_space<semaphore_mem>>
        tpu.enqueue_indirect_dma source(%dma_start3A_414 : memref<10000x16xf32, #tpu.memory_space<vmem_shared>>) target(%dma_start3A_408 : memref<128x16xf32, #tpu.memory_space<vmem>>) offsets(%dma_start3A_411 : memref<128xi32, #tpu.memory_space<vmem>>) semaphore(%dma_start3A_416 : memref<!tpu.dma_semaphore, #tpu.memory_space<semaphore_mem>>)
      } else {
      }
      %mul3A_358 = arith.constant 6 : i32
      %mul3A_359 = arith.muli %scan3A_162, %mul3A_358 : i32
      %add3A_360 = arith.constant 5 : i32
      %add3A_361 = arith.addi %mul3A_359, %add3A_360 : i32
      %dma_wait3A_362 = arith.constant 5 : i32
      %dma_wait3A_363 = arith.constant 5 : i32
      %dma_wait3A_364 = arith.constant 0 : i32
      %dma_wait3A_365 = arith.constant 0 : i32
      %dma_wait3A_366 = tpu.memref_slice %arg8[%dma_wait3A_362, %dma_wait3A_364, %dma_wait3A_365] : memref<6x128x16xf32, #tpu.memory_space<vmem>> -> memref<1x128x16xf32, #tpu.memory_space<vmem>>
      %dma_wait3A_367 = tpu.memref_squeeze %dma_wait3A_366 : memref<1x128x16xf32, #tpu.memory_space<vmem>> -> memref<128x16xf32, #tpu.memory_space<vmem>>
      %dma_wait3A_368 = arith.constant 0 : i32
      %dma_wait3A_369 = tpu.memref_slice %arg6[%add3A_361, %dma_wait3A_368] : memref<79x128xi32, #tpu.memory_space<vmem>> -> memref<1x128xi32, #tpu.memory_space<vmem>>
      %dma_wait3A_370 = tpu.memref_squeeze %dma_wait3A_369 : memref<1x128xi32, #tpu.memory_space<vmem>> -> memref<128xi32, #tpu.memory_space<vmem>>
      %dma_wait3A_371 = arith.constant 0 : i32
      %dma_wait3A_372 = arith.constant 0 : i32
      %dma_wait3A_373 = tpu.memref_slice %arg12[%dma_wait3A_371, %dma_wait3A_372] : memref<10000x16xf32, #tpu.memory_space<vmem_shared>> -> memref<10000x16xf32, #tpu.memory_space<vmem_shared>>
      %dma_wait3A_374 = tpu.memref_slice %arg10[%dma_wait3A_363] : memref<6x!tpu.dma_semaphore, #tpu.memory_space<semaphore_mem>> -> memref<1x!tpu.dma_semaphore, #tpu.memory_space<semaphore_mem>>
      %dma_wait3A_375 = tpu.memref_squeeze %dma_wait3A_374 : memref<1x!tpu.dma_semaphore, #tpu.memory_space<semaphore_mem>> -> memref<!tpu.dma_semaphore, #tpu.memory_space<semaphore_mem>>
      tpu.wait_indirect_dma semaphore(%dma_wait3A_375 : memref<!tpu.dma_semaphore, #tpu.memory_space<semaphore_mem>>) src(%dma_wait3A_373 : memref<10000x16xf32, #tpu.memory_space<vmem_shared>>) dst(%dma_wait3A_367 : memref<128x16xf32, #tpu.memory_space<vmem>>)
      %dma_start3A_376 = arith.constant 5 : i32
      %dma_start3A_377 = arith.constant 5 : i32
      %dma_start3A_378 = arith.constant 0 : i32
      %dma_start3A_379 = arith.constant 0 : i32
      %dma_start3A_380 = tpu.memref_slice %arg8[%dma_start3A_376, %dma_start3A_378, %dma_start3A_379] : memref<6x128x16xf32, #tpu.memory_space<vmem>> -> memref<1x128x16xf32, #tpu.memory_space<vmem>>
      %dma_start3A_381 = tpu.memref_squeeze %dma_start3A_380 : memref<1x128x16xf32, #tpu.memory_space<vmem>> -> memref<128x16xf32, #tpu.memory_space<vmem>>
      %dma_start3A_382 = arith.constant 0 : i32
      %dma_start3A_383 = tpu.memref_slice %arg7[%add3A_361, %dma_start3A_382] : memref<79x128xi32, #tpu.memory_space<vmem>> -> memref<1x128xi32, #tpu.memory_space<vmem>>
      %dma_start3A_384 = tpu.memref_squeeze %dma_start3A_383 : memref<1x128xi32, #tpu.memory_space<vmem>> -> memref<128xi32, #tpu.memory_space<vmem>>
      %dma_start3A_385 = arith.constant 0 : i32
      %dma_start3A_386 = arith.constant 0 : i32
      %dma_start3A_387 = tpu.memref_slice %arg9[%dma_start3A_385, %dma_start3A_386] : memref<10240x16xf32, #tpu.memory_space<vmem_shared>> -> memref<10240x16xf32, #tpu.memory_space<vmem_shared>>
      %dma_start3A_388 = tpu.memref_slice %arg11[%dma_start3A_377] : memref<6x!tpu.dma_semaphore, #tpu.memory_space<semaphore_mem>> -> memref<1x!tpu.dma_semaphore, #tpu.memory_space<semaphore_mem>>
      %dma_start3A_389 = tpu.memref_squeeze %dma_start3A_388 : memref<1x!tpu.dma_semaphore, #tpu.memory_space<semaphore_mem>> -> memref<!tpu.dma_semaphore, #tpu.memory_space<semaphore_mem>>
      tpu.enqueue_indirect_dma source(%dma_start3A_381 : memref<128x16xf32, #tpu.memory_space<vmem>>) target(%dma_start3A_387 : memref<10240x16xf32, #tpu.memory_space<vmem_shared>>) offsets(%dma_start3A_384 : memref<128xi32, #tpu.memory_space<vmem>>) semaphore(%dma_start3A_389 : memref<!tpu.dma_semaphore, #tpu.memory_space<semaphore_mem>>) {add = true}
      %add3A_390 = arith.constant 3 : i32
      %add3A_391 = arith.addi %add3A_361, %add3A_390 : i32
      %lt3A_392 = arith.constant 78 : i32
      %lt3A_393 = arith.cmpi slt, %add3A_391, %lt3A_392 : i32
      %convert_element_type3A_394 = arith.extui %lt3A_393 : i1 to i32
      %cond3A_395 = arith.constant 0 : i32
      %cond3A_396 = arith.cmpi ne, %convert_element_type3A_394, %cond3A_395 : i32
      scf.if %cond3A_396 {
        %ge3A = arith.constant 3 : i32
        %ge3A_397 = arith.cmpi sge, %add3A_361, %ge3A : i32
        %convert_element_type3A_398 = arith.extui %ge3A_397 : i1 to i32
        %cond3A_399 = arith.constant 0 : i32
        %cond3A_400 = arith.cmpi ne, %convert_element_type3A_398, %cond3A_399 : i32
        scf.if %cond3A_400 {
          %sub3A = arith.constant 3 : i32
          %sub3A_417 = arith.subi %add3A_361, %sub3A : i32
          %dma_wait3A_418 = arith.constant 2 : i32
          %dma_wait3A_419 = arith.constant 2 : i32
          %dma_wait3A_420 = arith.constant 0 : i32
          %dma_wait3A_421 = arith.constant 0 : i32
          %dma_wait3A_422 = tpu.memref_slice %arg8[%dma_wait3A_418, %dma_wait3A_420, %dma_wait3A_421] : memref<6x128x16xf32, #tpu.memory_space<vmem>> -> memref<1x128x16xf32, #tpu.memory_space<vmem>>
          %dma_wait3A_423 = tpu.memref_squeeze %dma_wait3A_422 : memref<1x128x16xf32, #tpu.memory_space<vmem>> -> memref<128x16xf32, #tpu.memory_space<vmem>>
          %dma_wait3A_424 = arith.constant 0 : i32
          %dma_wait3A_425 = tpu.memref_slice %arg7[%sub3A_417, %dma_wait3A_424] : memref<79x128xi32, #tpu.memory_space<vmem>> -> memref<1x128xi32, #tpu.memory_space<vmem>>
          %dma_wait3A_426 = tpu.memref_squeeze %dma_wait3A_425 : memref<1x128xi32, #tpu.memory_space<vmem>> -> memref<128xi32, #tpu.memory_space<vmem>>
          %dma_wait3A_427 = arith.constant 0 : i32
          %dma_wait3A_428 = arith.constant 0 : i32
          %dma_wait3A_429 = tpu.memref_slice %arg9[%dma_wait3A_427, %dma_wait3A_428] : memref<10240x16xf32, #tpu.memory_space<vmem_shared>> -> memref<10240x16xf32, #tpu.memory_space<vmem_shared>>
          %dma_wait3A_430 = tpu.memref_slice %arg11[%dma_wait3A_419] : memref<6x!tpu.dma_semaphore, #tpu.memory_space<semaphore_mem>> -> memref<1x!tpu.dma_semaphore, #tpu.memory_space<semaphore_mem>>
          %dma_wait3A_431 = tpu.memref_squeeze %dma_wait3A_430 : memref<1x!tpu.dma_semaphore, #tpu.memory_space<semaphore_mem>> -> memref<!tpu.dma_semaphore, #tpu.memory_space<semaphore_mem>>
          tpu.wait_indirect_dma semaphore(%dma_wait3A_431 : memref<!tpu.dma_semaphore, #tpu.memory_space<semaphore_mem>>) src(%dma_wait3A_423 : memref<128x16xf32, #tpu.memory_space<vmem>>) dst(%dma_wait3A_429 : memref<10240x16xf32, #tpu.memory_space<vmem_shared>>)
        } else {
        }
        %add3A_401 = arith.constant 3 : i32
        %add3A_402 = arith.addi %add3A_361, %add3A_401 : i32
        %dma_start3A_403 = arith.constant 2 : i32
        %dma_start3A_404 = arith.constant 2 : i32
        %dma_start3A_405 = arith.constant 0 : i32
        %dma_start3A_406 = arith.constant 0 : i32
        %dma_start3A_407 = tpu.memref_slice %arg8[%dma_start3A_403, %dma_start3A_405, %dma_start3A_406] : memref<6x128x16xf32, #tpu.memory_space<vmem>> -> memref<1x128x16xf32, #tpu.memory_space<vmem>>
        %dma_start3A_408 = tpu.memref_squeeze %dma_start3A_407 : memref<1x128x16xf32, #tpu.memory_space<vmem>> -> memref<128x16xf32, #tpu.memory_space<vmem>>
        %dma_start3A_409 = arith.constant 0 : i32
        %dma_start3A_410 = tpu.memref_slice %arg6[%add3A_402, %dma_start3A_409] : memref<79x128xi32, #tpu.memory_space<vmem>> -> memref<1x128xi32, #tpu.memory_space<vmem>>
        %dma_start3A_411 = tpu.memref_squeeze %dma_start3A_410 : memref<1x128xi32, #tpu.memory_space<vmem>> -> memref<128xi32, #tpu.memory_space<vmem>>
        %dma_start3A_412 = arith.constant 0 : i32
        %dma_start3A_413 = arith.constant 0 : i32
        %dma_start3A_414 = tpu.memref_slice %arg12[%dma_start3A_412, %dma_start3A_413] : memref<10000x16xf32, #tpu.memory_space<vmem_shared>> -> memref<10000x16xf32, #tpu.memory_space<vmem_shared>>
        %dma_start3A_415 = tpu.memref_slice %arg10[%dma_start3A_404] : memref<6x!tpu.dma_semaphore, #tpu.memory_space<semaphore_mem>> -> memref<1x!tpu.dma_semaphore, #tpu.memory_space<semaphore_mem>>
        %dma_start3A_416 = tpu.memref_squeeze %dma_start3A_415 : memref<1x!tpu.dma_semaphore, #tpu.memory_space<semaphore_mem>> -> memref<!tpu.dma_semaphore, #tpu.memory_space<semaphore_mem>>
        tpu.enqueue_indirect_dma source(%dma_start3A_414 : memref<10000x16xf32, #tpu.memory_space<vmem_shared>>) target(%dma_start3A_408 : memref<128x16xf32, #tpu.memory_space<vmem>>) offsets(%dma_start3A_411 : memref<128xi32, #tpu.memory_space<vmem>>) semaphore(%dma_start3A_416 : memref<!tpu.dma_semaphore, #tpu.memory_space<semaphore_mem>>)
      } else {
      }
    }
    %scan3A_64 = arith.constant 13 : i32
    %dma_wait3A = arith.constant 0 : i32
    %dma_wait3A_65 = arith.constant 72 : i32
    %dma_wait3A_66 = arith.constant 0 : i32
    %dma_wait3A_67 = arith.constant 0 : i32
    %dma_wait3A_68 = arith.constant 0 : i32
    %dma_wait3A_69 = tpu.memref_slice %arg8[%dma_wait3A, %dma_wait3A_67, %dma_wait3A_68] : memref<6x128x16xf32, #tpu.memory_space<vmem>> -> memref<1x128x16xf32, #tpu.memory_space<vmem>>
    %dma_wait3A_70 = tpu.memref_squeeze %dma_wait3A_69 : memref<1x128x16xf32, #tpu.memory_space<vmem>> -> memref<128x16xf32, #tpu.memory_space<vmem>>
    %dma_wait3A_71 = arith.constant 0 : i32
    %dma_wait3A_72 = tpu.memref_slice %arg7[%dma_wait3A_65, %dma_wait3A_71] : memref<79x128xi32, #tpu.memory_space<vmem>> -> memref<1x128xi32, #tpu.memory_space<vmem>>
    %dma_wait3A_73 = tpu.memref_squeeze %dma_wait3A_72 : memref<1x128xi32, #tpu.memory_space<vmem>> -> memref<128xi32, #tpu.memory_space<vmem>>
    %dma_wait3A_74 = arith.constant 0 : i32
    %dma_wait3A_75 = arith.constant 0 : i32
    %dma_wait3A_76 = tpu.memref_slice %arg9[%dma_wait3A_74, %dma_wait3A_75] : memref<10240x16xf32, #tpu.memory_space<vmem_shared>> -> memref<10240x16xf32, #tpu.memory_space<vmem_shared>>
    %dma_wait3A_77 = tpu.memref_slice %arg11[%dma_wait3A_66] : memref<6x!tpu.dma_semaphore, #tpu.memory_space<semaphore_mem>> -> memref<1x!tpu.dma_semaphore, #tpu.memory_space<semaphore_mem>>
    %dma_wait3A_78 = tpu.memref_squeeze %dma_wait3A_77 : memref<1x!tpu.dma_semaphore, #tpu.memory_space<semaphore_mem>> -> memref<!tpu.dma_semaphore, #tpu.memory_space<semaphore_mem>>
    tpu.wait_indirect_dma semaphore(%dma_wait3A_78 : memref<!tpu.dma_semaphore, #tpu.memory_space<semaphore_mem>>) src(%dma_wait3A_70 : memref<128x16xf32, #tpu.memory_space<vmem>>) dst(%dma_wait3A_76 : memref<10240x16xf32, #tpu.memory_space<vmem_shared>>)
    %dma_wait3A_79 = arith.constant 1 : i32
    %dma_wait3A_80 = arith.constant 73 : i32
    %dma_wait3A_81 = arith.constant 1 : i32
    %dma_wait3A_82 = arith.constant 0 : i32
    %dma_wait3A_83 = arith.constant 0 : i32
    %dma_wait3A_84 = tpu.memref_slice %arg8[%dma_wait3A_79, %dma_wait3A_82, %dma_wait3A_83] : memref<6x128x16xf32, #tpu.memory_space<vmem>> -> memref<1x128x16xf32, #tpu.memory_space<vmem>>
    %dma_wait3A_85 = tpu.memref_squeeze %dma_wait3A_84 : memref<1x128x16xf32, #tpu.memory_space<vmem>> -> memref<128x16xf32, #tpu.memory_space<vmem>>
    %dma_wait3A_86 = arith.constant 0 : i32
    %dma_wait3A_87 = tpu.memref_slice %arg7[%dma_wait3A_80, %dma_wait3A_86] : memref<79x128xi32, #tpu.memory_space<vmem>> -> memref<1x128xi32, #tpu.memory_space<vmem>>
    %dma_wait3A_88 = tpu.memref_squeeze %dma_wait3A_87 : memref<1x128xi32, #tpu.memory_space<vmem>> -> memref<128xi32, #tpu.memory_space<vmem>>
    %dma_wait3A_89 = arith.constant 0 : i32
    %dma_wait3A_90 = arith.constant 0 : i32
    %dma_wait3A_91 = tpu.memref_slice %arg9[%dma_wait3A_89, %dma_wait3A_90] : memref<10240x16xf32, #tpu.memory_space<vmem_shared>> -> memref<10240x16xf32, #tpu.memory_space<vmem_shared>>
    %dma_wait3A_92 = tpu.memref_slice %arg11[%dma_wait3A_81] : memref<6x!tpu.dma_semaphore, #tpu.memory_space<semaphore_mem>> -> memref<1x!tpu.dma_semaphore, #tpu.memory_space<semaphore_mem>>
    %dma_wait3A_93 = tpu.memref_squeeze %dma_wait3A_92 : memref<1x!tpu.dma_semaphore, #tpu.memory_space<semaphore_mem>> -> memref<!tpu.dma_semaphore, #tpu.memory_space<semaphore_mem>>
    tpu.wait_indirect_dma semaphore(%dma_wait3A_93 : memref<!tpu.dma_semaphore, #tpu.memory_space<semaphore_mem>>) src(%dma_wait3A_85 : memref<128x16xf32, #tpu.memory_space<vmem>>) dst(%dma_wait3A_91 : memref<10240x16xf32, #tpu.memory_space<vmem_shared>>)
    %dma_wait3A_94 = arith.constant 2 : i32
    %dma_wait3A_95 = arith.constant 74 : i32
    %dma_wait3A_96 = arith.constant 2 : i32
    %dma_wait3A_97 = arith.constant 0 : i32
    %dma_wait3A_98 = arith.constant 0 : i32
    %dma_wait3A_99 = tpu.memref_slice %arg8[%dma_wait3A_94, %dma_wait3A_97, %dma_wait3A_98] : memref<6x128x16xf32, #tpu.memory_space<vmem>> -> memref<1x128x16xf32, #tpu.memory_space<vmem>>
    %dma_wait3A_100 = tpu.memref_squeeze %dma_wait3A_99 : memref<1x128x16xf32, #tpu.memory_space<vmem>> -> memref<128x16xf32, #tpu.memory_space<vmem>>
    %dma_wait3A_101 = arith.constant 0 : i32
    %dma_wait3A_102 = tpu.memref_slice %arg7[%dma_wait3A_95, %dma_wait3A_101] : memref<79x128xi32, #tpu.memory_space<vmem>> -> memref<1x128xi32, #tpu.memory_space<vmem>>
    %dma_wait3A_103 = tpu.memref_squeeze %dma_wait3A_102 : memref<1x128xi32, #tpu.memory_space<vmem>> -> memref<128xi32, #tpu.memory_space<vmem>>
    %dma_wait3A_104 = arith.constant 0 : i32
    %dma_wait3A_105 = arith.constant 0 : i32
    %dma_wait3A_106 = tpu.memref_slice %arg9[%dma_wait3A_104, %dma_wait3A_105] : memref<10240x16xf32, #tpu.memory_space<vmem_shared>> -> memref<10240x16xf32, #tpu.memory_space<vmem_shared>>
    %dma_wait3A_107 = tpu.memref_slice %arg11[%dma_wait3A_96] : memref<6x!tpu.dma_semaphore, #tpu.memory_space<semaphore_mem>> -> memref<1x!tpu.dma_semaphore, #tpu.memory_space<semaphore_mem>>
    %dma_wait3A_108 = tpu.memref_squeeze %dma_wait3A_107 : memref<1x!tpu.dma_semaphore, #tpu.memory_space<semaphore_mem>> -> memref<!tpu.dma_semaphore, #tpu.memory_space<semaphore_mem>>
    tpu.wait_indirect_dma semaphore(%dma_wait3A_108 : memref<!tpu.dma_semaphore, #tpu.memory_space<semaphore_mem>>) src(%dma_wait3A_100 : memref<128x16xf32, #tpu.memory_space<vmem>>) dst(%dma_wait3A_106 : memref<10240x16xf32, #tpu.memory_space<vmem_shared>>)
    %dma_wait3A_109 = arith.constant 3 : i32
    %dma_wait3A_110 = arith.constant 75 : i32
    %dma_wait3A_111 = arith.constant 3 : i32
    %dma_wait3A_112 = arith.constant 0 : i32
    %dma_wait3A_113 = arith.constant 0 : i32
    %dma_wait3A_114 = tpu.memref_slice %arg8[%dma_wait3A_109, %dma_wait3A_112, %dma_wait3A_113] : memref<6x128x16xf32, #tpu.memory_space<vmem>> -> memref<1x128x16xf32, #tpu.memory_space<vmem>>
    %dma_wait3A_115 = tpu.memref_squeeze %dma_wait3A_114 : memref<1x128x16xf32, #tpu.memory_space<vmem>> -> memref<128x16xf32, #tpu.memory_space<vmem>>
    %dma_wait3A_116 = arith.constant 0 : i32
    %dma_wait3A_117 = tpu.memref_slice %arg7[%dma_wait3A_110, %dma_wait3A_116] : memref<79x128xi32, #tpu.memory_space<vmem>> -> memref<1x128xi32, #tpu.memory_space<vmem>>
    %dma_wait3A_118 = tpu.memref_squeeze %dma_wait3A_117 : memref<1x128xi32, #tpu.memory_space<vmem>> -> memref<128xi32, #tpu.memory_space<vmem>>
    %dma_wait3A_119 = arith.constant 0 : i32
    %dma_wait3A_120 = arith.constant 0 : i32
    %dma_wait3A_121 = tpu.memref_slice %arg9[%dma_wait3A_119, %dma_wait3A_120] : memref<10240x16xf32, #tpu.memory_space<vmem_shared>> -> memref<10240x16xf32, #tpu.memory_space<vmem_shared>>
    %dma_wait3A_122 = tpu.memref_slice %arg11[%dma_wait3A_111] : memref<6x!tpu.dma_semaphore, #tpu.memory_space<semaphore_mem>> -> memref<1x!tpu.dma_semaphore, #tpu.memory_space<semaphore_mem>>
    %dma_wait3A_123 = tpu.memref_squeeze %dma_wait3A_122 : memref<1x!tpu.dma_semaphore, #tpu.memory_space<semaphore_mem>> -> memref<!tpu.dma_semaphore, #tpu.memory_space<semaphore_mem>>
    tpu.wait_indirect_dma semaphore(%dma_wait3A_123 : memref<!tpu.dma_semaphore, #tpu.memory_space<semaphore_mem>>) src(%dma_wait3A_115 : memref<128x16xf32, #tpu.memory_space<vmem>>) dst(%dma_wait3A_121 : memref<10240x16xf32, #tpu.memory_space<vmem_shared>>)
    %dma_wait3A_124 = arith.constant 4 : i32
    %dma_wait3A_125 = arith.constant 76 : i32
    %dma_wait3A_126 = arith.constant 4 : i32
    %dma_wait3A_127 = arith.constant 0 : i32
    %dma_wait3A_128 = arith.constant 0 : i32
    %dma_wait3A_129 = tpu.memref_slice %arg8[%dma_wait3A_124, %dma_wait3A_127, %dma_wait3A_128] : memref<6x128x16xf32, #tpu.memory_space<vmem>> -> memref<1x128x16xf32, #tpu.memory_space<vmem>>
    %dma_wait3A_130 = tpu.memref_squeeze %dma_wait3A_129 : memref<1x128x16xf32, #tpu.memory_space<vmem>> -> memref<128x16xf32, #tpu.memory_space<vmem>>
    %dma_wait3A_131 = arith.constant 0 : i32
    %dma_wait3A_132 = tpu.memref_slice %arg7[%dma_wait3A_125, %dma_wait3A_131] : memref<79x128xi32, #tpu.memory_space<vmem>> -> memref<1x128xi32, #tpu.memory_space<vmem>>
    %dma_wait3A_133 = tpu.memref_squeeze %dma_wait3A_132 : memref<1x128xi32, #tpu.memory_space<vmem>> -> memref<128xi32, #tpu.memory_space<vmem>>
    %dma_wait3A_134 = arith.constant 0 : i32
    %dma_wait3A_135 = arith.constant 0 : i32
    %dma_wait3A_136 = tpu.memref_slice %arg9[%dma_wait3A_134, %dma_wait3A_135] : memref<10240x16xf32, #tpu.memory_space<vmem_shared>> -> memref<10240x16xf32, #tpu.memory_space<vmem_shared>>
    %dma_wait3A_137 = tpu.memref_slice %arg11[%dma_wait3A_126] : memref<6x!tpu.dma_semaphore, #tpu.memory_space<semaphore_mem>> -> memref<1x!tpu.dma_semaphore, #tpu.memory_space<semaphore_mem>>
    %dma_wait3A_138 = tpu.memref_squeeze %dma_wait3A_137 : memref<1x!tpu.dma_semaphore, #tpu.memory_space<semaphore_mem>> -> memref<!tpu.dma_semaphore, #tpu.memory_space<semaphore_mem>>
    tpu.wait_indirect_dma semaphore(%dma_wait3A_138 : memref<!tpu.dma_semaphore, #tpu.memory_space<semaphore_mem>>) src(%dma_wait3A_130 : memref<128x16xf32, #tpu.memory_space<vmem>>) dst(%dma_wait3A_136 : memref<10240x16xf32, #tpu.memory_space<vmem_shared>>)
    %dma_wait3A_139 = arith.constant 5 : i32
    %dma_wait3A_140 = arith.constant 77 : i32
    %dma_wait3A_141 = arith.constant 5 : i32
    %dma_wait3A_142 = arith.constant 0 : i32
    %dma_wait3A_143 = arith.constant 0 : i32
    %dma_wait3A_144 = tpu.memref_slice %arg8[%dma_wait3A_139, %dma_wait3A_142, %dma_wait3A_143] : memref<6x128x16xf32, #tpu.memory_space<vmem>> -> memref<1x128x16xf32, #tpu.memory_space<vmem>>
    %dma_wait3A_145 = tpu.memref_squeeze %dma_wait3A_144 : memref<1x128x16xf32, #tpu.memory_space<vmem>> -> memref<128x16xf32, #tpu.memory_space<vmem>>
    %dma_wait3A_146 = arith.constant 0 : i32
    %dma_wait3A_147 = tpu.memref_slice %arg7[%dma_wait3A_140, %dma_wait3A_146] : memref<79x128xi32, #tpu.memory_space<vmem>> -> memref<1x128xi32, #tpu.memory_space<vmem>>
    %dma_wait3A_148 = tpu.memref_squeeze %dma_wait3A_147 : memref<1x128xi32, #tpu.memory_space<vmem>> -> memref<128xi32, #tpu.memory_space<vmem>>
    %dma_wait3A_149 = arith.constant 0 : i32
    %dma_wait3A_150 = arith.constant 0 : i32
    %dma_wait3A_151 = tpu.memref_slice %arg9[%dma_wait3A_149, %dma_wait3A_150] : memref<10240x16xf32, #tpu.memory_space<vmem_shared>> -> memref<10240x16xf32, #tpu.memory_space<vmem_shared>>
    %dma_wait3A_152 = tpu.memref_slice %arg11[%dma_wait3A_141] : memref<6x!tpu.dma_semaphore, #tpu.memory_space<semaphore_mem>> -> memref<1x!tpu.dma_semaphore, #tpu.memory_space<semaphore_mem>>
    %dma_wait3A_153 = tpu.memref_squeeze %dma_wait3A_152 : memref<1x!tpu.dma_semaphore, #tpu.memory_space<semaphore_mem>> -> memref<!tpu.dma_semaphore, #tpu.memory_space<semaphore_mem>>
    tpu.wait_indirect_dma semaphore(%dma_wait3A_153 : memref<!tpu.dma_semaphore, #tpu.memory_space<semaphore_mem>>) src(%dma_wait3A_145 : memref<128x16xf32, #tpu.memory_space<vmem>>) dst(%dma_wait3A_151 : memref<10240x16xf32, #tpu.memory_space<vmem_shared>>)
    %convert_element_type3A_154 = arith.extui %lt3A_15 : i1 to i32
    %cond3A_155 = arith.constant 0 : i32
    %cond3A_156 = arith.cmpi ne, %convert_element_type3A_154, %cond3A_155 : i32
    scf.if %cond3A_156 {
      %dma_start3A_162 = arith.constant 78 : i32
      %dma_start3A_163 = arith.constant 0 : i32
      %dma_start3A_164 = arith.constant 0 : i32
      %dma_start3A_165 = arith.constant 0 : i32
      %dma_start3A_166 = arith.constant 0 : i32
      %dma_start3A_167 = tpu.memref_slice %arg8[%dma_start3A_163, %dma_start3A_165, %dma_start3A_166] : memref<6x128x16xf32, #tpu.memory_space<vmem>> -> memref<1x128x16xf32, #tpu.memory_space<vmem>>
      %dma_start3A_168 = tpu.memref_squeeze %dma_start3A_167 : memref<1x128x16xf32, #tpu.memory_space<vmem>> -> memref<128x16xf32, #tpu.memory_space<vmem>>
      %dma_start3A_169 = arith.constant 0 : i32
      %dma_start3A_170 = tpu.memref_slice %arg6[%dma_start3A_162, %dma_start3A_169] : memref<79x128xi32, #tpu.memory_space<vmem>> -> memref<1x128xi32, #tpu.memory_space<vmem>>
      %dma_start3A_171 = tpu.memref_squeeze %dma_start3A_170 : memref<1x128xi32, #tpu.memory_space<vmem>> -> memref<128xi32, #tpu.memory_space<vmem>>
      %dma_start3A_172 = arith.constant 0 : i32
      %dma_start3A_173 = arith.constant 0 : i32
      %dma_start3A_174 = tpu.memref_slice %arg12[%dma_start3A_172, %dma_start3A_173] : memref<10000x16xf32, #tpu.memory_space<vmem_shared>> -> memref<10000x16xf32, #tpu.memory_space<vmem_shared>>
      %dma_start3A_175 = tpu.memref_slice %arg10[%dma_start3A_164] : memref<6x!tpu.dma_semaphore, #tpu.memory_space<semaphore_mem>> -> memref<1x!tpu.dma_semaphore, #tpu.memory_space<semaphore_mem>>
      %dma_start3A_176 = tpu.memref_squeeze %dma_start3A_175 : memref<1x!tpu.dma_semaphore, #tpu.memory_space<semaphore_mem>> -> memref<!tpu.dma_semaphore, #tpu.memory_space<semaphore_mem>>
      tpu.enqueue_indirect_dma source(%dma_start3A_174 : memref<10000x16xf32, #tpu.memory_space<vmem_shared>>) target(%dma_start3A_168 : memref<128x16xf32, #tpu.memory_space<vmem>>) offsets(%dma_start3A_171 : memref<128xi32, #tpu.memory_space<vmem>>) semaphore(%dma_start3A_176 : memref<!tpu.dma_semaphore, #tpu.memory_space<semaphore_mem>>)
      %dma_wait3A_177 = arith.constant 78 : i32
      %dma_wait3A_178 = arith.constant 0 : i32
      %dma_wait3A_179 = arith.constant 0 : i32
      %dma_wait3A_180 = arith.constant 0 : i32
      %dma_wait3A_181 = arith.constant 0 : i32
      %dma_wait3A_182 = tpu.memref_slice %arg8[%dma_wait3A_178, %dma_wait3A_180, %dma_wait3A_181] : memref<6x128x16xf32, #tpu.memory_space<vmem>> -> memref<1x128x16xf32, #tpu.memory_space<vmem>>
      %dma_wait3A_183 = tpu.memref_squeeze %dma_wait3A_182 : memref<1x128x16xf32, #tpu.memory_space<vmem>> -> memref<128x16xf32, #tpu.memory_space<vmem>>
      %dma_wait3A_184 = arith.constant 0 : i32
      %dma_wait3A_185 = tpu.memref_slice %arg6[%dma_wait3A_177, %dma_wait3A_184] : memref<79x128xi32, #tpu.memory_space<vmem>> -> memref<1x128xi32, #tpu.memory_space<vmem>>
      %dma_wait3A_186 = tpu.memref_squeeze %dma_wait3A_185 : memref<1x128xi32, #tpu.memory_space<vmem>> -> memref<128xi32, #tpu.memory_space<vmem>>
      %dma_wait3A_187 = arith.constant 0 : i32
      %dma_wait3A_188 = arith.constant 0 : i32
      %dma_wait3A_189 = tpu.memref_slice %arg12[%dma_wait3A_187, %dma_wait3A_188] : memref<10000x16xf32, #tpu.memory_space<vmem_shared>> -> memref<10000x16xf32, #tpu.memory_space<vmem_shared>>
      %dma_wait3A_190 = tpu.memref_slice %arg10[%dma_wait3A_179] : memref<6x!tpu.dma_semaphore, #tpu.memory_space<semaphore_mem>> -> memref<1x!tpu.dma_semaphore, #tpu.memory_space<semaphore_mem>>
      %dma_wait3A_191 = tpu.memref_squeeze %dma_wait3A_190 : memref<1x!tpu.dma_semaphore, #tpu.memory_space<semaphore_mem>> -> memref<!tpu.dma_semaphore, #tpu.memory_space<semaphore_mem>>
      tpu.wait_indirect_dma semaphore(%dma_wait3A_191 : memref<!tpu.dma_semaphore, #tpu.memory_space<semaphore_mem>>) src(%dma_wait3A_189 : memref<10000x16xf32, #tpu.memory_space<vmem_shared>>) dst(%dma_wait3A_183 : memref<128x16xf32, #tpu.memory_space<vmem>>)
      %dma_start3A_192 = arith.constant 0 : i32
      %dma_start3A_193 = arith.constant 78 : i32
      %dma_start3A_194 = arith.constant 0 : i32
      %dma_start3A_195 = arith.constant 0 : i32
      %dma_start3A_196 = arith.constant 0 : i32
      %dma_start3A_197 = tpu.memref_slice %arg8[%dma_start3A_192, %dma_start3A_195, %dma_start3A_196] : memref<6x128x16xf32, #tpu.memory_space<vmem>> -> memref<1x128x16xf32, #tpu.memory_space<vmem>>
      %dma_start3A_198 = tpu.memref_squeeze %dma_start3A_197 : memref<1x128x16xf32, #tpu.memory_space<vmem>> -> memref<128x16xf32, #tpu.memory_space<vmem>>
      %dma_start3A_199 = arith.constant 0 : i32
      %dma_start3A_200 = tpu.memref_slice %arg7[%dma_start3A_193, %dma_start3A_199] : memref<79x128xi32, #tpu.memory_space<vmem>> -> memref<1x128xi32, #tpu.memory_space<vmem>>
      %dma_start3A_201 = tpu.memref_squeeze %dma_start3A_200 : memref<1x128xi32, #tpu.memory_space<vmem>> -> memref<128xi32, #tpu.memory_space<vmem>>
      %dma_start3A_202 = arith.constant 0 : i32
      %dma_start3A_203 = arith.constant 0 : i32
      %dma_start3A_204 = tpu.memref_slice %arg9[%dma_start3A_202, %dma_start3A_203] : memref<10240x16xf32, #tpu.memory_space<vmem_shared>> -> memref<10240x16xf32, #tpu.memory_space<vmem_shared>>
      %dma_start3A_205 = tpu.memref_slice %arg11[%dma_start3A_194] : memref<6x!tpu.dma_semaphore, #tpu.memory_space<semaphore_mem>> -> memref<1x!tpu.dma_semaphore, #tpu.memory_space<semaphore_mem>>
      %dma_start3A_206 = tpu.memref_squeeze %dma_start3A_205 : memref<1x!tpu.dma_semaphore, #tpu.memory_space<semaphore_mem>> -> memref<!tpu.dma_semaphore, #tpu.memory_space<semaphore_mem>>
      tpu.enqueue_indirect_dma source(%dma_start3A_198 : memref<128x16xf32, #tpu.memory_space<vmem>>) target(%dma_start3A_204 : memref<10240x16xf32, #tpu.memory_space<vmem_shared>>) offsets(%dma_start3A_201 : memref<128xi32, #tpu.memory_space<vmem>>) semaphore(%dma_start3A_206 : memref<!tpu.dma_semaphore, #tpu.memory_space<semaphore_mem>>) {add = true}
      %dma_wait3A_207 = arith.constant 0 : i32
      %dma_wait3A_208 = arith.constant 78 : i32
      %dma_wait3A_209 = arith.constant 0 : i32
      %dma_wait3A_210 = arith.constant 0 : i32
      %dma_wait3A_211 = arith.constant 0 : i32
      %dma_wait3A_212 = tpu.memref_slice %arg8[%dma_wait3A_207, %dma_wait3A_210, %dma_wait3A_211] : memref<6x128x16xf32, #tpu.memory_space<vmem>> -> memref<1x128x16xf32, #tpu.memory_space<vmem>>
      %dma_wait3A_213 = tpu.memref_squeeze %dma_wait3A_212 : memref<1x128x16xf32, #tpu.memory_space<vmem>> -> memref<128x16xf32, #tpu.memory_space<vmem>>
      %dma_wait3A_214 = arith.constant 0 : i32
      %dma_wait3A_215 = tpu.memref_slice %arg7[%dma_wait3A_208, %dma_wait3A_214] : memref<79x128xi32, #tpu.memory_space<vmem>> -> memref<1x128xi32, #tpu.memory_space<vmem>>
      %dma_wait3A_216 = tpu.memref_squeeze %dma_wait3A_215 : memref<1x128xi32, #tpu.memory_space<vmem>> -> memref<128xi32, #tpu.memory_space<vmem>>
      %dma_wait3A_217 = arith.constant 0 : i32
      %dma_wait3A_218 = arith.constant 0 : i32
      %dma_wait3A_219 = tpu.memref_slice %arg9[%dma_wait3A_217, %dma_wait3A_218] : memref<10240x16xf32, #tpu.memory_space<vmem_shared>> -> memref<10240x16xf32, #tpu.memory_space<vmem_shared>>
      %dma_wait3A_220 = tpu.memref_slice %arg11[%dma_wait3A_209] : memref<6x!tpu.dma_semaphore, #tpu.memory_space<semaphore_mem>> -> memref<1x!tpu.dma_semaphore, #tpu.memory_space<semaphore_mem>>
      %dma_wait3A_221 = tpu.memref_squeeze %dma_wait3A_220 : memref<1x!tpu.dma_semaphore, #tpu.memory_space<semaphore_mem>> -> memref<!tpu.dma_semaphore, #tpu.memory_space<semaphore_mem>>
      tpu.wait_indirect_dma semaphore(%dma_wait3A_221 : memref<!tpu.dma_semaphore, #tpu.memory_space<semaphore_mem>>) src(%dma_wait3A_213 : memref<128x16xf32, #tpu.memory_space<vmem>>) dst(%dma_wait3A_219 : memref<10240x16xf32, #tpu.memory_space<vmem_shared>>)
    } else {
    }
    %barrier3A_157 = arith.constant 0 : index
    tpu.barrier barrier_id(%barrier3A_157)
    %mul3A_158 = arith.constant 640 : i32
    %mul3A_159 = arith.muli %arg1, %mul3A_158 : i32
    %mul3A_160 = arith.constant 640 : i32
    %mul3A_161 = arith.muli %arg1, %mul3A_160 : i32
    "tpu.region"() ({
      %run_scoped3A_162 = tpu.sem_alloc : memref<!tpu.dma_semaphore, #tpu.memory_space<semaphore_mem>>
      %dma_start3A_163 = arith.constant 0 : i32
      %dma_start3A_164 = tpu.memref_slice %arg5[%arg0, %mul3A_161, %dma_start3A_163] : memref<2x10240x16xf32, #tpu.memory_space<hbm>> -> memref<1x640x16xf32, #tpu.memory_space<hbm>>
      %dma_start3A_165 = tpu.memref_squeeze %dma_start3A_164 : memref<1x640x16xf32, #tpu.memory_space<hbm>> -> memref<640x16xf32, #tpu.memory_space<hbm>>
      %dma_start3A_166 = arith.constant 0 : i32
      %dma_start3A_167 = tpu.memref_slice %arg9[%mul3A_159, %dma_start3A_166] : memref<10240x16xf32, #tpu.memory_space<vmem_shared>> -> memref<640x16xf32, #tpu.memory_space<vmem_shared>>
      tpu.enqueue_dma source(%dma_start3A_167 : memref<640x16xf32, #tpu.memory_space<vmem_shared>>) target(%dma_start3A_165 : memref<640x16xf32, #tpu.memory_space<hbm>>) target_semaphore(%run_scoped3A_162 : memref<!tpu.dma_semaphore, #tpu.memory_space<semaphore_mem>>)
      %dma_wait3A_168 = arith.constant 0 : i32
      %dma_wait3A_169 = tpu.memref_slice %arg5[%arg0, %mul3A_161, %dma_wait3A_168] : memref<2x10240x16xf32, #tpu.memory_space<hbm>> -> memref<1x640x16xf32, #tpu.memory_space<hbm>>
      %dma_wait3A_170 = tpu.memref_squeeze %dma_wait3A_169 : memref<1x640x16xf32, #tpu.memory_space<hbm>> -> memref<640x16xf32, #tpu.memory_space<hbm>>
      %dma_wait3A_171 = arith.constant 0 : i32
      %dma_wait3A_172 = tpu.memref_slice %arg9[%mul3A_159, %dma_wait3A_171] : memref<10240x16xf32, #tpu.memory_space<vmem_shared>> -> memref<640x16xf32, #tpu.memory_space<vmem_shared>>
      tpu.wait_dma2 semaphore(%run_scoped3A_162 : memref<!tpu.dma_semaphore, #tpu.memory_space<semaphore_mem>>) src(%dma_wait3A_172 : memref<640x16xf32, #tpu.memory_space<vmem_shared>>) dst(%dma_wait3A_170 : memref<640x16xf32, #tpu.memory_space<hbm>>)
      tpu.yield
    }) : () -> ()
    return
  }
}

#map = affine_map<(d0, d1) -> (0, 0, 0)>
#map1 = affine_map<(d0, d1) -> (0, 0)>
module attributes {stable_mosaic.version = 14 : i64} {
  func.func @spmm(%arg0: i32, %arg1: i32, %arg2: memref<2x10240x16xf32, #tpu.memory_space<hbm>>, %arg3: memref<2x2500x128xi32, #tpu.memory_space<hbm>>, %arg4: memref<640x16xf32, #tpu.memory_space<hbm>>, %arg5: memref<2x10240x16xf32, #tpu.memory_space<hbm>>, %arg6: memref<79x128xi32, #tpu.memory_space<vmem>>, %arg7: memref<79x128xi32, #tpu.memory_space<vmem>>, %arg8: memref<6x128x16xf32, #tpu.memory_space<vmem>>, %arg9: memref<10240x16xf32, #tpu.memory_space<vmem_shared>>, %arg10: memref<6x!tpu.dma_semaphore, #tpu.memory_space<semaphore_mem>>, %arg11: memref<6x!tpu.dma_semaphore, #tpu.memory_space<semaphore_mem>>, %arg12: memref<10240x16xf32, #tpu.memory_space<vmem_shared>>, %arg13: memref<640x16xf32, #tpu.memory_space<vmem>>, %arg14: memref<640x16xf32, #tpu.memory_space<vmem>>) attributes {dimension_semantics = [#tpu.dimension_semantics<core_parallel>, #tpu.dimension_semantics<subcore_parallel>], iteration_bounds = array<i64: 2, 16>, scalar_prefetch = 0 : i64, scratch_operands = 9 : i64, tpu.core_type = #tpu.core_type<sc_vector_subcore>, window_params = [{transform_indices = #map}, {transform_indices = #map}, {transform_indices = #map1}, {transform_indices = #map}]} {
    %mul3A = arith.constant 16 : i32
    %mul3A_0 = arith.muli %arg0, %mul3A : i32
    %add3A = arith.addi %mul3A_0, %arg1 : i32
    %mul3A_1 = arith.constant 640 : i32
    %mul3A_2 = arith.muli %arg1, %mul3A_1 : i32
    "tpu.region"() ({
      %run_scoped3A_172 = tpu.sem_alloc : memref<!tpu.dma_semaphore, #tpu.memory_space<semaphore_mem>>
      %dma_start3A_173 = arith.constant 0 : i32
      %dma_start3A_174 = tpu.memref_slice %arg9[%mul3A_2, %dma_start3A_173] : memref<10240x16xf32, #tpu.memory_space<vmem_shared>> -> memref<640x16xf32, #tpu.memory_space<vmem_shared>>
      tpu.enqueue_dma source(%arg4 : memref<640x16xf32, #tpu.memory_space<hbm>>) target(%dma_start3A_174 : memref<640x16xf32, #tpu.memory_space<vmem_shared>>) target_semaphore(%run_scoped3A_172 : memref<!tpu.dma_semaphore, #tpu.memory_space<semaphore_mem>>)
      %dma_wait3A_175 = arith.constant 0 : i32
      %dma_wait3A_176 = tpu.memref_slice %arg9[%mul3A_2, %dma_wait3A_175] : memref<10240x16xf32, #tpu.memory_space<vmem_shared>> -> memref<640x16xf32, #tpu.memory_space<vmem_shared>>
      tpu.wait_dma2 semaphore(%run_scoped3A_172 : memref<!tpu.dma_semaphore, #tpu.memory_space<semaphore_mem>>) src(%arg4 : memref<640x16xf32, #tpu.memory_space<hbm>>) dst(%dma_wait3A_176 : memref<640x16xf32, #tpu.memory_space<vmem_shared>>)
      tpu.yield
    }) : () -> ()
    %mul3A_3 = arith.constant 78 : i32
    %mul3A_4 = arith.muli %add3A, %mul3A_3 : i32
    %min3A = arith.constant 4 : i32
    %min3A_5 = arith.minsi %add3A, %min3A : i32
    %add3A_6 = arith.addi %mul3A_4, %min3A_5 : i32
    %run_scoped3A = arith.constant 0 : i32
    "tpu.region"() ({
      %run_scoped3A_172 = tpu.sem_alloc : memref<!tpu.dma_semaphore, #tpu.memory_space<semaphore_mem>>
      %dma_start3A_173 = arith.constant 0 : i32
      %dma_start3A_174 = arith.constant 0 : i32
      %dma_start3A_175 = tpu.memref_slice %arg6[%dma_start3A_173, %dma_start3A_174] : memref<79x128xi32, #tpu.memory_space<vmem>> -> memref<78x128xi32, #tpu.memory_space<vmem>>
      %dma_start3A_176 = arith.constant 0 : i32
      %dma_start3A_177 = tpu.memref_slice %arg3[%run_scoped3A, %add3A_6, %dma_start3A_176] : memref<2x2500x128xi32, #tpu.memory_space<hbm>> -> memref<1x78x128xi32, #tpu.memory_space<hbm>>
      %dma_start3A_178 = tpu.memref_squeeze %dma_start3A_177 : memref<1x78x128xi32, #tpu.memory_space<hbm>> -> memref<78x128xi32, #tpu.memory_space<hbm>>
      %dma_start3A_179 = arith.constant 0 : i32
      %dma_start3A_180 = arith.constant 0 : i32
      %dma_start3A_181 = tpu.memref_slice %arg6[%dma_start3A_179, %dma_start3A_180] : memref<79x128xi32, #tpu.memory_space<vmem>> -> memref<78x128xi32, #tpu.memory_space<vmem>>
      %dma_start3A_182 = arith.constant 0 : i32
      %dma_start3A_183 = tpu.memref_slice %arg3[%run_scoped3A, %add3A_6, %dma_start3A_182] : memref<2x2500x128xi32, #tpu.memory_space<hbm>> -> memref<1x78x128xi32, #tpu.memory_space<hbm>>
      %dma_start3A_184 = tpu.memref_squeeze %dma_start3A_183 : memref<1x78x128xi32, #tpu.memory_space<hbm>> -> memref<78x128xi32, #tpu.memory_space<hbm>>
      tpu.enqueue_dma source(%dma_start3A_184 : memref<78x128xi32, #tpu.memory_space<hbm>>) target(%dma_start3A_181 : memref<78x128xi32, #tpu.memory_space<vmem>>) target_semaphore(%run_scoped3A_172 : memref<!tpu.dma_semaphore, #tpu.memory_space<semaphore_mem>>)
      %dma_wait3A_185 = arith.constant 0 : i32
      %dma_wait3A_186 = arith.constant 0 : i32
      %dma_wait3A_187 = tpu.memref_slice %arg6[%dma_wait3A_185, %dma_wait3A_186] : memref<79x128xi32, #tpu.memory_space<vmem>> -> memref<78x128xi32, #tpu.memory_space<vmem>>
      %dma_wait3A_188 = arith.constant 0 : i32
      %dma_wait3A_189 = tpu.memref_slice %arg3[%run_scoped3A, %add3A_6, %dma_wait3A_188] : memref<2x2500x128xi32, #tpu.memory_space<hbm>> -> memref<1x78x128xi32, #tpu.memory_space<hbm>>
      %dma_wait3A_190 = tpu.memref_squeeze %dma_wait3A_189 : memref<1x78x128xi32, #tpu.memory_space<hbm>> -> memref<78x128xi32, #tpu.memory_space<hbm>>
      %dma_wait3A_191 = arith.constant 0 : i32
      %dma_wait3A_192 = arith.constant 0 : i32
      %dma_wait3A_193 = tpu.memref_slice %arg6[%dma_wait3A_191, %dma_wait3A_192] : memref<79x128xi32, #tpu.memory_space<vmem>> -> memref<78x128xi32, #tpu.memory_space<vmem>>
      %dma_wait3A_194 = arith.constant 0 : i32
      %dma_wait3A_195 = tpu.memref_slice %arg3[%run_scoped3A, %add3A_6, %dma_wait3A_194] : memref<2x2500x128xi32, #tpu.memory_space<hbm>> -> memref<1x78x128xi32, #tpu.memory_space<hbm>>
      %dma_wait3A_196 = tpu.memref_squeeze %dma_wait3A_195 : memref<1x78x128xi32, #tpu.memory_space<hbm>> -> memref<78x128xi32, #tpu.memory_space<hbm>>
      tpu.wait_dma2 semaphore(%run_scoped3A_172 : memref<!tpu.dma_semaphore, #tpu.memory_space<semaphore_mem>>) src(%dma_wait3A_196 : memref<78x128xi32, #tpu.memory_space<hbm>>) dst(%dma_wait3A_193 : memref<78x128xi32, #tpu.memory_space<vmem>>)
      tpu.yield
    }) : () -> ()
    %run_scoped3A_7 = arith.constant 1 : i32
    "tpu.region"() ({
      %run_scoped3A_172 = tpu.sem_alloc : memref<!tpu.dma_semaphore, #tpu.memory_space<semaphore_mem>>
      %dma_start3A_173 = arith.constant 0 : i32
      %dma_start3A_174 = arith.constant 0 : i32
      %dma_start3A_175 = tpu.memref_slice %arg7[%dma_start3A_173, %dma_start3A_174] : memref<79x128xi32, #tpu.memory_space<vmem>> -> memref<78x128xi32, #tpu.memory_space<vmem>>
      %dma_start3A_176 = arith.constant 0 : i32
      %dma_start3A_177 = tpu.memref_slice %arg3[%run_scoped3A_7, %add3A_6, %dma_start3A_176] : memref<2x2500x128xi32, #tpu.memory_space<hbm>> -> memref<1x78x128xi32, #tpu.memory_space<hbm>>
      %dma_start3A_178 = tpu.memref_squeeze %dma_start3A_177 : memref<1x78x128xi32, #tpu.memory_space<hbm>> -> memref<78x128xi32, #tpu.memory_space<hbm>>
      %dma_start3A_179 = arith.constant 0 : i32
      %dma_start3A_180 = arith.constant 0 : i32
      %dma_start3A_181 = tpu.memref_slice %arg7[%dma_start3A_179, %dma_start3A_180] : memref<79x128xi32, #tpu.memory_space<vmem>> -> memref<78x128xi32, #tpu.memory_space<vmem>>
      %dma_start3A_182 = arith.constant 0 : i32
      %dma_start3A_183 = tpu.memref_slice %arg3[%run_scoped3A_7, %add3A_6, %dma_start3A_182] : memref<2x2500x128xi32, #tpu.memory_space<hbm>> -> memref<1x78x128xi32, #tpu.memory_space<hbm>>
      %dma_start3A_184 = tpu.memref_squeeze %dma_start3A_183 : memref<1x78x128xi32, #tpu.memory_space<hbm>> -> memref<78x128xi32, #tpu.memory_space<hbm>>
      tpu.enqueue_dma source(%dma_start3A_184 : memref<78x128xi32, #tpu.memory_space<hbm>>) target(%dma_start3A_181 : memref<78x128xi32, #tpu.memory_space<vmem>>) target_semaphore(%run_scoped3A_172 : memref<!tpu.dma_semaphore, #tpu.memory_space<semaphore_mem>>)
      %dma_wait3A_185 = arith.constant 0 : i32
      %dma_wait3A_186 = arith.constant 0 : i32
      %dma_wait3A_187 = tpu.memref_slice %arg7[%dma_wait3A_185, %dma_wait3A_186] : memref<79x128xi32, #tpu.memory_space<vmem>> -> memref<78x128xi32, #tpu.memory_space<vmem>>
      %dma_wait3A_188 = arith.constant 0 : i32
      %dma_wait3A_189 = tpu.memref_slice %arg3[%run_scoped3A_7, %add3A_6, %dma_wait3A_188] : memref<2x2500x128xi32, #tpu.memory_space<hbm>> -> memref<1x78x128xi32, #tpu.memory_space<hbm>>
      %dma_wait3A_190 = tpu.memref_squeeze %dma_wait3A_189 : memref<1x78x128xi32, #tpu.memory_space<hbm>> -> memref<78x128xi32, #tpu.memory_space<hbm>>
      %dma_wait3A_191 = arith.constant 0 : i32
      %dma_wait3A_192 = arith.constant 0 : i32
      %dma_wait3A_193 = tpu.memref_slice %arg7[%dma_wait3A_191, %dma_wait3A_192] : memref<79x128xi32, #tpu.memory_space<vmem>> -> memref<78x128xi32, #tpu.memory_space<vmem>>
      %dma_wait3A_194 = arith.constant 0 : i32
      %dma_wait3A_195 = tpu.memref_slice %arg3[%run_scoped3A_7, %add3A_6, %dma_wait3A_194] : memref<2x2500x128xi32, #tpu.memory_space<hbm>> -> memref<1x78x128xi32, #tpu.memory_space<hbm>>
      %dma_wait3A_196 = tpu.memref_squeeze %dma_wait3A_195 : memref<1x78x128xi32, #tpu.memory_space<hbm>> -> memref<78x128xi32, #tpu.memory_space<hbm>>
      tpu.wait_dma2 semaphore(%run_scoped3A_172 : memref<!tpu.dma_semaphore, #tpu.memory_space<semaphore_mem>>) src(%dma_wait3A_196 : memref<78x128xi32, #tpu.memory_space<hbm>>) dst(%dma_wait3A_193 : memref<78x128xi32, #tpu.memory_space<vmem>>)
      tpu.yield
    }) : () -> ()
    %lt3A = arith.constant 4 : i32
    %lt3A_8 = arith.cmpi slt, %add3A, %lt3A : i32
    %convert_element_type3A = arith.extui %lt3A_8 : i1 to i32
    %cond3A = arith.constant 0 : i32
    %cond3A_9 = arith.cmpi ne, %convert_element_type3A, %cond3A : i32
    scf.if %cond3A_9 {
      %add3A_172 = arith.constant 78 : i32
      %add3A_173 = arith.addi %add3A_6, %add3A_172 : i32
      %run_scoped3A_174 = arith.constant 0 : i32
      "tpu.region"() ({
        %run_scoped3A_178 = tpu.sem_alloc : memref<!tpu.dma_semaphore, #tpu.memory_space<semaphore_mem>>
        %dma_start3A_179 = arith.constant 78 : i32
        %dma_start3A_180 = arith.constant 0 : i32
        %dma_start3A_181 = tpu.memref_slice %arg6[%dma_start3A_179, %dma_start3A_180] : memref<79x128xi32, #tpu.memory_space<vmem>> -> memref<1x128xi32, #tpu.memory_space<vmem>>
        %dma_start3A_182 = arith.constant 0 : i32
        %dma_start3A_183 = tpu.memref_slice %arg3[%run_scoped3A_174, %add3A_173, %dma_start3A_182] : memref<2x2500x128xi32, #tpu.memory_space<hbm>> -> memref<1x1x128xi32, #tpu.memory_space<hbm>>
        %dma_start3A_184 = tpu.memref_squeeze %dma_start3A_183 : memref<1x1x128xi32, #tpu.memory_space<hbm>> -> memref<1x128xi32, #tpu.memory_space<hbm>>
        %dma_start3A_185 = arith.constant 78 : i32
        %dma_start3A_186 = arith.constant 0 : i32
        %dma_start3A_187 = tpu.memref_slice %arg6[%dma_start3A_185, %dma_start3A_186] : memref<79x128xi32, #tpu.memory_space<vmem>> -> memref<1x128xi32, #tpu.memory_space<vmem>>
        %dma_start3A_188 = arith.constant 0 : i32
        %dma_start3A_189 = tpu.memref_slice %arg3[%run_scoped3A_174, %add3A_173, %dma_start3A_188] : memref<2x2500x128xi32, #tpu.memory_space<hbm>> -> memref<1x1x128xi32, #tpu.memory_space<hbm>>
        %dma_start3A_190 = tpu.memref_squeeze %dma_start3A_189 : memref<1x1x128xi32, #tpu.memory_space<hbm>> -> memref<1x128xi32, #tpu.memory_space<hbm>>
        tpu.enqueue_dma source(%dma_start3A_190 : memref<1x128xi32, #tpu.memory_space<hbm>>) target(%dma_start3A_187 : memref<1x128xi32, #tpu.memory_space<vmem>>) target_semaphore(%run_scoped3A_178 : memref<!tpu.dma_semaphore, #tpu.memory_space<semaphore_mem>>)
        %dma_wait3A_191 = arith.constant 78 : i32
        %dma_wait3A_192 = arith.constant 0 : i32
        %dma_wait3A_193 = tpu.memref_slice %arg6[%dma_wait3A_191, %dma_wait3A_192] : memref<79x128xi32, #tpu.memory_space<vmem>> -> memref<1x128xi32, #tpu.memory_space<vmem>>
        %dma_wait3A_194 = arith.constant 0 : i32
        %dma_wait3A_195 = tpu.memref_slice %arg3[%run_scoped3A_174, %add3A_173, %dma_wait3A_194] : memref<2x2500x128xi32, #tpu.memory_space<hbm>> -> memref<1x1x128xi32, #tpu.memory_space<hbm>>
        %dma_wait3A_196 = tpu.memref_squeeze %dma_wait3A_195 : memref<1x1x128xi32, #tpu.memory_space<hbm>> -> memref<1x128xi32, #tpu.memory_space<hbm>>
        %dma_wait3A_197 = arith.constant 78 : i32
        %dma_wait3A_198 = arith.constant 0 : i32
        %dma_wait3A_199 = tpu.memref_slice %arg6[%dma_wait3A_197, %dma_wait3A_198] : memref<79x128xi32, #tpu.memory_space<vmem>> -> memref<1x128xi32, #tpu.memory_space<vmem>>
        %dma_wait3A_200 = arith.constant 0 : i32
        %dma_wait3A_201 = tpu.memref_slice %arg3[%run_scoped3A_174, %add3A_173, %dma_wait3A_200] : memref<2x2500x128xi32, #tpu.memory_space<hbm>> -> memref<1x1x128xi32, #tpu.memory_space<hbm>>
        %dma_wait3A_202 = tpu.memref_squeeze %dma_wait3A_201 : memref<1x1x128xi32, #tpu.memory_space<hbm>> -> memref<1x128xi32, #tpu.memory_space<hbm>>
        tpu.wait_dma2 semaphore(%run_scoped3A_178 : memref<!tpu.dma_semaphore, #tpu.memory_space<semaphore_mem>>) src(%dma_wait3A_202 : memref<1x128xi32, #tpu.memory_space<hbm>>) dst(%dma_wait3A_199 : memref<1x128xi32, #tpu.memory_space<vmem>>)
        tpu.yield
      }) : () -> ()
      %add3A_175 = arith.constant 78 : i32
      %add3A_176 = arith.addi %add3A_6, %add3A_175 : i32
      %run_scoped3A_177 = arith.constant 1 : i32
      "tpu.region"() ({
        %run_scoped3A_178 = tpu.sem_alloc : memref<!tpu.dma_semaphore, #tpu.memory_space<semaphore_mem>>
        %dma_start3A_179 = arith.constant 78 : i32
        %dma_start3A_180 = arith.constant 0 : i32
        %dma_start3A_181 = tpu.memref_slice %arg7[%dma_start3A_179, %dma_start3A_180] : memref<79x128xi32, #tpu.memory_space<vmem>> -> memref<1x128xi32, #tpu.memory_space<vmem>>
        %dma_start3A_182 = arith.constant 0 : i32
        %dma_start3A_183 = tpu.memref_slice %arg3[%run_scoped3A_177, %add3A_176, %dma_start3A_182] : memref<2x2500x128xi32, #tpu.memory_space<hbm>> -> memref<1x1x128xi32, #tpu.memory_space<hbm>>
        %dma_start3A_184 = tpu.memref_squeeze %dma_start3A_183 : memref<1x1x128xi32, #tpu.memory_space<hbm>> -> memref<1x128xi32, #tpu.memory_space<hbm>>
        %dma_start3A_185 = arith.constant 78 : i32
        %dma_start3A_186 = arith.constant 0 : i32
        %dma_start3A_187 = tpu.memref_slice %arg7[%dma_start3A_185, %dma_start3A_186] : memref<79x128xi32, #tpu.memory_space<vmem>> -> memref<1x128xi32, #tpu.memory_space<vmem>>
        %dma_start3A_188 = arith.constant 0 : i32
        %dma_start3A_189 = tpu.memref_slice %arg3[%run_scoped3A_177, %add3A_176, %dma_start3A_188] : memref<2x2500x128xi32, #tpu.memory_space<hbm>> -> memref<1x1x128xi32, #tpu.memory_space<hbm>>
        %dma_start3A_190 = tpu.memref_squeeze %dma_start3A_189 : memref<1x1x128xi32, #tpu.memory_space<hbm>> -> memref<1x128xi32, #tpu.memory_space<hbm>>
        tpu.enqueue_dma source(%dma_start3A_190 : memref<1x128xi32, #tpu.memory_space<hbm>>) target(%dma_start3A_187 : memref<1x128xi32, #tpu.memory_space<vmem>>) target_semaphore(%run_scoped3A_178 : memref<!tpu.dma_semaphore, #tpu.memory_space<semaphore_mem>>)
        %dma_wait3A_191 = arith.constant 78 : i32
        %dma_wait3A_192 = arith.constant 0 : i32
        %dma_wait3A_193 = tpu.memref_slice %arg7[%dma_wait3A_191, %dma_wait3A_192] : memref<79x128xi32, #tpu.memory_space<vmem>> -> memref<1x128xi32, #tpu.memory_space<vmem>>
        %dma_wait3A_194 = arith.constant 0 : i32
        %dma_wait3A_195 = tpu.memref_slice %arg3[%run_scoped3A_177, %add3A_176, %dma_wait3A_194] : memref<2x2500x128xi32, #tpu.memory_space<hbm>> -> memref<1x1x128xi32, #tpu.memory_space<hbm>>
        %dma_wait3A_196 = tpu.memref_squeeze %dma_wait3A_195 : memref<1x1x128xi32, #tpu.memory_space<hbm>> -> memref<1x128xi32, #tpu.memory_space<hbm>>
        %dma_wait3A_197 = arith.constant 78 : i32
        %dma_wait3A_198 = arith.constant 0 : i32
        %dma_wait3A_199 = tpu.memref_slice %arg7[%dma_wait3A_197, %dma_wait3A_198] : memref<79x128xi32, #tpu.memory_space<vmem>> -> memref<1x128xi32, #tpu.memory_space<vmem>>
        %dma_wait3A_200 = arith.constant 0 : i32
        %dma_wait3A_201 = tpu.memref_slice %arg3[%run_scoped3A_177, %add3A_176, %dma_wait3A_200] : memref<2x2500x128xi32, #tpu.memory_space<hbm>> -> memref<1x1x128xi32, #tpu.memory_space<hbm>>
        %dma_wait3A_202 = tpu.memref_squeeze %dma_wait3A_201 : memref<1x1x128xi32, #tpu.memory_space<hbm>> -> memref<1x128xi32, #tpu.memory_space<hbm>>
        tpu.wait_dma2 semaphore(%run_scoped3A_178 : memref<!tpu.dma_semaphore, #tpu.memory_space<semaphore_mem>>) src(%dma_wait3A_202 : memref<1x128xi32, #tpu.memory_space<hbm>>) dst(%dma_wait3A_199 : memref<1x128xi32, #tpu.memory_space<vmem>>)
        tpu.yield
      }) : () -> ()
    } else {
    }
    %mul3A_10 = arith.constant 640 : i32
    %mul3A_11 = arith.muli %arg1, %mul3A_10 : i32
    %run_scoped3A_12 = arith.constant 0 : i32
    "tpu.region"() ({
      %run_scoped3A_172 = tpu.sem_alloc : memref<!tpu.dma_semaphore, #tpu.memory_space<semaphore_mem>>
      %dma_start3A_173 = arith.constant 0 : i32
      %dma_start3A_174 = tpu.memref_slice %arg2[%run_scoped3A_12, %mul3A_11, %dma_start3A_173] : memref<2x10240x16xf32, #tpu.memory_space<hbm>> -> memref<1x640x16xf32, #tpu.memory_space<hbm>>
      %dma_start3A_175 = tpu.memref_squeeze %dma_start3A_174 : memref<1x640x16xf32, #tpu.memory_space<hbm>> -> memref<640x16xf32, #tpu.memory_space<hbm>>
      %dma_start3A_176 = arith.constant 0 : i32
      %dma_start3A_177 = tpu.memref_slice %arg2[%run_scoped3A_12, %mul3A_11, %dma_start3A_176] : memref<2x10240x16xf32, #tpu.memory_space<hbm>> -> memref<1x640x16xf32, #tpu.memory_space<hbm>>
      %dma_start3A_178 = tpu.memref_squeeze %dma_start3A_177 : memref<1x640x16xf32, #tpu.memory_space<hbm>> -> memref<640x16xf32, #tpu.memory_space<hbm>>
      tpu.enqueue_dma source(%dma_start3A_178 : memref<640x16xf32, #tpu.memory_space<hbm>>) target(%arg13 : memref<640x16xf32, #tpu.memory_space<vmem>>) target_semaphore(%run_scoped3A_172 : memref<!tpu.dma_semaphore, #tpu.memory_space<semaphore_mem>>)
      %dma_wait3A_179 = arith.constant 0 : i32
      %dma_wait3A_180 = tpu.memref_slice %arg2[%run_scoped3A_12, %mul3A_11, %dma_wait3A_179] : memref<2x10240x16xf32, #tpu.memory_space<hbm>> -> memref<1x640x16xf32, #tpu.memory_space<hbm>>
      %dma_wait3A_181 = tpu.memref_squeeze %dma_wait3A_180 : memref<1x640x16xf32, #tpu.memory_space<hbm>> -> memref<640x16xf32, #tpu.memory_space<hbm>>
      %dma_wait3A_182 = arith.constant 0 : i32
      %dma_wait3A_183 = tpu.memref_slice %arg2[%run_scoped3A_12, %mul3A_11, %dma_wait3A_182] : memref<2x10240x16xf32, #tpu.memory_space<hbm>> -> memref<1x640x16xf32, #tpu.memory_space<hbm>>
      %dma_wait3A_184 = tpu.memref_squeeze %dma_wait3A_183 : memref<1x640x16xf32, #tpu.memory_space<hbm>> -> memref<640x16xf32, #tpu.memory_space<hbm>>
      tpu.wait_dma2 semaphore(%run_scoped3A_172 : memref<!tpu.dma_semaphore, #tpu.memory_space<semaphore_mem>>) src(%dma_wait3A_184 : memref<640x16xf32, #tpu.memory_space<hbm>>) dst(%arg13 : memref<640x16xf32, #tpu.memory_space<vmem>>)
      tpu.yield
    }) : () -> ()
    %mul3A_13 = arith.constant 640 : i32
    %mul3A_14 = arith.muli %arg1, %mul3A_13 : i32
    %run_scoped3A_15 = arith.constant 1 : i32
    "tpu.region"() ({
      %run_scoped3A_172 = tpu.sem_alloc : memref<!tpu.dma_semaphore, #tpu.memory_space<semaphore_mem>>
      %dma_start3A_173 = arith.constant 0 : i32
      %dma_start3A_174 = tpu.memref_slice %arg2[%run_scoped3A_15, %mul3A_14, %dma_start3A_173] : memref<2x10240x16xf32, #tpu.memory_space<hbm>> -> memref<1x640x16xf32, #tpu.memory_space<hbm>>
      %dma_start3A_175 = tpu.memref_squeeze %dma_start3A_174 : memref<1x640x16xf32, #tpu.memory_space<hbm>> -> memref<640x16xf32, #tpu.memory_space<hbm>>
      %dma_start3A_176 = arith.constant 0 : i32
      %dma_start3A_177 = tpu.memref_slice %arg2[%run_scoped3A_15, %mul3A_14, %dma_start3A_176] : memref<2x10240x16xf32, #tpu.memory_space<hbm>> -> memref<1x640x16xf32, #tpu.memory_space<hbm>>
      %dma_start3A_178 = tpu.memref_squeeze %dma_start3A_177 : memref<1x640x16xf32, #tpu.memory_space<hbm>> -> memref<640x16xf32, #tpu.memory_space<hbm>>
      tpu.enqueue_dma source(%dma_start3A_178 : memref<640x16xf32, #tpu.memory_space<hbm>>) target(%arg14 : memref<640x16xf32, #tpu.memory_space<vmem>>) target_semaphore(%run_scoped3A_172 : memref<!tpu.dma_semaphore, #tpu.memory_space<semaphore_mem>>)
      %dma_wait3A_179 = arith.constant 0 : i32
      %dma_wait3A_180 = tpu.memref_slice %arg2[%run_scoped3A_15, %mul3A_14, %dma_wait3A_179] : memref<2x10240x16xf32, #tpu.memory_space<hbm>> -> memref<1x640x16xf32, #tpu.memory_space<hbm>>
      %dma_wait3A_181 = tpu.memref_squeeze %dma_wait3A_180 : memref<1x640x16xf32, #tpu.memory_space<hbm>> -> memref<640x16xf32, #tpu.memory_space<hbm>>
      %dma_wait3A_182 = arith.constant 0 : i32
      %dma_wait3A_183 = tpu.memref_slice %arg2[%run_scoped3A_15, %mul3A_14, %dma_wait3A_182] : memref<2x10240x16xf32, #tpu.memory_space<hbm>> -> memref<1x640x16xf32, #tpu.memory_space<hbm>>
      %dma_wait3A_184 = tpu.memref_squeeze %dma_wait3A_183 : memref<1x640x16xf32, #tpu.memory_space<hbm>> -> memref<640x16xf32, #tpu.memory_space<hbm>>
      tpu.wait_dma2 semaphore(%run_scoped3A_172 : memref<!tpu.dma_semaphore, #tpu.memory_space<semaphore_mem>>) src(%dma_wait3A_184 : memref<640x16xf32, #tpu.memory_space<hbm>>) dst(%arg14 : memref<640x16xf32, #tpu.memory_space<vmem>>)
      tpu.yield
    }) : () -> ()
    %scan3A = arith.constant 0 : i32
    %scan3A_16 = arith.constant 0 : i32
    %scan3A_17 = arith.constant 640 : i32
    %scan3A_18 = arith.addi %scan3A_16, %scan3A_17 : i32
    %scan3A_19 = arith.constant 1 : i32
    scf.for %scan3A_172 = %scan3A_16 to %scan3A_18 step %scan3A_19  : i32 {
      %get3A = arith.index_cast %scan3A_172 : i32 to index
      %get3A_173 = arith.constant 0 : index
      %get3A_174 = tpu.vector_load %arg13[%get3A, %get3A_173] {strides = array<i32>} : memref<640x16xf32, #tpu.memory_space<vmem>>, vector<1x16xf32>,
      %get3A_175 = vector.shape_cast %get3A_174 : vector<1x16xf32> to vector<16xf32>
      %get3A_176 = arith.index_cast %scan3A_172 : i32 to index
      %get3A_177 = arith.constant 0 : index
      %get3A_178 = tpu.vector_load %arg14[%get3A_176, %get3A_177] {strides = array<i32>} : memref<640x16xf32, #tpu.memory_space<vmem>>, vector<1x16xf32>,
      %get3A_179 = vector.shape_cast %get3A_178 : vector<1x16xf32> to vector<16xf32>
      %add3A_180 = arith.addf %get3A_175, %get3A_179 : vector<16xf32>
      %max3A = arith.constant 0.000000e+00 : f32
      %max3A_181 = vector.broadcast %max3A : f32 to vector<16xf32>
      %max3A_182 = arith.maximumf %add3A_180, %max3A_181 : vector<16xf32>
      %swap3A = arith.index_cast %scan3A_172 : i32 to index
      %swap3A_183 = arith.constant 0 : index
      %swap3A_184 = tpu.vector_load %arg13[%swap3A, %swap3A_183] {strides = array<i32>} : memref<640x16xf32, #tpu.memory_space<vmem>>, vector<1x16xf32>,
      %swap3A_185 = vector.shape_cast %swap3A_184 : vector<1x16xf32> to vector<16xf32>
      %swap3A_186 = vector.shape_cast %max3A_182 : vector<16xf32> to vector<1x16xf32>
      tpu.vector_store %arg13[%swap3A, %swap3A_183], %swap3A_186 {strides = array<i32>} : memref<640x16xf32, #tpu.memory_space<vmem>>, vector<1x16xf32>,
    }
    %scan3A_20 = arith.constant 640 : i32
    %mul3A_21 = arith.constant 640 : i32
    %mul3A_22 = arith.muli %arg1, %mul3A_21 : i32
    "tpu.region"() ({
      %run_scoped3A_172 = tpu.sem_alloc : memref<!tpu.dma_semaphore, #tpu.memory_space<semaphore_mem>>
      %dma_start3A_173 = arith.constant 0 : i32
      %dma_start3A_174 = tpu.memref_slice %arg12[%mul3A_22, %dma_start3A_173] : memref<10240x16xf32, #tpu.memory_space<vmem_shared>> -> memref<640x16xf32, #tpu.memory_space<vmem_shared>>
      %dma_start3A_175 = arith.constant 0 : i32
      %dma_start3A_176 = tpu.memref_slice %arg12[%mul3A_22, %dma_start3A_175] : memref<10240x16xf32, #tpu.memory_space<vmem_shared>> -> memref<640x16xf32, #tpu.memory_space<vmem_shared>>
      tpu.enqueue_dma source(%arg13 : memref<640x16xf32, #tpu.memory_space<vmem>>) target(%dma_start3A_176 : memref<640x16xf32, #tpu.memory_space<vmem_shared>>) target_semaphore(%run_scoped3A_172 : memref<!tpu.dma_semaphore, #tpu.memory_space<semaphore_mem>>)
      %dma_wait3A_177 = arith.constant 0 : i32
      %dma_wait3A_178 = tpu.memref_slice %arg12[%mul3A_22, %dma_wait3A_177] : memref<10240x16xf32, #tpu.memory_space<vmem_shared>> -> memref<640x16xf32, #tpu.memory_space<vmem_shared>>
      %dma_wait3A_179 = arith.constant 0 : i32
      %dma_wait3A_180 = tpu.memref_slice %arg12[%mul3A_22, %dma_wait3A_179] : memref<10240x16xf32, #tpu.memory_space<vmem_shared>> -> memref<640x16xf32, #tpu.memory_space<vmem_shared>>
      tpu.wait_dma2 semaphore(%run_scoped3A_172 : memref<!tpu.dma_semaphore, #tpu.memory_space<semaphore_mem>>) src(%arg13 : memref<640x16xf32, #tpu.memory_space<vmem>>) dst(%dma_wait3A_180 : memref<640x16xf32, #tpu.memory_space<vmem_shared>>)
      tpu.yield
    }) : () -> ()
    %barrier3A = arith.constant 0 : index
    tpu.barrier barrier_id(%barrier3A)
    %lt3A_23 = arith.constant 4 : i32
    %lt3A_24 = arith.cmpi slt, %add3A, %lt3A_23 : i32
    %dma_start3A = arith.constant 0 : i32
    %dma_start3A_25 = arith.constant 0 : i32
    %dma_start3A_26 = arith.constant 0 : i32
    %dma_start3A_27 = arith.constant 0 : i32
    %dma_start3A_28 = arith.constant 0 : i32
    %dma_start3A_29 = tpu.memref_slice %arg8[%dma_start3A_25, %dma_start3A_27, %dma_start3A_28] : memref<6x128x16xf32, #tpu.memory_space<vmem>> -> memref<1x128x16xf32, #tpu.memory_space<vmem>>
    %dma_start3A_30 = tpu.memref_squeeze %dma_start3A_29 : memref<1x128x16xf32, #tpu.memory_space<vmem>> -> memref<128x16xf32, #tpu.memory_space<vmem>>
    %dma_start3A_31 = arith.constant 0 : i32
    %dma_start3A_32 = tpu.memref_slice %arg6[%dma_start3A, %dma_start3A_31] : memref<79x128xi32, #tpu.memory_space<vmem>> -> memref<1x128xi32, #tpu.memory_space<vmem>>
    %dma_start3A_33 = tpu.memref_squeeze %dma_start3A_32 : memref<1x128xi32, #tpu.memory_space<vmem>> -> memref<128xi32, #tpu.memory_space<vmem>>
    %dma_start3A_34 = arith.constant 0 : i32
    %dma_start3A_35 = arith.constant 0 : i32
    %dma_start3A_36 = tpu.memref_slice %arg12[%dma_start3A_34, %dma_start3A_35] : memref<10240x16xf32, #tpu.memory_space<vmem_shared>> -> memref<10240x16xf32, #tpu.memory_space<vmem_shared>>
    %dma_start3A_37 = tpu.memref_slice %arg10[%dma_start3A_26] : memref<6x!tpu.dma_semaphore, #tpu.memory_space<semaphore_mem>> -> memref<1x!tpu.dma_semaphore, #tpu.memory_space<semaphore_mem>>
    %dma_start3A_38 = tpu.memref_squeeze %dma_start3A_37 : memref<1x!tpu.dma_semaphore, #tpu.memory_space<semaphore_mem>> -> memref<!tpu.dma_semaphore, #tpu.memory_space<semaphore_mem>>
    tpu.enqueue_indirect_dma source(%dma_start3A_36 : memref<10240x16xf32, #tpu.memory_space<vmem_shared>>) target(%dma_start3A_30 : memref<128x16xf32, #tpu.memory_space<vmem>>) offsets(%dma_start3A_33 : memref<128xi32, #tpu.memory_space<vmem>>) semaphore(%dma_start3A_38 : memref<!tpu.dma_semaphore, #tpu.memory_space<semaphore_mem>>)
    %dma_start3A_39 = arith.constant 1 : i32
    %dma_start3A_40 = arith.constant 1 : i32
    %dma_start3A_41 = arith.constant 1 : i32
    %dma_start3A_42 = arith.constant 0 : i32
    %dma_start3A_43 = arith.constant 0 : i32
    %dma_start3A_44 = tpu.memref_slice %arg8[%dma_start3A_40, %dma_start3A_42, %dma_start3A_43] : memref<6x128x16xf32, #tpu.memory_space<vmem>> -> memref<1x128x16xf32, #tpu.memory_space<vmem>>
    %dma_start3A_45 = tpu.memref_squeeze %dma_start3A_44 : memref<1x128x16xf32, #tpu.memory_space<vmem>> -> memref<128x16xf32, #tpu.memory_space<vmem>>
    %dma_start3A_46 = arith.constant 0 : i32
    %dma_start3A_47 = tpu.memref_slice %arg6[%dma_start3A_39, %dma_start3A_46] : memref<79x128xi32, #tpu.memory_space<vmem>> -> memref<1x128xi32, #tpu.memory_space<vmem>>
    %dma_start3A_48 = tpu.memref_squeeze %dma_start3A_47 : memref<1x128xi32, #tpu.memory_space<vmem>> -> memref<128xi32, #tpu.memory_space<vmem>>
    %dma_start3A_49 = arith.constant 0 : i32
    %dma_start3A_50 = arith.constant 0 : i32
    %dma_start3A_51 = tpu.memref_slice %arg12[%dma_start3A_49, %dma_start3A_50] : memref<10240x16xf32, #tpu.memory_space<vmem_shared>> -> memref<10240x16xf32, #tpu.memory_space<vmem_shared>>
    %dma_start3A_52 = tpu.memref_slice %arg10[%dma_start3A_41] : memref<6x!tpu.dma_semaphore, #tpu.memory_space<semaphore_mem>> -> memref<1x!tpu.dma_semaphore, #tpu.memory_space<semaphore_mem>>
    %dma_start3A_53 = tpu.memref_squeeze %dma_start3A_52 : memref<1x!tpu.dma_semaphore, #tpu.memory_space<semaphore_mem>> -> memref<!tpu.dma_semaphore, #tpu.memory_space<semaphore_mem>>
    tpu.enqueue_indirect_dma source(%dma_start3A_51 : memref<10240x16xf32, #tpu.memory_space<vmem_shared>>) target(%dma_start3A_45 : memref<128x16xf32, #tpu.memory_space<vmem>>) offsets(%dma_start3A_48 : memref<128xi32, #tpu.memory_space<vmem>>) semaphore(%dma_start3A_53 : memref<!tpu.dma_semaphore, #tpu.memory_space<semaphore_mem>>)
    %dma_start3A_54 = arith.constant 2 : i32
    %dma_start3A_55 = arith.constant 2 : i32
    %dma_start3A_56 = arith.constant 2 : i32
    %dma_start3A_57 = arith.constant 0 : i32
    %dma_start3A_58 = arith.constant 0 : i32
    %dma_start3A_59 = tpu.memref_slice %arg8[%dma_start3A_55, %dma_start3A_57, %dma_start3A_58] : memref<6x128x16xf32, #tpu.memory_space<vmem>> -> memref<1x128x16xf32, #tpu.memory_space<vmem>>
    %dma_start3A_60 = tpu.memref_squeeze %dma_start3A_59 : memref<1x128x16xf32, #tpu.memory_space<vmem>> -> memref<128x16xf32, #tpu.memory_space<vmem>>
    %dma_start3A_61 = arith.constant 0 : i32
    %dma_start3A_62 = tpu.memref_slice %arg6[%dma_start3A_54, %dma_start3A_61] : memref<79x128xi32, #tpu.memory_space<vmem>> -> memref<1x128xi32, #tpu.memory_space<vmem>>
    %dma_start3A_63 = tpu.memref_squeeze %dma_start3A_62 : memref<1x128xi32, #tpu.memory_space<vmem>> -> memref<128xi32, #tpu.memory_space<vmem>>
    %dma_start3A_64 = arith.constant 0 : i32
    %dma_start3A_65 = arith.constant 0 : i32
    %dma_start3A_66 = tpu.memref_slice %arg12[%dma_start3A_64, %dma_start3A_65] : memref<10240x16xf32, #tpu.memory_space<vmem_shared>> -> memref<10240x16xf32, #tpu.memory_space<vmem_shared>>
    %dma_start3A_67 = tpu.memref_slice %arg10[%dma_start3A_56] : memref<6x!tpu.dma_semaphore, #tpu.memory_space<semaphore_mem>> -> memref<1x!tpu.dma_semaphore, #tpu.memory_space<semaphore_mem>>
    %dma_start3A_68 = tpu.memref_squeeze %dma_start3A_67 : memref<1x!tpu.dma_semaphore, #tpu.memory_space<semaphore_mem>> -> memref<!tpu.dma_semaphore, #tpu.memory_space<semaphore_mem>>
    tpu.enqueue_indirect_dma source(%dma_start3A_66 : memref<10240x16xf32, #tpu.memory_space<vmem_shared>>) target(%dma_start3A_60 : memref<128x16xf32, #tpu.memory_space<vmem>>) offsets(%dma_start3A_63 : memref<128xi32, #tpu.memory_space<vmem>>) semaphore(%dma_start3A_68 : memref<!tpu.dma_semaphore, #tpu.memory_space<semaphore_mem>>)
    %scan3A_69 = arith.constant 0 : i32
    %scan3A_70 = arith.constant 0 : i32
    %scan3A_71 = arith.constant 13 : i32
    %scan3A_72 = arith.addi %scan3A_70, %scan3A_71 : i32
    %scan3A_73 = arith.constant 1 : i32
    scf.for %scan3A_172 = %scan3A_70 to %scan3A_72 step %scan3A_73  : i32 {
      %mul3A_173 = arith.constant 6 : i32
      %mul3A_174 = arith.muli %scan3A_172, %mul3A_173 : i32
      %add3A_175 = arith.constant 0 : i32
      %add3A_176 = arith.addi %mul3A_174, %add3A_175 : i32
      %dma_wait3A_177 = arith.constant 0 : i32
      %dma_wait3A_178 = arith.constant 0 : i32
      %dma_wait3A_179 = arith.constant 0 : i32
      %dma_wait3A_180 = arith.constant 0 : i32
      %dma_wait3A_181 = tpu.memref_slice %arg8[%dma_wait3A_177, %dma_wait3A_179, %dma_wait3A_180] : memref<6x128x16xf32, #tpu.memory_space<vmem>> -> memref<1x128x16xf32, #tpu.memory_space<vmem>>
      %dma_wait3A_182 = tpu.memref_squeeze %dma_wait3A_181 : memref<1x128x16xf32, #tpu.memory_space<vmem>> -> memref<128x16xf32, #tpu.memory_space<vmem>>
      %dma_wait3A_183 = arith.constant 0 : i32
      %dma_wait3A_184 = tpu.memref_slice %arg6[%add3A_176, %dma_wait3A_183] : memref<79x128xi32, #tpu.memory_space<vmem>> -> memref<1x128xi32, #tpu.memory_space<vmem>>
      %dma_wait3A_185 = tpu.memref_squeeze %dma_wait3A_184 : memref<1x128xi32, #tpu.memory_space<vmem>> -> memref<128xi32, #tpu.memory_space<vmem>>
      %dma_wait3A_186 = arith.constant 0 : i32
      %dma_wait3A_187 = arith.constant 0 : i32
      %dma_wait3A_188 = tpu.memref_slice %arg12[%dma_wait3A_186, %dma_wait3A_187] : memref<10240x16xf32, #tpu.memory_space<vmem_shared>> -> memref<10240x16xf32, #tpu.memory_space<vmem_shared>>
      %dma_wait3A_189 = tpu.memref_slice %arg10[%dma_wait3A_178] : memref<6x!tpu.dma_semaphore, #tpu.memory_space<semaphore_mem>> -> memref<1x!tpu.dma_semaphore, #tpu.memory_space<semaphore_mem>>
      %dma_wait3A_190 = tpu.memref_squeeze %dma_wait3A_189 : memref<1x!tpu.dma_semaphore, #tpu.memory_space<semaphore_mem>> -> memref<!tpu.dma_semaphore, #tpu.memory_space<semaphore_mem>>
      tpu.wait_indirect_dma semaphore(%dma_wait3A_190 : memref<!tpu.dma_semaphore, #tpu.memory_space<semaphore_mem>>) src(%dma_wait3A_188 : memref<10240x16xf32, #tpu.memory_space<vmem_shared>>) dst(%dma_wait3A_182 : memref<128x16xf32, #tpu.memory_space<vmem>>)
      %dma_start3A_191 = arith.constant 0 : i32
      %dma_start3A_192 = arith.constant 0 : i32
      %dma_start3A_193 = arith.constant 0 : i32
      %dma_start3A_194 = arith.constant 0 : i32
      %dma_start3A_195 = tpu.memref_slice %arg8[%dma_start3A_191, %dma_start3A_193, %dma_start3A_194] : memref<6x128x16xf32, #tpu.memory_space<vmem>> -> memref<1x128x16xf32, #tpu.memory_space<vmem>>
      %dma_start3A_196 = tpu.memref_squeeze %dma_start3A_195 : memref<1x128x16xf32, #tpu.memory_space<vmem>> -> memref<128x16xf32, #tpu.memory_space<vmem>>
      %dma_start3A_197 = arith.constant 0 : i32
      %dma_start3A_198 = tpu.memref_slice %arg7[%add3A_176, %dma_start3A_197] : memref<79x128xi32, #tpu.memory_space<vmem>> -> memref<1x128xi32, #tpu.memory_space<vmem>>
      %dma_start3A_199 = tpu.memref_squeeze %dma_start3A_198 : memref<1x128xi32, #tpu.memory_space<vmem>> -> memref<128xi32, #tpu.memory_space<vmem>>
      %dma_start3A_200 = arith.constant 0 : i32
      %dma_start3A_201 = arith.constant 0 : i32
      %dma_start3A_202 = tpu.memref_slice %arg9[%dma_start3A_200, %dma_start3A_201] : memref<10240x16xf32, #tpu.memory_space<vmem_shared>> -> memref<10240x16xf32, #tpu.memory_space<vmem_shared>>
      %dma_start3A_203 = tpu.memref_slice %arg11[%dma_start3A_192] : memref<6x!tpu.dma_semaphore, #tpu.memory_space<semaphore_mem>> -> memref<1x!tpu.dma_semaphore, #tpu.memory_space<semaphore_mem>>
      %dma_start3A_204 = tpu.memref_squeeze %dma_start3A_203 : memref<1x!tpu.dma_semaphore, #tpu.memory_space<semaphore_mem>> -> memref<!tpu.dma_semaphore, #tpu.memory_space<semaphore_mem>>
      tpu.enqueue_indirect_dma source(%dma_start3A_196 : memref<128x16xf32, #tpu.memory_space<vmem>>) target(%dma_start3A_202 : memref<10240x16xf32, #tpu.memory_space<vmem_shared>>) offsets(%dma_start3A_199 : memref<128xi32, #tpu.memory_space<vmem>>) semaphore(%dma_start3A_204 : memref<!tpu.dma_semaphore, #tpu.memory_space<semaphore_mem>>) {add = true}
      %add3A_205 = arith.constant 3 : i32
      %add3A_206 = arith.addi %add3A_176, %add3A_205 : i32
      %lt3A_207 = arith.constant 78 : i32
      %lt3A_208 = arith.cmpi slt, %add3A_206, %lt3A_207 : i32
      %convert_element_type3A_209 = arith.extui %lt3A_208 : i1 to i32
      %cond3A_210 = arith.constant 0 : i32
      %cond3A_211 = arith.cmpi ne, %convert_element_type3A_209, %cond3A_210 : i32
      scf.if %cond3A_211 {
        %ge3A = arith.constant 3 : i32
        %ge3A_407 = arith.cmpi sge, %add3A_176, %ge3A : i32
        %convert_element_type3A_408 = arith.extui %ge3A_407 : i1 to i32
        %cond3A_409 = arith.constant 0 : i32
        %cond3A_410 = arith.cmpi ne, %convert_element_type3A_408, %cond3A_409 : i32
        scf.if %cond3A_410 {
          %sub3A = arith.constant 3 : i32
          %sub3A_427 = arith.subi %add3A_176, %sub3A : i32
          %dma_wait3A_428 = arith.constant 3 : i32
          %dma_wait3A_429 = arith.constant 3 : i32
          %dma_wait3A_430 = arith.constant 0 : i32
          %dma_wait3A_431 = arith.constant 0 : i32
          %dma_wait3A_432 = tpu.memref_slice %arg8[%dma_wait3A_428, %dma_wait3A_430, %dma_wait3A_431] : memref<6x128x16xf32, #tpu.memory_space<vmem>> -> memref<1x128x16xf32, #tpu.memory_space<vmem>>
          %dma_wait3A_433 = tpu.memref_squeeze %dma_wait3A_432 : memref<1x128x16xf32, #tpu.memory_space<vmem>> -> memref<128x16xf32, #tpu.memory_space<vmem>>
          %dma_wait3A_434 = arith.constant 0 : i32
          %dma_wait3A_435 = tpu.memref_slice %arg7[%sub3A_427, %dma_wait3A_434] : memref<79x128xi32, #tpu.memory_space<vmem>> -> memref<1x128xi32, #tpu.memory_space<vmem>>
          %dma_wait3A_436 = tpu.memref_squeeze %dma_wait3A_435 : memref<1x128xi32, #tpu.memory_space<vmem>> -> memref<128xi32, #tpu.memory_space<vmem>>
          %dma_wait3A_437 = arith.constant 0 : i32
          %dma_wait3A_438 = arith.constant 0 : i32
          %dma_wait3A_439 = tpu.memref_slice %arg9[%dma_wait3A_437, %dma_wait3A_438] : memref<10240x16xf32, #tpu.memory_space<vmem_shared>> -> memref<10240x16xf32, #tpu.memory_space<vmem_shared>>
          %dma_wait3A_440 = tpu.memref_slice %arg11[%dma_wait3A_429] : memref<6x!tpu.dma_semaphore, #tpu.memory_space<semaphore_mem>> -> memref<1x!tpu.dma_semaphore, #tpu.memory_space<semaphore_mem>>
          %dma_wait3A_441 = tpu.memref_squeeze %dma_wait3A_440 : memref<1x!tpu.dma_semaphore, #tpu.memory_space<semaphore_mem>> -> memref<!tpu.dma_semaphore, #tpu.memory_space<semaphore_mem>>
          tpu.wait_indirect_dma semaphore(%dma_wait3A_441 : memref<!tpu.dma_semaphore, #tpu.memory_space<semaphore_mem>>) src(%dma_wait3A_433 : memref<128x16xf32, #tpu.memory_space<vmem>>) dst(%dma_wait3A_439 : memref<10240x16xf32, #tpu.memory_space<vmem_shared>>)
        } else {
        }
        %add3A_411 = arith.constant 3 : i32
        %add3A_412 = arith.addi %add3A_176, %add3A_411 : i32
        %dma_start3A_413 = arith.constant 3 : i32
        %dma_start3A_414 = arith.constant 3 : i32
        %dma_start3A_415 = arith.constant 0 : i32
        %dma_start3A_416 = arith.constant 0 : i32
        %dma_start3A_417 = tpu.memref_slice %arg8[%dma_start3A_413, %dma_start3A_415, %dma_start3A_416] : memref<6x128x16xf32, #tpu.memory_space<vmem>> -> memref<1x128x16xf32, #tpu.memory_space<vmem>>
        %dma_start3A_418 = tpu.memref_squeeze %dma_start3A_417 : memref<1x128x16xf32, #tpu.memory_space<vmem>> -> memref<128x16xf32, #tpu.memory_space<vmem>>
        %dma_start3A_419 = arith.constant 0 : i32
        %dma_start3A_420 = tpu.memref_slice %arg6[%add3A_412, %dma_start3A_419] : memref<79x128xi32, #tpu.memory_space<vmem>> -> memref<1x128xi32, #tpu.memory_space<vmem>>
        %dma_start3A_421 = tpu.memref_squeeze %dma_start3A_420 : memref<1x128xi32, #tpu.memory_space<vmem>> -> memref<128xi32, #tpu.memory_space<vmem>>
        %dma_start3A_422 = arith.constant 0 : i32
        %dma_start3A_423 = arith.constant 0 : i32
        %dma_start3A_424 = tpu.memref_slice %arg12[%dma_start3A_422, %dma_start3A_423] : memref<10240x16xf32, #tpu.memory_space<vmem_shared>> -> memref<10240x16xf32, #tpu.memory_space<vmem_shared>>
        %dma_start3A_425 = tpu.memref_slice %arg10[%dma_start3A_414] : memref<6x!tpu.dma_semaphore, #tpu.memory_space<semaphore_mem>> -> memref<1x!tpu.dma_semaphore, #tpu.memory_space<semaphore_mem>>
        %dma_start3A_426 = tpu.memref_squeeze %dma_start3A_425 : memref<1x!tpu.dma_semaphore, #tpu.memory_space<semaphore_mem>> -> memref<!tpu.dma_semaphore, #tpu.memory_space<semaphore_mem>>
        tpu.enqueue_indirect_dma source(%dma_start3A_424 : memref<10240x16xf32, #tpu.memory_space<vmem_shared>>) target(%dma_start3A_418 : memref<128x16xf32, #tpu.memory_space<vmem>>) offsets(%dma_start3A_421 : memref<128xi32, #tpu.memory_space<vmem>>) semaphore(%dma_start3A_426 : memref<!tpu.dma_semaphore, #tpu.memory_space<semaphore_mem>>)
      } else {
      }
      %mul3A_212 = arith.constant 6 : i32
      %mul3A_213 = arith.muli %scan3A_172, %mul3A_212 : i32
      %add3A_214 = arith.constant 1 : i32
      %add3A_215 = arith.addi %mul3A_213, %add3A_214 : i32
      %dma_wait3A_216 = arith.constant 1 : i32
      %dma_wait3A_217 = arith.constant 1 : i32
      %dma_wait3A_218 = arith.constant 0 : i32
      %dma_wait3A_219 = arith.constant 0 : i32
      %dma_wait3A_220 = tpu.memref_slice %arg8[%dma_wait3A_216, %dma_wait3A_218, %dma_wait3A_219] : memref<6x128x16xf32, #tpu.memory_space<vmem>> -> memref<1x128x16xf32, #tpu.memory_space<vmem>>
      %dma_wait3A_221 = tpu.memref_squeeze %dma_wait3A_220 : memref<1x128x16xf32, #tpu.memory_space<vmem>> -> memref<128x16xf32, #tpu.memory_space<vmem>>
      %dma_wait3A_222 = arith.constant 0 : i32
      %dma_wait3A_223 = tpu.memref_slice %arg6[%add3A_215, %dma_wait3A_222] : memref<79x128xi32, #tpu.memory_space<vmem>> -> memref<1x128xi32, #tpu.memory_space<vmem>>
      %dma_wait3A_224 = tpu.memref_squeeze %dma_wait3A_223 : memref<1x128xi32, #tpu.memory_space<vmem>> -> memref<128xi32, #tpu.memory_space<vmem>>
      %dma_wait3A_225 = arith.constant 0 : i32
      %dma_wait3A_226 = arith.constant 0 : i32
      %dma_wait3A_227 = tpu.memref_slice %arg12[%dma_wait3A_225, %dma_wait3A_226] : memref<10240x16xf32, #tpu.memory_space<vmem_shared>> -> memref<10240x16xf32, #tpu.memory_space<vmem_shared>>
      %dma_wait3A_228 = tpu.memref_slice %arg10[%dma_wait3A_217] : memref<6x!tpu.dma_semaphore, #tpu.memory_space<semaphore_mem>> -> memref<1x!tpu.dma_semaphore, #tpu.memory_space<semaphore_mem>>
      %dma_wait3A_229 = tpu.memref_squeeze %dma_wait3A_228 : memref<1x!tpu.dma_semaphore, #tpu.memory_space<semaphore_mem>> -> memref<!tpu.dma_semaphore, #tpu.memory_space<semaphore_mem>>
      tpu.wait_indirect_dma semaphore(%dma_wait3A_229 : memref<!tpu.dma_semaphore, #tpu.memory_space<semaphore_mem>>) src(%dma_wait3A_227 : memref<10240x16xf32, #tpu.memory_space<vmem_shared>>) dst(%dma_wait3A_221 : memref<128x16xf32, #tpu.memory_space<vmem>>)
      %dma_start3A_230 = arith.constant 1 : i32
      %dma_start3A_231 = arith.constant 1 : i32
      %dma_start3A_232 = arith.constant 0 : i32
      %dma_start3A_233 = arith.constant 0 : i32
      %dma_start3A_234 = tpu.memref_slice %arg8[%dma_start3A_230, %dma_start3A_232, %dma_start3A_233] : memref<6x128x16xf32, #tpu.memory_space<vmem>> -> memref<1x128x16xf32, #tpu.memory_space<vmem>>
      %dma_start3A_235 = tpu.memref_squeeze %dma_start3A_234 : memref<1x128x16xf32, #tpu.memory_space<vmem>> -> memref<128x16xf32, #tpu.memory_space<vmem>>
      %dma_start3A_236 = arith.constant 0 : i32
      %dma_start3A_237 = tpu.memref_slice %arg7[%add3A_215, %dma_start3A_236] : memref<79x128xi32, #tpu.memory_space<vmem>> -> memref<1x128xi32, #tpu.memory_space<vmem>>
      %dma_start3A_238 = tpu.memref_squeeze %dma_start3A_237 : memref<1x128xi32, #tpu.memory_space<vmem>> -> memref<128xi32, #tpu.memory_space<vmem>>
      %dma_start3A_239 = arith.constant 0 : i32
      %dma_start3A_240 = arith.constant 0 : i32
      %dma_start3A_241 = tpu.memref_slice %arg9[%dma_start3A_239, %dma_start3A_240] : memref<10240x16xf32, #tpu.memory_space<vmem_shared>> -> memref<10240x16xf32, #tpu.memory_space<vmem_shared>>
      %dma_start3A_242 = tpu.memref_slice %arg11[%dma_start3A_231] : memref<6x!tpu.dma_semaphore, #tpu.memory_space<semaphore_mem>> -> memref<1x!tpu.dma_semaphore, #tpu.memory_space<semaphore_mem>>
      %dma_start3A_243 = tpu.memref_squeeze %dma_start3A_242 : memref<1x!tpu.dma_semaphore, #tpu.memory_space<semaphore_mem>> -> memref<!tpu.dma_semaphore, #tpu.memory_space<semaphore_mem>>
      tpu.enqueue_indirect_dma source(%dma_start3A_235 : memref<128x16xf32, #tpu.memory_space<vmem>>) target(%dma_start3A_241 : memref<10240x16xf32, #tpu.memory_space<vmem_shared>>) offsets(%dma_start3A_238 : memref<128xi32, #tpu.memory_space<vmem>>) semaphore(%dma_start3A_243 : memref<!tpu.dma_semaphore, #tpu.memory_space<semaphore_mem>>) {add = true}
      %add3A_244 = arith.constant 3 : i32
      %add3A_245 = arith.addi %add3A_215, %add3A_244 : i32
      %lt3A_246 = arith.constant 78 : i32
      %lt3A_247 = arith.cmpi slt, %add3A_245, %lt3A_246 : i32
      %convert_element_type3A_248 = arith.extui %lt3A_247 : i1 to i32
      %cond3A_249 = arith.constant 0 : i32
      %cond3A_250 = arith.cmpi ne, %convert_element_type3A_248, %cond3A_249 : i32
      scf.if %cond3A_250 {
        %ge3A = arith.constant 3 : i32
        %ge3A_407 = arith.cmpi sge, %add3A_215, %ge3A : i32
        %convert_element_type3A_408 = arith.extui %ge3A_407 : i1 to i32
        %cond3A_409 = arith.constant 0 : i32
        %cond3A_410 = arith.cmpi ne, %convert_element_type3A_408, %cond3A_409 : i32
        scf.if %cond3A_410 {
          %sub3A = arith.constant 3 : i32
          %sub3A_427 = arith.subi %add3A_215, %sub3A : i32
          %dma_wait3A_428 = arith.constant 4 : i32
          %dma_wait3A_429 = arith.constant 4 : i32
          %dma_wait3A_430 = arith.constant 0 : i32
          %dma_wait3A_431 = arith.constant 0 : i32
          %dma_wait3A_432 = tpu.memref_slice %arg8[%dma_wait3A_428, %dma_wait3A_430, %dma_wait3A_431] : memref<6x128x16xf32, #tpu.memory_space<vmem>> -> memref<1x128x16xf32, #tpu.memory_space<vmem>>
          %dma_wait3A_433 = tpu.memref_squeeze %dma_wait3A_432 : memref<1x128x16xf32, #tpu.memory_space<vmem>> -> memref<128x16xf32, #tpu.memory_space<vmem>>
          %dma_wait3A_434 = arith.constant 0 : i32
          %dma_wait3A_435 = tpu.memref_slice %arg7[%sub3A_427, %dma_wait3A_434] : memref<79x128xi32, #tpu.memory_space<vmem>> -> memref<1x128xi32, #tpu.memory_space<vmem>>
          %dma_wait3A_436 = tpu.memref_squeeze %dma_wait3A_435 : memref<1x128xi32, #tpu.memory_space<vmem>> -> memref<128xi32, #tpu.memory_space<vmem>>
          %dma_wait3A_437 = arith.constant 0 : i32
          %dma_wait3A_438 = arith.constant 0 : i32
          %dma_wait3A_439 = tpu.memref_slice %arg9[%dma_wait3A_437, %dma_wait3A_438] : memref<10240x16xf32, #tpu.memory_space<vmem_shared>> -> memref<10240x16xf32, #tpu.memory_space<vmem_shared>>
          %dma_wait3A_440 = tpu.memref_slice %arg11[%dma_wait3A_429] : memref<6x!tpu.dma_semaphore, #tpu.memory_space<semaphore_mem>> -> memref<1x!tpu.dma_semaphore, #tpu.memory_space<semaphore_mem>>
          %dma_wait3A_441 = tpu.memref_squeeze %dma_wait3A_440 : memref<1x!tpu.dma_semaphore, #tpu.memory_space<semaphore_mem>> -> memref<!tpu.dma_semaphore, #tpu.memory_space<semaphore_mem>>
          tpu.wait_indirect_dma semaphore(%dma_wait3A_441 : memref<!tpu.dma_semaphore, #tpu.memory_space<semaphore_mem>>) src(%dma_wait3A_433 : memref<128x16xf32, #tpu.memory_space<vmem>>) dst(%dma_wait3A_439 : memref<10240x16xf32, #tpu.memory_space<vmem_shared>>)
        } else {
        }
        %add3A_411 = arith.constant 3 : i32
        %add3A_412 = arith.addi %add3A_215, %add3A_411 : i32
        %dma_start3A_413 = arith.constant 4 : i32
        %dma_start3A_414 = arith.constant 4 : i32
        %dma_start3A_415 = arith.constant 0 : i32
        %dma_start3A_416 = arith.constant 0 : i32
        %dma_start3A_417 = tpu.memref_slice %arg8[%dma_start3A_413, %dma_start3A_415, %dma_start3A_416] : memref<6x128x16xf32, #tpu.memory_space<vmem>> -> memref<1x128x16xf32, #tpu.memory_space<vmem>>
        %dma_start3A_418 = tpu.memref_squeeze %dma_start3A_417 : memref<1x128x16xf32, #tpu.memory_space<vmem>> -> memref<128x16xf32, #tpu.memory_space<vmem>>
        %dma_start3A_419 = arith.constant 0 : i32
        %dma_start3A_420 = tpu.memref_slice %arg6[%add3A_412, %dma_start3A_419] : memref<79x128xi32, #tpu.memory_space<vmem>> -> memref<1x128xi32, #tpu.memory_space<vmem>>
        %dma_start3A_421 = tpu.memref_squeeze %dma_start3A_420 : memref<1x128xi32, #tpu.memory_space<vmem>> -> memref<128xi32, #tpu.memory_space<vmem>>
        %dma_start3A_422 = arith.constant 0 : i32
        %dma_start3A_423 = arith.constant 0 : i32
        %dma_start3A_424 = tpu.memref_slice %arg12[%dma_start3A_422, %dma_start3A_423] : memref<10240x16xf32, #tpu.memory_space<vmem_shared>> -> memref<10240x16xf32, #tpu.memory_space<vmem_shared>>
        %dma_start3A_425 = tpu.memref_slice %arg10[%dma_start3A_414] : memref<6x!tpu.dma_semaphore, #tpu.memory_space<semaphore_mem>> -> memref<1x!tpu.dma_semaphore, #tpu.memory_space<semaphore_mem>>
        %dma_start3A_426 = tpu.memref_squeeze %dma_start3A_425 : memref<1x!tpu.dma_semaphore, #tpu.memory_space<semaphore_mem>> -> memref<!tpu.dma_semaphore, #tpu.memory_space<semaphore_mem>>
        tpu.enqueue_indirect_dma source(%dma_start3A_424 : memref<10240x16xf32, #tpu.memory_space<vmem_shared>>) target(%dma_start3A_418 : memref<128x16xf32, #tpu.memory_space<vmem>>) offsets(%dma_start3A_421 : memref<128xi32, #tpu.memory_space<vmem>>) semaphore(%dma_start3A_426 : memref<!tpu.dma_semaphore, #tpu.memory_space<semaphore_mem>>)
      } else {
      }
      %mul3A_251 = arith.constant 6 : i32
      %mul3A_252 = arith.muli %scan3A_172, %mul3A_251 : i32
      %add3A_253 = arith.constant 2 : i32
      %add3A_254 = arith.addi %mul3A_252, %add3A_253 : i32
      %dma_wait3A_255 = arith.constant 2 : i32
      %dma_wait3A_256 = arith.constant 2 : i32
      %dma_wait3A_257 = arith.constant 0 : i32
      %dma_wait3A_258 = arith.constant 0 : i32
      %dma_wait3A_259 = tpu.memref_slice %arg8[%dma_wait3A_255, %dma_wait3A_257, %dma_wait3A_258] : memref<6x128x16xf32, #tpu.memory_space<vmem>> -> memref<1x128x16xf32, #tpu.memory_space<vmem>>
      %dma_wait3A_260 = tpu.memref_squeeze %dma_wait3A_259 : memref<1x128x16xf32, #tpu.memory_space<vmem>> -> memref<128x16xf32, #tpu.memory_space<vmem>>
      %dma_wait3A_261 = arith.constant 0 : i32
      %dma_wait3A_262 = tpu.memref_slice %arg6[%add3A_254, %dma_wait3A_261] : memref<79x128xi32, #tpu.memory_space<vmem>> -> memref<1x128xi32, #tpu.memory_space<vmem>>
      %dma_wait3A_263 = tpu.memref_squeeze %dma_wait3A_262 : memref<1x128xi32, #tpu.memory_space<vmem>> -> memref<128xi32, #tpu.memory_space<vmem>>
      %dma_wait3A_264 = arith.constant 0 : i32
      %dma_wait3A_265 = arith.constant 0 : i32
      %dma_wait3A_266 = tpu.memref_slice %arg12[%dma_wait3A_264, %dma_wait3A_265] : memref<10240x16xf32, #tpu.memory_space<vmem_shared>> -> memref<10240x16xf32, #tpu.memory_space<vmem_shared>>
      %dma_wait3A_267 = tpu.memref_slice %arg10[%dma_wait3A_256] : memref<6x!tpu.dma_semaphore, #tpu.memory_space<semaphore_mem>> -> memref<1x!tpu.dma_semaphore, #tpu.memory_space<semaphore_mem>>
      %dma_wait3A_268 = tpu.memref_squeeze %dma_wait3A_267 : memref<1x!tpu.dma_semaphore, #tpu.memory_space<semaphore_mem>> -> memref<!tpu.dma_semaphore, #tpu.memory_space<semaphore_mem>>
      tpu.wait_indirect_dma semaphore(%dma_wait3A_268 : memref<!tpu.dma_semaphore, #tpu.memory_space<semaphore_mem>>) src(%dma_wait3A_266 : memref<10240x16xf32, #tpu.memory_space<vmem_shared>>) dst(%dma_wait3A_260 : memref<128x16xf32, #tpu.memory_space<vmem>>)
      %dma_start3A_269 = arith.constant 2 : i32
      %dma_start3A_270 = arith.constant 2 : i32
      %dma_start3A_271 = arith.constant 0 : i32
      %dma_start3A_272 = arith.constant 0 : i32
      %dma_start3A_273 = tpu.memref_slice %arg8[%dma_start3A_269, %dma_start3A_271, %dma_start3A_272] : memref<6x128x16xf32, #tpu.memory_space<vmem>> -> memref<1x128x16xf32, #tpu.memory_space<vmem>>
      %dma_start3A_274 = tpu.memref_squeeze %dma_start3A_273 : memref<1x128x16xf32, #tpu.memory_space<vmem>> -> memref<128x16xf32, #tpu.memory_space<vmem>>
      %dma_start3A_275 = arith.constant 0 : i32
      %dma_start3A_276 = tpu.memref_slice %arg7[%add3A_254, %dma_start3A_275] : memref<79x128xi32, #tpu.memory_space<vmem>> -> memref<1x128xi32, #tpu.memory_space<vmem>>
      %dma_start3A_277 = tpu.memref_squeeze %dma_start3A_276 : memref<1x128xi32, #tpu.memory_space<vmem>> -> memref<128xi32, #tpu.memory_space<vmem>>
      %dma_start3A_278 = arith.constant 0 : i32
      %dma_start3A_279 = arith.constant 0 : i32
      %dma_start3A_280 = tpu.memref_slice %arg9[%dma_start3A_278, %dma_start3A_279] : memref<10240x16xf32, #tpu.memory_space<vmem_shared>> -> memref<10240x16xf32, #tpu.memory_space<vmem_shared>>
      %dma_start3A_281 = tpu.memref_slice %arg11[%dma_start3A_270] : memref<6x!tpu.dma_semaphore, #tpu.memory_space<semaphore_mem>> -> memref<1x!tpu.dma_semaphore, #tpu.memory_space<semaphore_mem>>
      %dma_start3A_282 = tpu.memref_squeeze %dma_start3A_281 : memref<1x!tpu.dma_semaphore, #tpu.memory_space<semaphore_mem>> -> memref<!tpu.dma_semaphore, #tpu.memory_space<semaphore_mem>>
      tpu.enqueue_indirect_dma source(%dma_start3A_274 : memref<128x16xf32, #tpu.memory_space<vmem>>) target(%dma_start3A_280 : memref<10240x16xf32, #tpu.memory_space<vmem_shared>>) offsets(%dma_start3A_277 : memref<128xi32, #tpu.memory_space<vmem>>) semaphore(%dma_start3A_282 : memref<!tpu.dma_semaphore, #tpu.memory_space<semaphore_mem>>) {add = true}
      %add3A_283 = arith.constant 3 : i32
      %add3A_284 = arith.addi %add3A_254, %add3A_283 : i32
      %lt3A_285 = arith.constant 78 : i32
      %lt3A_286 = arith.cmpi slt, %add3A_284, %lt3A_285 : i32
      %convert_element_type3A_287 = arith.extui %lt3A_286 : i1 to i32
      %cond3A_288 = arith.constant 0 : i32
      %cond3A_289 = arith.cmpi ne, %convert_element_type3A_287, %cond3A_288 : i32
      scf.if %cond3A_289 {
        %ge3A = arith.constant 3 : i32
        %ge3A_407 = arith.cmpi sge, %add3A_254, %ge3A : i32
        %convert_element_type3A_408 = arith.extui %ge3A_407 : i1 to i32
        %cond3A_409 = arith.constant 0 : i32
        %cond3A_410 = arith.cmpi ne, %convert_element_type3A_408, %cond3A_409 : i32
        scf.if %cond3A_410 {
          %sub3A = arith.constant 3 : i32
          %sub3A_427 = arith.subi %add3A_254, %sub3A : i32
          %dma_wait3A_428 = arith.constant 5 : i32
          %dma_wait3A_429 = arith.constant 5 : i32
          %dma_wait3A_430 = arith.constant 0 : i32
          %dma_wait3A_431 = arith.constant 0 : i32
          %dma_wait3A_432 = tpu.memref_slice %arg8[%dma_wait3A_428, %dma_wait3A_430, %dma_wait3A_431] : memref<6x128x16xf32, #tpu.memory_space<vmem>> -> memref<1x128x16xf32, #tpu.memory_space<vmem>>
          %dma_wait3A_433 = tpu.memref_squeeze %dma_wait3A_432 : memref<1x128x16xf32, #tpu.memory_space<vmem>> -> memref<128x16xf32, #tpu.memory_space<vmem>>
          %dma_wait3A_434 = arith.constant 0 : i32
          %dma_wait3A_435 = tpu.memref_slice %arg7[%sub3A_427, %dma_wait3A_434] : memref<79x128xi32, #tpu.memory_space<vmem>> -> memref<1x128xi32, #tpu.memory_space<vmem>>
          %dma_wait3A_436 = tpu.memref_squeeze %dma_wait3A_435 : memref<1x128xi32, #tpu.memory_space<vmem>> -> memref<128xi32, #tpu.memory_space<vmem>>
          %dma_wait3A_437 = arith.constant 0 : i32
          %dma_wait3A_438 = arith.constant 0 : i32
          %dma_wait3A_439 = tpu.memref_slice %arg9[%dma_wait3A_437, %dma_wait3A_438] : memref<10240x16xf32, #tpu.memory_space<vmem_shared>> -> memref<10240x16xf32, #tpu.memory_space<vmem_shared>>
          %dma_wait3A_440 = tpu.memref_slice %arg11[%dma_wait3A_429] : memref<6x!tpu.dma_semaphore, #tpu.memory_space<semaphore_mem>> -> memref<1x!tpu.dma_semaphore, #tpu.memory_space<semaphore_mem>>
          %dma_wait3A_441 = tpu.memref_squeeze %dma_wait3A_440 : memref<1x!tpu.dma_semaphore, #tpu.memory_space<semaphore_mem>> -> memref<!tpu.dma_semaphore, #tpu.memory_space<semaphore_mem>>
          tpu.wait_indirect_dma semaphore(%dma_wait3A_441 : memref<!tpu.dma_semaphore, #tpu.memory_space<semaphore_mem>>) src(%dma_wait3A_433 : memref<128x16xf32, #tpu.memory_space<vmem>>) dst(%dma_wait3A_439 : memref<10240x16xf32, #tpu.memory_space<vmem_shared>>)
        } else {
        }
        %add3A_411 = arith.constant 3 : i32
        %add3A_412 = arith.addi %add3A_254, %add3A_411 : i32
        %dma_start3A_413 = arith.constant 5 : i32
        %dma_start3A_414 = arith.constant 5 : i32
        %dma_start3A_415 = arith.constant 0 : i32
        %dma_start3A_416 = arith.constant 0 : i32
        %dma_start3A_417 = tpu.memref_slice %arg8[%dma_start3A_413, %dma_start3A_415, %dma_start3A_416] : memref<6x128x16xf32, #tpu.memory_space<vmem>> -> memref<1x128x16xf32, #tpu.memory_space<vmem>>
        %dma_start3A_418 = tpu.memref_squeeze %dma_start3A_417 : memref<1x128x16xf32, #tpu.memory_space<vmem>> -> memref<128x16xf32, #tpu.memory_space<vmem>>
        %dma_start3A_419 = arith.constant 0 : i32
        %dma_start3A_420 = tpu.memref_slice %arg6[%add3A_412, %dma_start3A_419] : memref<79x128xi32, #tpu.memory_space<vmem>> -> memref<1x128xi32, #tpu.memory_space<vmem>>
        %dma_start3A_421 = tpu.memref_squeeze %dma_start3A_420 : memref<1x128xi32, #tpu.memory_space<vmem>> -> memref<128xi32, #tpu.memory_space<vmem>>
        %dma_start3A_422 = arith.constant 0 : i32
        %dma_start3A_423 = arith.constant 0 : i32
        %dma_start3A_424 = tpu.memref_slice %arg12[%dma_start3A_422, %dma_start3A_423] : memref<10240x16xf32, #tpu.memory_space<vmem_shared>> -> memref<10240x16xf32, #tpu.memory_space<vmem_shared>>
        %dma_start3A_425 = tpu.memref_slice %arg10[%dma_start3A_414] : memref<6x!tpu.dma_semaphore, #tpu.memory_space<semaphore_mem>> -> memref<1x!tpu.dma_semaphore, #tpu.memory_space<semaphore_mem>>
        %dma_start3A_426 = tpu.memref_squeeze %dma_start3A_425 : memref<1x!tpu.dma_semaphore, #tpu.memory_space<semaphore_mem>> -> memref<!tpu.dma_semaphore, #tpu.memory_space<semaphore_mem>>
        tpu.enqueue_indirect_dma source(%dma_start3A_424 : memref<10240x16xf32, #tpu.memory_space<vmem_shared>>) target(%dma_start3A_418 : memref<128x16xf32, #tpu.memory_space<vmem>>) offsets(%dma_start3A_421 : memref<128xi32, #tpu.memory_space<vmem>>) semaphore(%dma_start3A_426 : memref<!tpu.dma_semaphore, #tpu.memory_space<semaphore_mem>>)
      } else {
      }
      %mul3A_290 = arith.constant 6 : i32
      %mul3A_291 = arith.muli %scan3A_172, %mul3A_290 : i32
      %add3A_292 = arith.constant 3 : i32
      %add3A_293 = arith.addi %mul3A_291, %add3A_292 : i32
      %dma_wait3A_294 = arith.constant 3 : i32
      %dma_wait3A_295 = arith.constant 3 : i32
      %dma_wait3A_296 = arith.constant 0 : i32
      %dma_wait3A_297 = arith.constant 0 : i32
      %dma_wait3A_298 = tpu.memref_slice %arg8[%dma_wait3A_294, %dma_wait3A_296, %dma_wait3A_297] : memref<6x128x16xf32, #tpu.memory_space<vmem>> -> memref<1x128x16xf32, #tpu.memory_space<vmem>>
      %dma_wait3A_299 = tpu.memref_squeeze %dma_wait3A_298 : memref<1x128x16xf32, #tpu.memory_space<vmem>> -> memref<128x16xf32, #tpu.memory_space<vmem>>
      %dma_wait3A_300 = arith.constant 0 : i32
      %dma_wait3A_301 = tpu.memref_slice %arg6[%add3A_293, %dma_wait3A_300] : memref<79x128xi32, #tpu.memory_space<vmem>> -> memref<1x128xi32, #tpu.memory_space<vmem>>
      %dma_wait3A_302 = tpu.memref_squeeze %dma_wait3A_301 : memref<1x128xi32, #tpu.memory_space<vmem>> -> memref<128xi32, #tpu.memory_space<vmem>>
      %dma_wait3A_303 = arith.constant 0 : i32
      %dma_wait3A_304 = arith.constant 0 : i32
      %dma_wait3A_305 = tpu.memref_slice %arg12[%dma_wait3A_303, %dma_wait3A_304] : memref<10240x16xf32, #tpu.memory_space<vmem_shared>> -> memref<10240x16xf32, #tpu.memory_space<vmem_shared>>
      %dma_wait3A_306 = tpu.memref_slice %arg10[%dma_wait3A_295] : memref<6x!tpu.dma_semaphore, #tpu.memory_space<semaphore_mem>> -> memref<1x!tpu.dma_semaphore, #tpu.memory_space<semaphore_mem>>
      %dma_wait3A_307 = tpu.memref_squeeze %dma_wait3A_306 : memref<1x!tpu.dma_semaphore, #tpu.memory_space<semaphore_mem>> -> memref<!tpu.dma_semaphore, #tpu.memory_space<semaphore_mem>>
      tpu.wait_indirect_dma semaphore(%dma_wait3A_307 : memref<!tpu.dma_semaphore, #tpu.memory_space<semaphore_mem>>) src(%dma_wait3A_305 : memref<10240x16xf32, #tpu.memory_space<vmem_shared>>) dst(%dma_wait3A_299 : memref<128x16xf32, #tpu.memory_space<vmem>>)
      %dma_start3A_308 = arith.constant 3 : i32
      %dma_start3A_309 = arith.constant 3 : i32
      %dma_start3A_310 = arith.constant 0 : i32
      %dma_start3A_311 = arith.constant 0 : i32
      %dma_start3A_312 = tpu.memref_slice %arg8[%dma_start3A_308, %dma_start3A_310, %dma_start3A_311] : memref<6x128x16xf32, #tpu.memory_space<vmem>> -> memref<1x128x16xf32, #tpu.memory_space<vmem>>
      %dma_start3A_313 = tpu.memref_squeeze %dma_start3A_312 : memref<1x128x16xf32, #tpu.memory_space<vmem>> -> memref<128x16xf32, #tpu.memory_space<vmem>>
      %dma_start3A_314 = arith.constant 0 : i32
      %dma_start3A_315 = tpu.memref_slice %arg7[%add3A_293, %dma_start3A_314] : memref<79x128xi32, #tpu.memory_space<vmem>> -> memref<1x128xi32, #tpu.memory_space<vmem>>
      %dma_start3A_316 = tpu.memref_squeeze %dma_start3A_315 : memref<1x128xi32, #tpu.memory_space<vmem>> -> memref<128xi32, #tpu.memory_space<vmem>>
      %dma_start3A_317 = arith.constant 0 : i32
      %dma_start3A_318 = arith.constant 0 : i32
      %dma_start3A_319 = tpu.memref_slice %arg9[%dma_start3A_317, %dma_start3A_318] : memref<10240x16xf32, #tpu.memory_space<vmem_shared>> -> memref<10240x16xf32, #tpu.memory_space<vmem_shared>>
      %dma_start3A_320 = tpu.memref_slice %arg11[%dma_start3A_309] : memref<6x!tpu.dma_semaphore, #tpu.memory_space<semaphore_mem>> -> memref<1x!tpu.dma_semaphore, #tpu.memory_space<semaphore_mem>>
      %dma_start3A_321 = tpu.memref_squeeze %dma_start3A_320 : memref<1x!tpu.dma_semaphore, #tpu.memory_space<semaphore_mem>> -> memref<!tpu.dma_semaphore, #tpu.memory_space<semaphore_mem>>
      tpu.enqueue_indirect_dma source(%dma_start3A_313 : memref<128x16xf32, #tpu.memory_space<vmem>>) target(%dma_start3A_319 : memref<10240x16xf32, #tpu.memory_space<vmem_shared>>) offsets(%dma_start3A_316 : memref<128xi32, #tpu.memory_space<vmem>>) semaphore(%dma_start3A_321 : memref<!tpu.dma_semaphore, #tpu.memory_space<semaphore_mem>>) {add = true}
      %add3A_322 = arith.constant 3 : i32
      %add3A_323 = arith.addi %add3A_293, %add3A_322 : i32
      %lt3A_324 = arith.constant 78 : i32
      %lt3A_325 = arith.cmpi slt, %add3A_323, %lt3A_324 : i32
      %convert_element_type3A_326 = arith.extui %lt3A_325 : i1 to i32
      %cond3A_327 = arith.constant 0 : i32
      %cond3A_328 = arith.cmpi ne, %convert_element_type3A_326, %cond3A_327 : i32
      scf.if %cond3A_328 {
        %ge3A = arith.constant 3 : i32
        %ge3A_407 = arith.cmpi sge, %add3A_293, %ge3A : i32
        %convert_element_type3A_408 = arith.extui %ge3A_407 : i1 to i32
        %cond3A_409 = arith.constant 0 : i32
        %cond3A_410 = arith.cmpi ne, %convert_element_type3A_408, %cond3A_409 : i32
        scf.if %cond3A_410 {
          %sub3A = arith.constant 3 : i32
          %sub3A_427 = arith.subi %add3A_293, %sub3A : i32
          %dma_wait3A_428 = arith.constant 0 : i32
          %dma_wait3A_429 = arith.constant 0 : i32
          %dma_wait3A_430 = arith.constant 0 : i32
          %dma_wait3A_431 = arith.constant 0 : i32
          %dma_wait3A_432 = tpu.memref_slice %arg8[%dma_wait3A_428, %dma_wait3A_430, %dma_wait3A_431] : memref<6x128x16xf32, #tpu.memory_space<vmem>> -> memref<1x128x16xf32, #tpu.memory_space<vmem>>
          %dma_wait3A_433 = tpu.memref_squeeze %dma_wait3A_432 : memref<1x128x16xf32, #tpu.memory_space<vmem>> -> memref<128x16xf32, #tpu.memory_space<vmem>>
          %dma_wait3A_434 = arith.constant 0 : i32
          %dma_wait3A_435 = tpu.memref_slice %arg7[%sub3A_427, %dma_wait3A_434] : memref<79x128xi32, #tpu.memory_space<vmem>> -> memref<1x128xi32, #tpu.memory_space<vmem>>
          %dma_wait3A_436 = tpu.memref_squeeze %dma_wait3A_435 : memref<1x128xi32, #tpu.memory_space<vmem>> -> memref<128xi32, #tpu.memory_space<vmem>>
          %dma_wait3A_437 = arith.constant 0 : i32
          %dma_wait3A_438 = arith.constant 0 : i32
          %dma_wait3A_439 = tpu.memref_slice %arg9[%dma_wait3A_437, %dma_wait3A_438] : memref<10240x16xf32, #tpu.memory_space<vmem_shared>> -> memref<10240x16xf32, #tpu.memory_space<vmem_shared>>
          %dma_wait3A_440 = tpu.memref_slice %arg11[%dma_wait3A_429] : memref<6x!tpu.dma_semaphore, #tpu.memory_space<semaphore_mem>> -> memref<1x!tpu.dma_semaphore, #tpu.memory_space<semaphore_mem>>
          %dma_wait3A_441 = tpu.memref_squeeze %dma_wait3A_440 : memref<1x!tpu.dma_semaphore, #tpu.memory_space<semaphore_mem>> -> memref<!tpu.dma_semaphore, #tpu.memory_space<semaphore_mem>>
          tpu.wait_indirect_dma semaphore(%dma_wait3A_441 : memref<!tpu.dma_semaphore, #tpu.memory_space<semaphore_mem>>) src(%dma_wait3A_433 : memref<128x16xf32, #tpu.memory_space<vmem>>) dst(%dma_wait3A_439 : memref<10240x16xf32, #tpu.memory_space<vmem_shared>>)
        } else {
        }
        %add3A_411 = arith.constant 3 : i32
        %add3A_412 = arith.addi %add3A_293, %add3A_411 : i32
        %dma_start3A_413 = arith.constant 0 : i32
        %dma_start3A_414 = arith.constant 0 : i32
        %dma_start3A_415 = arith.constant 0 : i32
        %dma_start3A_416 = arith.constant 0 : i32
        %dma_start3A_417 = tpu.memref_slice %arg8[%dma_start3A_413, %dma_start3A_415, %dma_start3A_416] : memref<6x128x16xf32, #tpu.memory_space<vmem>> -> memref<1x128x16xf32, #tpu.memory_space<vmem>>
        %dma_start3A_418 = tpu.memref_squeeze %dma_start3A_417 : memref<1x128x16xf32, #tpu.memory_space<vmem>> -> memref<128x16xf32, #tpu.memory_space<vmem>>
        %dma_start3A_419 = arith.constant 0 : i32
        %dma_start3A_420 = tpu.memref_slice %arg6[%add3A_412, %dma_start3A_419] : memref<79x128xi32, #tpu.memory_space<vmem>> -> memref<1x128xi32, #tpu.memory_space<vmem>>
        %dma_start3A_421 = tpu.memref_squeeze %dma_start3A_420 : memref<1x128xi32, #tpu.memory_space<vmem>> -> memref<128xi32, #tpu.memory_space<vmem>>
        %dma_start3A_422 = arith.constant 0 : i32
        %dma_start3A_423 = arith.constant 0 : i32
        %dma_start3A_424 = tpu.memref_slice %arg12[%dma_start3A_422, %dma_start3A_423] : memref<10240x16xf32, #tpu.memory_space<vmem_shared>> -> memref<10240x16xf32, #tpu.memory_space<vmem_shared>>
        %dma_start3A_425 = tpu.memref_slice %arg10[%dma_start3A_414] : memref<6x!tpu.dma_semaphore, #tpu.memory_space<semaphore_mem>> -> memref<1x!tpu.dma_semaphore, #tpu.memory_space<semaphore_mem>>
        %dma_start3A_426 = tpu.memref_squeeze %dma_start3A_425 : memref<1x!tpu.dma_semaphore, #tpu.memory_space<semaphore_mem>> -> memref<!tpu.dma_semaphore, #tpu.memory_space<semaphore_mem>>
        tpu.enqueue_indirect_dma source(%dma_start3A_424 : memref<10240x16xf32, #tpu.memory_space<vmem_shared>>) target(%dma_start3A_418 : memref<128x16xf32, #tpu.memory_space<vmem>>) offsets(%dma_start3A_421 : memref<128xi32, #tpu.memory_space<vmem>>) semaphore(%dma_start3A_426 : memref<!tpu.dma_semaphore, #tpu.memory_space<semaphore_mem>>)
      } else {
      }
      %mul3A_329 = arith.constant 6 : i32
      %mul3A_330 = arith.muli %scan3A_172, %mul3A_329 : i32
      %add3A_331 = arith.constant 4 : i32
      %add3A_332 = arith.addi %mul3A_330, %add3A_331 : i32
      %dma_wait3A_333 = arith.constant 4 : i32
      %dma_wait3A_334 = arith.constant 4 : i32
      %dma_wait3A_335 = arith.constant 0 : i32
      %dma_wait3A_336 = arith.constant 0 : i32
      %dma_wait3A_337 = tpu.memref_slice %arg8[%dma_wait3A_333, %dma_wait3A_335, %dma_wait3A_336] : memref<6x128x16xf32, #tpu.memory_space<vmem>> -> memref<1x128x16xf32, #tpu.memory_space<vmem>>
      %dma_wait3A_338 = tpu.memref_squeeze %dma_wait3A_337 : memref<1x128x16xf32, #tpu.memory_space<vmem>> -> memref<128x16xf32, #tpu.memory_space<vmem>>
      %dma_wait3A_339 = arith.constant 0 : i32
      %dma_wait3A_340 = tpu.memref_slice %arg6[%add3A_332, %dma_wait3A_339] : memref<79x128xi32, #tpu.memory_space<vmem>> -> memref<1x128xi32, #tpu.memory_space<vmem>>
      %dma_wait3A_341 = tpu.memref_squeeze %dma_wait3A_340 : memref<1x128xi32, #tpu.memory_space<vmem>> -> memref<128xi32, #tpu.memory_space<vmem>>
      %dma_wait3A_342 = arith.constant 0 : i32
      %dma_wait3A_343 = arith.constant 0 : i32
      %dma_wait3A_344 = tpu.memref_slice %arg12[%dma_wait3A_342, %dma_wait3A_343] : memref<10240x16xf32, #tpu.memory_space<vmem_shared>> -> memref<10240x16xf32, #tpu.memory_space<vmem_shared>>
      %dma_wait3A_345 = tpu.memref_slice %arg10[%dma_wait3A_334] : memref<6x!tpu.dma_semaphore, #tpu.memory_space<semaphore_mem>> -> memref<1x!tpu.dma_semaphore, #tpu.memory_space<semaphore_mem>>
      %dma_wait3A_346 = tpu.memref_squeeze %dma_wait3A_345 : memref<1x!tpu.dma_semaphore, #tpu.memory_space<semaphore_mem>> -> memref<!tpu.dma_semaphore, #tpu.memory_space<semaphore_mem>>
      tpu.wait_indirect_dma semaphore(%dma_wait3A_346 : memref<!tpu.dma_semaphore, #tpu.memory_space<semaphore_mem>>) src(%dma_wait3A_344 : memref<10240x16xf32, #tpu.memory_space<vmem_shared>>) dst(%dma_wait3A_338 : memref<128x16xf32, #tpu.memory_space<vmem>>)
      %dma_start3A_347 = arith.constant 4 : i32
      %dma_start3A_348 = arith.constant 4 : i32
      %dma_start3A_349 = arith.constant 0 : i32
      %dma_start3A_350 = arith.constant 0 : i32
      %dma_start3A_351 = tpu.memref_slice %arg8[%dma_start3A_347, %dma_start3A_349, %dma_start3A_350] : memref<6x128x16xf32, #tpu.memory_space<vmem>> -> memref<1x128x16xf32, #tpu.memory_space<vmem>>
      %dma_start3A_352 = tpu.memref_squeeze %dma_start3A_351 : memref<1x128x16xf32, #tpu.memory_space<vmem>> -> memref<128x16xf32, #tpu.memory_space<vmem>>
      %dma_start3A_353 = arith.constant 0 : i32
      %dma_start3A_354 = tpu.memref_slice %arg7[%add3A_332, %dma_start3A_353] : memref<79x128xi32, #tpu.memory_space<vmem>> -> memref<1x128xi32, #tpu.memory_space<vmem>>
      %dma_start3A_355 = tpu.memref_squeeze %dma_start3A_354 : memref<1x128xi32, #tpu.memory_space<vmem>> -> memref<128xi32, #tpu.memory_space<vmem>>
      %dma_start3A_356 = arith.constant 0 : i32
      %dma_start3A_357 = arith.constant 0 : i32
      %dma_start3A_358 = tpu.memref_slice %arg9[%dma_start3A_356, %dma_start3A_357] : memref<10240x16xf32, #tpu.memory_space<vmem_shared>> -> memref<10240x16xf32, #tpu.memory_space<vmem_shared>>
      %dma_start3A_359 = tpu.memref_slice %arg11[%dma_start3A_348] : memref<6x!tpu.dma_semaphore, #tpu.memory_space<semaphore_mem>> -> memref<1x!tpu.dma_semaphore, #tpu.memory_space<semaphore_mem>>
      %dma_start3A_360 = tpu.memref_squeeze %dma_start3A_359 : memref<1x!tpu.dma_semaphore, #tpu.memory_space<semaphore_mem>> -> memref<!tpu.dma_semaphore, #tpu.memory_space<semaphore_mem>>
      tpu.enqueue_indirect_dma source(%dma_start3A_352 : memref<128x16xf32, #tpu.memory_space<vmem>>) target(%dma_start3A_358 : memref<10240x16xf32, #tpu.memory_space<vmem_shared>>) offsets(%dma_start3A_355 : memref<128xi32, #tpu.memory_space<vmem>>) semaphore(%dma_start3A_360 : memref<!tpu.dma_semaphore, #tpu.memory_space<semaphore_mem>>) {add = true}
      %add3A_361 = arith.constant 3 : i32
      %add3A_362 = arith.addi %add3A_332, %add3A_361 : i32
      %lt3A_363 = arith.constant 78 : i32
      %lt3A_364 = arith.cmpi slt, %add3A_362, %lt3A_363 : i32
      %convert_element_type3A_365 = arith.extui %lt3A_364 : i1 to i32
      %cond3A_366 = arith.constant 0 : i32
      %cond3A_367 = arith.cmpi ne, %convert_element_type3A_365, %cond3A_366 : i32
      scf.if %cond3A_367 {
        %ge3A = arith.constant 3 : i32
        %ge3A_407 = arith.cmpi sge, %add3A_332, %ge3A : i32
        %convert_element_type3A_408 = arith.extui %ge3A_407 : i1 to i32
        %cond3A_409 = arith.constant 0 : i32
        %cond3A_410 = arith.cmpi ne, %convert_element_type3A_408, %cond3A_409 : i32
        scf.if %cond3A_410 {
          %sub3A = arith.constant 3 : i32
          %sub3A_427 = arith.subi %add3A_332, %sub3A : i32
          %dma_wait3A_428 = arith.constant 1 : i32
          %dma_wait3A_429 = arith.constant 1 : i32
          %dma_wait3A_430 = arith.constant 0 : i32
          %dma_wait3A_431 = arith.constant 0 : i32
          %dma_wait3A_432 = tpu.memref_slice %arg8[%dma_wait3A_428, %dma_wait3A_430, %dma_wait3A_431] : memref<6x128x16xf32, #tpu.memory_space<vmem>> -> memref<1x128x16xf32, #tpu.memory_space<vmem>>
          %dma_wait3A_433 = tpu.memref_squeeze %dma_wait3A_432 : memref<1x128x16xf32, #tpu.memory_space<vmem>> -> memref<128x16xf32, #tpu.memory_space<vmem>>
          %dma_wait3A_434 = arith.constant 0 : i32
          %dma_wait3A_435 = tpu.memref_slice %arg7[%sub3A_427, %dma_wait3A_434] : memref<79x128xi32, #tpu.memory_space<vmem>> -> memref<1x128xi32, #tpu.memory_space<vmem>>
          %dma_wait3A_436 = tpu.memref_squeeze %dma_wait3A_435 : memref<1x128xi32, #tpu.memory_space<vmem>> -> memref<128xi32, #tpu.memory_space<vmem>>
          %dma_wait3A_437 = arith.constant 0 : i32
          %dma_wait3A_438 = arith.constant 0 : i32
          %dma_wait3A_439 = tpu.memref_slice %arg9[%dma_wait3A_437, %dma_wait3A_438] : memref<10240x16xf32, #tpu.memory_space<vmem_shared>> -> memref<10240x16xf32, #tpu.memory_space<vmem_shared>>
          %dma_wait3A_440 = tpu.memref_slice %arg11[%dma_wait3A_429] : memref<6x!tpu.dma_semaphore, #tpu.memory_space<semaphore_mem>> -> memref<1x!tpu.dma_semaphore, #tpu.memory_space<semaphore_mem>>
          %dma_wait3A_441 = tpu.memref_squeeze %dma_wait3A_440 : memref<1x!tpu.dma_semaphore, #tpu.memory_space<semaphore_mem>> -> memref<!tpu.dma_semaphore, #tpu.memory_space<semaphore_mem>>
          tpu.wait_indirect_dma semaphore(%dma_wait3A_441 : memref<!tpu.dma_semaphore, #tpu.memory_space<semaphore_mem>>) src(%dma_wait3A_433 : memref<128x16xf32, #tpu.memory_space<vmem>>) dst(%dma_wait3A_439 : memref<10240x16xf32, #tpu.memory_space<vmem_shared>>)
        } else {
        }
        %add3A_411 = arith.constant 3 : i32
        %add3A_412 = arith.addi %add3A_332, %add3A_411 : i32
        %dma_start3A_413 = arith.constant 1 : i32
        %dma_start3A_414 = arith.constant 1 : i32
        %dma_start3A_415 = arith.constant 0 : i32
        %dma_start3A_416 = arith.constant 0 : i32
        %dma_start3A_417 = tpu.memref_slice %arg8[%dma_start3A_413, %dma_start3A_415, %dma_start3A_416] : memref<6x128x16xf32, #tpu.memory_space<vmem>> -> memref<1x128x16xf32, #tpu.memory_space<vmem>>
        %dma_start3A_418 = tpu.memref_squeeze %dma_start3A_417 : memref<1x128x16xf32, #tpu.memory_space<vmem>> -> memref<128x16xf32, #tpu.memory_space<vmem>>
        %dma_start3A_419 = arith.constant 0 : i32
        %dma_start3A_420 = tpu.memref_slice %arg6[%add3A_412, %dma_start3A_419] : memref<79x128xi32, #tpu.memory_space<vmem>> -> memref<1x128xi32, #tpu.memory_space<vmem>>
        %dma_start3A_421 = tpu.memref_squeeze %dma_start3A_420 : memref<1x128xi32, #tpu.memory_space<vmem>> -> memref<128xi32, #tpu.memory_space<vmem>>
        %dma_start3A_422 = arith.constant 0 : i32
        %dma_start3A_423 = arith.constant 0 : i32
        %dma_start3A_424 = tpu.memref_slice %arg12[%dma_start3A_422, %dma_start3A_423] : memref<10240x16xf32, #tpu.memory_space<vmem_shared>> -> memref<10240x16xf32, #tpu.memory_space<vmem_shared>>
        %dma_start3A_425 = tpu.memref_slice %arg10[%dma_start3A_414] : memref<6x!tpu.dma_semaphore, #tpu.memory_space<semaphore_mem>> -> memref<1x!tpu.dma_semaphore, #tpu.memory_space<semaphore_mem>>
        %dma_start3A_426 = tpu.memref_squeeze %dma_start3A_425 : memref<1x!tpu.dma_semaphore, #tpu.memory_space<semaphore_mem>> -> memref<!tpu.dma_semaphore, #tpu.memory_space<semaphore_mem>>
        tpu.enqueue_indirect_dma source(%dma_start3A_424 : memref<10240x16xf32, #tpu.memory_space<vmem_shared>>) target(%dma_start3A_418 : memref<128x16xf32, #tpu.memory_space<vmem>>) offsets(%dma_start3A_421 : memref<128xi32, #tpu.memory_space<vmem>>) semaphore(%dma_start3A_426 : memref<!tpu.dma_semaphore, #tpu.memory_space<semaphore_mem>>)
      } else {
      }
      %mul3A_368 = arith.constant 6 : i32
      %mul3A_369 = arith.muli %scan3A_172, %mul3A_368 : i32
      %add3A_370 = arith.constant 5 : i32
      %add3A_371 = arith.addi %mul3A_369, %add3A_370 : i32
      %dma_wait3A_372 = arith.constant 5 : i32
      %dma_wait3A_373 = arith.constant 5 : i32
      %dma_wait3A_374 = arith.constant 0 : i32
      %dma_wait3A_375 = arith.constant 0 : i32
      %dma_wait3A_376 = tpu.memref_slice %arg8[%dma_wait3A_372, %dma_wait3A_374, %dma_wait3A_375] : memref<6x128x16xf32, #tpu.memory_space<vmem>> -> memref<1x128x16xf32, #tpu.memory_space<vmem>>
      %dma_wait3A_377 = tpu.memref_squeeze %dma_wait3A_376 : memref<1x128x16xf32, #tpu.memory_space<vmem>> -> memref<128x16xf32, #tpu.memory_space<vmem>>
      %dma_wait3A_378 = arith.constant 0 : i32
      %dma_wait3A_379 = tpu.memref_slice %arg6[%add3A_371, %dma_wait3A_378] : memref<79x128xi32, #tpu.memory_space<vmem>> -> memref<1x128xi32, #tpu.memory_space<vmem>>
      %dma_wait3A_380 = tpu.memref_squeeze %dma_wait3A_379 : memref<1x128xi32, #tpu.memory_space<vmem>> -> memref<128xi32, #tpu.memory_space<vmem>>
      %dma_wait3A_381 = arith.constant 0 : i32
      %dma_wait3A_382 = arith.constant 0 : i32
      %dma_wait3A_383 = tpu.memref_slice %arg12[%dma_wait3A_381, %dma_wait3A_382] : memref<10240x16xf32, #tpu.memory_space<vmem_shared>> -> memref<10240x16xf32, #tpu.memory_space<vmem_shared>>
      %dma_wait3A_384 = tpu.memref_slice %arg10[%dma_wait3A_373] : memref<6x!tpu.dma_semaphore, #tpu.memory_space<semaphore_mem>> -> memref<1x!tpu.dma_semaphore, #tpu.memory_space<semaphore_mem>>
      %dma_wait3A_385 = tpu.memref_squeeze %dma_wait3A_384 : memref<1x!tpu.dma_semaphore, #tpu.memory_space<semaphore_mem>> -> memref<!tpu.dma_semaphore, #tpu.memory_space<semaphore_mem>>
      tpu.wait_indirect_dma semaphore(%dma_wait3A_385 : memref<!tpu.dma_semaphore, #tpu.memory_space<semaphore_mem>>) src(%dma_wait3A_383 : memref<10240x16xf32, #tpu.memory_space<vmem_shared>>) dst(%dma_wait3A_377 : memref<128x16xf32, #tpu.memory_space<vmem>>)
      %dma_start3A_386 = arith.constant 5 : i32
      %dma_start3A_387 = arith.constant 5 : i32
      %dma_start3A_388 = arith.constant 0 : i32
      %dma_start3A_389 = arith.constant 0 : i32
      %dma_start3A_390 = tpu.memref_slice %arg8[%dma_start3A_386, %dma_start3A_388, %dma_start3A_389] : memref<6x128x16xf32, #tpu.memory_space<vmem>> -> memref<1x128x16xf32, #tpu.memory_space<vmem>>
      %dma_start3A_391 = tpu.memref_squeeze %dma_start3A_390 : memref<1x128x16xf32, #tpu.memory_space<vmem>> -> memref<128x16xf32, #tpu.memory_space<vmem>>
      %dma_start3A_392 = arith.constant 0 : i32
      %dma_start3A_393 = tpu.memref_slice %arg7[%add3A_371, %dma_start3A_392] : memref<79x128xi32, #tpu.memory_space<vmem>> -> memref<1x128xi32, #tpu.memory_space<vmem>>
      %dma_start3A_394 = tpu.memref_squeeze %dma_start3A_393 : memref<1x128xi32, #tpu.memory_space<vmem>> -> memref<128xi32, #tpu.memory_space<vmem>>
      %dma_start3A_395 = arith.constant 0 : i32
      %dma_start3A_396 = arith.constant 0 : i32
      %dma_start3A_397 = tpu.memref_slice %arg9[%dma_start3A_395, %dma_start3A_396] : memref<10240x16xf32, #tpu.memory_space<vmem_shared>> -> memref<10240x16xf32, #tpu.memory_space<vmem_shared>>
      %dma_start3A_398 = tpu.memref_slice %arg11[%dma_start3A_387] : memref<6x!tpu.dma_semaphore, #tpu.memory_space<semaphore_mem>> -> memref<1x!tpu.dma_semaphore, #tpu.memory_space<semaphore_mem>>
      %dma_start3A_399 = tpu.memref_squeeze %dma_start3A_398 : memref<1x!tpu.dma_semaphore, #tpu.memory_space<semaphore_mem>> -> memref<!tpu.dma_semaphore, #tpu.memory_space<semaphore_mem>>
      tpu.enqueue_indirect_dma source(%dma_start3A_391 : memref<128x16xf32, #tpu.memory_space<vmem>>) target(%dma_start3A_397 : memref<10240x16xf32, #tpu.memory_space<vmem_shared>>) offsets(%dma_start3A_394 : memref<128xi32, #tpu.memory_space<vmem>>) semaphore(%dma_start3A_399 : memref<!tpu.dma_semaphore, #tpu.memory_space<semaphore_mem>>) {add = true}
      %add3A_400 = arith.constant 3 : i32
      %add3A_401 = arith.addi %add3A_371, %add3A_400 : i32
      %lt3A_402 = arith.constant 78 : i32
      %lt3A_403 = arith.cmpi slt, %add3A_401, %lt3A_402 : i32
      %convert_element_type3A_404 = arith.extui %lt3A_403 : i1 to i32
      %cond3A_405 = arith.constant 0 : i32
      %cond3A_406 = arith.cmpi ne, %convert_element_type3A_404, %cond3A_405 : i32
      scf.if %cond3A_406 {
        %ge3A = arith.constant 3 : i32
        %ge3A_407 = arith.cmpi sge, %add3A_371, %ge3A : i32
        %convert_element_type3A_408 = arith.extui %ge3A_407 : i1 to i32
        %cond3A_409 = arith.constant 0 : i32
        %cond3A_410 = arith.cmpi ne, %convert_element_type3A_408, %cond3A_409 : i32
        scf.if %cond3A_410 {
          %sub3A = arith.constant 3 : i32
          %sub3A_427 = arith.subi %add3A_371, %sub3A : i32
          %dma_wait3A_428 = arith.constant 2 : i32
          %dma_wait3A_429 = arith.constant 2 : i32
          %dma_wait3A_430 = arith.constant 0 : i32
          %dma_wait3A_431 = arith.constant 0 : i32
          %dma_wait3A_432 = tpu.memref_slice %arg8[%dma_wait3A_428, %dma_wait3A_430, %dma_wait3A_431] : memref<6x128x16xf32, #tpu.memory_space<vmem>> -> memref<1x128x16xf32, #tpu.memory_space<vmem>>
          %dma_wait3A_433 = tpu.memref_squeeze %dma_wait3A_432 : memref<1x128x16xf32, #tpu.memory_space<vmem>> -> memref<128x16xf32, #tpu.memory_space<vmem>>
          %dma_wait3A_434 = arith.constant 0 : i32
          %dma_wait3A_435 = tpu.memref_slice %arg7[%sub3A_427, %dma_wait3A_434] : memref<79x128xi32, #tpu.memory_space<vmem>> -> memref<1x128xi32, #tpu.memory_space<vmem>>
          %dma_wait3A_436 = tpu.memref_squeeze %dma_wait3A_435 : memref<1x128xi32, #tpu.memory_space<vmem>> -> memref<128xi32, #tpu.memory_space<vmem>>
          %dma_wait3A_437 = arith.constant 0 : i32
          %dma_wait3A_438 = arith.constant 0 : i32
          %dma_wait3A_439 = tpu.memref_slice %arg9[%dma_wait3A_437, %dma_wait3A_438] : memref<10240x16xf32, #tpu.memory_space<vmem_shared>> -> memref<10240x16xf32, #tpu.memory_space<vmem_shared>>
          %dma_wait3A_440 = tpu.memref_slice %arg11[%dma_wait3A_429] : memref<6x!tpu.dma_semaphore, #tpu.memory_space<semaphore_mem>> -> memref<1x!tpu.dma_semaphore, #tpu.memory_space<semaphore_mem>>
          %dma_wait3A_441 = tpu.memref_squeeze %dma_wait3A_440 : memref<1x!tpu.dma_semaphore, #tpu.memory_space<semaphore_mem>> -> memref<!tpu.dma_semaphore, #tpu.memory_space<semaphore_mem>>
          tpu.wait_indirect_dma semaphore(%dma_wait3A_441 : memref<!tpu.dma_semaphore, #tpu.memory_space<semaphore_mem>>) src(%dma_wait3A_433 : memref<128x16xf32, #tpu.memory_space<vmem>>) dst(%dma_wait3A_439 : memref<10240x16xf32, #tpu.memory_space<vmem_shared>>)
        } else {
        }
        %add3A_411 = arith.constant 3 : i32
        %add3A_412 = arith.addi %add3A_371, %add3A_411 : i32
        %dma_start3A_413 = arith.constant 2 : i32
        %dma_start3A_414 = arith.constant 2 : i32
        %dma_start3A_415 = arith.constant 0 : i32
        %dma_start3A_416 = arith.constant 0 : i32
        %dma_start3A_417 = tpu.memref_slice %arg8[%dma_start3A_413, %dma_start3A_415, %dma_start3A_416] : memref<6x128x16xf32, #tpu.memory_space<vmem>> -> memref<1x128x16xf32, #tpu.memory_space<vmem>>
        %dma_start3A_418 = tpu.memref_squeeze %dma_start3A_417 : memref<1x128x16xf32, #tpu.memory_space<vmem>> -> memref<128x16xf32, #tpu.memory_space<vmem>>
        %dma_start3A_419 = arith.constant 0 : i32
        %dma_start3A_420 = tpu.memref_slice %arg6[%add3A_412, %dma_start3A_419] : memref<79x128xi32, #tpu.memory_space<vmem>> -> memref<1x128xi32, #tpu.memory_space<vmem>>
        %dma_start3A_421 = tpu.memref_squeeze %dma_start3A_420 : memref<1x128xi32, #tpu.memory_space<vmem>> -> memref<128xi32, #tpu.memory_space<vmem>>
        %dma_start3A_422 = arith.constant 0 : i32
        %dma_start3A_423 = arith.constant 0 : i32
        %dma_start3A_424 = tpu.memref_slice %arg12[%dma_start3A_422, %dma_start3A_423] : memref<10240x16xf32, #tpu.memory_space<vmem_shared>> -> memref<10240x16xf32, #tpu.memory_space<vmem_shared>>
        %dma_start3A_425 = tpu.memref_slice %arg10[%dma_start3A_414] : memref<6x!tpu.dma_semaphore, #tpu.memory_space<semaphore_mem>> -> memref<1x!tpu.dma_semaphore, #tpu.memory_space<semaphore_mem>>
        %dma_start3A_426 = tpu.memref_squeeze %dma_start3A_425 : memref<1x!tpu.dma_semaphore, #tpu.memory_space<semaphore_mem>> -> memref<!tpu.dma_semaphore, #tpu.memory_space<semaphore_mem>>
        tpu.enqueue_indirect_dma source(%dma_start3A_424 : memref<10240x16xf32, #tpu.memory_space<vmem_shared>>) target(%dma_start3A_418 : memref<128x16xf32, #tpu.memory_space<vmem>>) offsets(%dma_start3A_421 : memref<128xi32, #tpu.memory_space<vmem>>) semaphore(%dma_start3A_426 : memref<!tpu.dma_semaphore, #tpu.memory_space<semaphore_mem>>)
      } else {
      }
    }
    %scan3A_74 = arith.constant 13 : i32
    %dma_wait3A = arith.constant 0 : i32
    %dma_wait3A_75 = arith.constant 72 : i32
    %dma_wait3A_76 = arith.constant 0 : i32
    %dma_wait3A_77 = arith.constant 0 : i32
    %dma_wait3A_78 = arith.constant 0 : i32
    %dma_wait3A_79 = tpu.memref_slice %arg8[%dma_wait3A, %dma_wait3A_77, %dma_wait3A_78] : memref<6x128x16xf32, #tpu.memory_space<vmem>> -> memref<1x128x16xf32, #tpu.memory_space<vmem>>
    %dma_wait3A_80 = tpu.memref_squeeze %dma_wait3A_79 : memref<1x128x16xf32, #tpu.memory_space<vmem>> -> memref<128x16xf32, #tpu.memory_space<vmem>>
    %dma_wait3A_81 = arith.constant 0 : i32
    %dma_wait3A_82 = tpu.memref_slice %arg7[%dma_wait3A_75, %dma_wait3A_81] : memref<79x128xi32, #tpu.memory_space<vmem>> -> memref<1x128xi32, #tpu.memory_space<vmem>>
    %dma_wait3A_83 = tpu.memref_squeeze %dma_wait3A_82 : memref<1x128xi32, #tpu.memory_space<vmem>> -> memref<128xi32, #tpu.memory_space<vmem>>
    %dma_wait3A_84 = arith.constant 0 : i32
    %dma_wait3A_85 = arith.constant 0 : i32
    %dma_wait3A_86 = tpu.memref_slice %arg9[%dma_wait3A_84, %dma_wait3A_85] : memref<10240x16xf32, #tpu.memory_space<vmem_shared>> -> memref<10240x16xf32, #tpu.memory_space<vmem_shared>>
    %dma_wait3A_87 = tpu.memref_slice %arg11[%dma_wait3A_76] : memref<6x!tpu.dma_semaphore, #tpu.memory_space<semaphore_mem>> -> memref<1x!tpu.dma_semaphore, #tpu.memory_space<semaphore_mem>>
    %dma_wait3A_88 = tpu.memref_squeeze %dma_wait3A_87 : memref<1x!tpu.dma_semaphore, #tpu.memory_space<semaphore_mem>> -> memref<!tpu.dma_semaphore, #tpu.memory_space<semaphore_mem>>
    tpu.wait_indirect_dma semaphore(%dma_wait3A_88 : memref<!tpu.dma_semaphore, #tpu.memory_space<semaphore_mem>>) src(%dma_wait3A_80 : memref<128x16xf32, #tpu.memory_space<vmem>>) dst(%dma_wait3A_86 : memref<10240x16xf32, #tpu.memory_space<vmem_shared>>)
    %dma_wait3A_89 = arith.constant 1 : i32
    %dma_wait3A_90 = arith.constant 73 : i32
    %dma_wait3A_91 = arith.constant 1 : i32
    %dma_wait3A_92 = arith.constant 0 : i32
    %dma_wait3A_93 = arith.constant 0 : i32
    %dma_wait3A_94 = tpu.memref_slice %arg8[%dma_wait3A_89, %dma_wait3A_92, %dma_wait3A_93] : memref<6x128x16xf32, #tpu.memory_space<vmem>> -> memref<1x128x16xf32, #tpu.memory_space<vmem>>
    %dma_wait3A_95 = tpu.memref_squeeze %dma_wait3A_94 : memref<1x128x16xf32, #tpu.memory_space<vmem>> -> memref<128x16xf32, #tpu.memory_space<vmem>>
    %dma_wait3A_96 = arith.constant 0 : i32
    %dma_wait3A_97 = tpu.memref_slice %arg7[%dma_wait3A_90, %dma_wait3A_96] : memref<79x128xi32, #tpu.memory_space<vmem>> -> memref<1x128xi32, #tpu.memory_space<vmem>>
    %dma_wait3A_98 = tpu.memref_squeeze %dma_wait3A_97 : memref<1x128xi32, #tpu.memory_space<vmem>> -> memref<128xi32, #tpu.memory_space<vmem>>
    %dma_wait3A_99 = arith.constant 0 : i32
    %dma_wait3A_100 = arith.constant 0 : i32
    %dma_wait3A_101 = tpu.memref_slice %arg9[%dma_wait3A_99, %dma_wait3A_100] : memref<10240x16xf32, #tpu.memory_space<vmem_shared>> -> memref<10240x16xf32, #tpu.memory_space<vmem_shared>>
    %dma_wait3A_102 = tpu.memref_slice %arg11[%dma_wait3A_91] : memref<6x!tpu.dma_semaphore, #tpu.memory_space<semaphore_mem>> -> memref<1x!tpu.dma_semaphore, #tpu.memory_space<semaphore_mem>>
    %dma_wait3A_103 = tpu.memref_squeeze %dma_wait3A_102 : memref<1x!tpu.dma_semaphore, #tpu.memory_space<semaphore_mem>> -> memref<!tpu.dma_semaphore, #tpu.memory_space<semaphore_mem>>
    tpu.wait_indirect_dma semaphore(%dma_wait3A_103 : memref<!tpu.dma_semaphore, #tpu.memory_space<semaphore_mem>>) src(%dma_wait3A_95 : memref<128x16xf32, #tpu.memory_space<vmem>>) dst(%dma_wait3A_101 : memref<10240x16xf32, #tpu.memory_space<vmem_shared>>)
    %dma_wait3A_104 = arith.constant 2 : i32
    %dma_wait3A_105 = arith.constant 74 : i32
    %dma_wait3A_106 = arith.constant 2 : i32
    %dma_wait3A_107 = arith.constant 0 : i32
    %dma_wait3A_108 = arith.constant 0 : i32
    %dma_wait3A_109 = tpu.memref_slice %arg8[%dma_wait3A_104, %dma_wait3A_107, %dma_wait3A_108] : memref<6x128x16xf32, #tpu.memory_space<vmem>> -> memref<1x128x16xf32, #tpu.memory_space<vmem>>
    %dma_wait3A_110 = tpu.memref_squeeze %dma_wait3A_109 : memref<1x128x16xf32, #tpu.memory_space<vmem>> -> memref<128x16xf32, #tpu.memory_space<vmem>>
    %dma_wait3A_111 = arith.constant 0 : i32
    %dma_wait3A_112 = tpu.memref_slice %arg7[%dma_wait3A_105, %dma_wait3A_111] : memref<79x128xi32, #tpu.memory_space<vmem>> -> memref<1x128xi32, #tpu.memory_space<vmem>>
    %dma_wait3A_113 = tpu.memref_squeeze %dma_wait3A_112 : memref<1x128xi32, #tpu.memory_space<vmem>> -> memref<128xi32, #tpu.memory_space<vmem>>
    %dma_wait3A_114 = arith.constant 0 : i32
    %dma_wait3A_115 = arith.constant 0 : i32
    %dma_wait3A_116 = tpu.memref_slice %arg9[%dma_wait3A_114, %dma_wait3A_115] : memref<10240x16xf32, #tpu.memory_space<vmem_shared>> -> memref<10240x16xf32, #tpu.memory_space<vmem_shared>>
    %dma_wait3A_117 = tpu.memref_slice %arg11[%dma_wait3A_106] : memref<6x!tpu.dma_semaphore, #tpu.memory_space<semaphore_mem>> -> memref<1x!tpu.dma_semaphore, #tpu.memory_space<semaphore_mem>>
    %dma_wait3A_118 = tpu.memref_squeeze %dma_wait3A_117 : memref<1x!tpu.dma_semaphore, #tpu.memory_space<semaphore_mem>> -> memref<!tpu.dma_semaphore, #tpu.memory_space<semaphore_mem>>
    tpu.wait_indirect_dma semaphore(%dma_wait3A_118 : memref<!tpu.dma_semaphore, #tpu.memory_space<semaphore_mem>>) src(%dma_wait3A_110 : memref<128x16xf32, #tpu.memory_space<vmem>>) dst(%dma_wait3A_116 : memref<10240x16xf32, #tpu.memory_space<vmem_shared>>)
    %dma_wait3A_119 = arith.constant 3 : i32
    %dma_wait3A_120 = arith.constant 75 : i32
    %dma_wait3A_121 = arith.constant 3 : i32
    %dma_wait3A_122 = arith.constant 0 : i32
    %dma_wait3A_123 = arith.constant 0 : i32
    %dma_wait3A_124 = tpu.memref_slice %arg8[%dma_wait3A_119, %dma_wait3A_122, %dma_wait3A_123] : memref<6x128x16xf32, #tpu.memory_space<vmem>> -> memref<1x128x16xf32, #tpu.memory_space<vmem>>
    %dma_wait3A_125 = tpu.memref_squeeze %dma_wait3A_124 : memref<1x128x16xf32, #tpu.memory_space<vmem>> -> memref<128x16xf32, #tpu.memory_space<vmem>>
    %dma_wait3A_126 = arith.constant 0 : i32
    %dma_wait3A_127 = tpu.memref_slice %arg7[%dma_wait3A_120, %dma_wait3A_126] : memref<79x128xi32, #tpu.memory_space<vmem>> -> memref<1x128xi32, #tpu.memory_space<vmem>>
    %dma_wait3A_128 = tpu.memref_squeeze %dma_wait3A_127 : memref<1x128xi32, #tpu.memory_space<vmem>> -> memref<128xi32, #tpu.memory_space<vmem>>
    %dma_wait3A_129 = arith.constant 0 : i32
    %dma_wait3A_130 = arith.constant 0 : i32
    %dma_wait3A_131 = tpu.memref_slice %arg9[%dma_wait3A_129, %dma_wait3A_130] : memref<10240x16xf32, #tpu.memory_space<vmem_shared>> -> memref<10240x16xf32, #tpu.memory_space<vmem_shared>>
    %dma_wait3A_132 = tpu.memref_slice %arg11[%dma_wait3A_121] : memref<6x!tpu.dma_semaphore, #tpu.memory_space<semaphore_mem>> -> memref<1x!tpu.dma_semaphore, #tpu.memory_space<semaphore_mem>>
    %dma_wait3A_133 = tpu.memref_squeeze %dma_wait3A_132 : memref<1x!tpu.dma_semaphore, #tpu.memory_space<semaphore_mem>> -> memref<!tpu.dma_semaphore, #tpu.memory_space<semaphore_mem>>
    tpu.wait_indirect_dma semaphore(%dma_wait3A_133 : memref<!tpu.dma_semaphore, #tpu.memory_space<semaphore_mem>>) src(%dma_wait3A_125 : memref<128x16xf32, #tpu.memory_space<vmem>>) dst(%dma_wait3A_131 : memref<10240x16xf32, #tpu.memory_space<vmem_shared>>)
    %dma_wait3A_134 = arith.constant 4 : i32
    %dma_wait3A_135 = arith.constant 76 : i32
    %dma_wait3A_136 = arith.constant 4 : i32
    %dma_wait3A_137 = arith.constant 0 : i32
    %dma_wait3A_138 = arith.constant 0 : i32
    %dma_wait3A_139 = tpu.memref_slice %arg8[%dma_wait3A_134, %dma_wait3A_137, %dma_wait3A_138] : memref<6x128x16xf32, #tpu.memory_space<vmem>> -> memref<1x128x16xf32, #tpu.memory_space<vmem>>
    %dma_wait3A_140 = tpu.memref_squeeze %dma_wait3A_139 : memref<1x128x16xf32, #tpu.memory_space<vmem>> -> memref<128x16xf32, #tpu.memory_space<vmem>>
    %dma_wait3A_141 = arith.constant 0 : i32
    %dma_wait3A_142 = tpu.memref_slice %arg7[%dma_wait3A_135, %dma_wait3A_141] : memref<79x128xi32, #tpu.memory_space<vmem>> -> memref<1x128xi32, #tpu.memory_space<vmem>>
    %dma_wait3A_143 = tpu.memref_squeeze %dma_wait3A_142 : memref<1x128xi32, #tpu.memory_space<vmem>> -> memref<128xi32, #tpu.memory_space<vmem>>
    %dma_wait3A_144 = arith.constant 0 : i32
    %dma_wait3A_145 = arith.constant 0 : i32
    %dma_wait3A_146 = tpu.memref_slice %arg9[%dma_wait3A_144, %dma_wait3A_145] : memref<10240x16xf32, #tpu.memory_space<vmem_shared>> -> memref<10240x16xf32, #tpu.memory_space<vmem_shared>>
    %dma_wait3A_147 = tpu.memref_slice %arg11[%dma_wait3A_136] : memref<6x!tpu.dma_semaphore, #tpu.memory_space<semaphore_mem>> -> memref<1x!tpu.dma_semaphore, #tpu.memory_space<semaphore_mem>>
    %dma_wait3A_148 = tpu.memref_squeeze %dma_wait3A_147 : memref<1x!tpu.dma_semaphore, #tpu.memory_space<semaphore_mem>> -> memref<!tpu.dma_semaphore, #tpu.memory_space<semaphore_mem>>
    tpu.wait_indirect_dma semaphore(%dma_wait3A_148 : memref<!tpu.dma_semaphore, #tpu.memory_space<semaphore_mem>>) src(%dma_wait3A_140 : memref<128x16xf32, #tpu.memory_space<vmem>>) dst(%dma_wait3A_146 : memref<10240x16xf32, #tpu.memory_space<vmem_shared>>)
    %dma_wait3A_149 = arith.constant 5 : i32
    %dma_wait3A_150 = arith.constant 77 : i32
    %dma_wait3A_151 = arith.constant 5 : i32
    %dma_wait3A_152 = arith.constant 0 : i32
    %dma_wait3A_153 = arith.constant 0 : i32
    %dma_wait3A_154 = tpu.memref_slice %arg8[%dma_wait3A_149, %dma_wait3A_152, %dma_wait3A_153] : memref<6x128x16xf32, #tpu.memory_space<vmem>> -> memref<1x128x16xf32, #tpu.memory_space<vmem>>
    %dma_wait3A_155 = tpu.memref_squeeze %dma_wait3A_154 : memref<1x128x16xf32, #tpu.memory_space<vmem>> -> memref<128x16xf32, #tpu.memory_space<vmem>>
    %dma_wait3A_156 = arith.constant 0 : i32
    %dma_wait3A_157 = tpu.memref_slice %arg7[%dma_wait3A_150, %dma_wait3A_156] : memref<79x128xi32, #tpu.memory_space<vmem>> -> memref<1x128xi32, #tpu.memory_space<vmem>>
    %dma_wait3A_158 = tpu.memref_squeeze %dma_wait3A_157 : memref<1x128xi32, #tpu.memory_space<vmem>> -> memref<128xi32, #tpu.memory_space<vmem>>
    %dma_wait3A_159 = arith.constant 0 : i32
    %dma_wait3A_160 = arith.constant 0 : i32
    %dma_wait3A_161 = tpu.memref_slice %arg9[%dma_wait3A_159, %dma_wait3A_160] : memref<10240x16xf32, #tpu.memory_space<vmem_shared>> -> memref<10240x16xf32, #tpu.memory_space<vmem_shared>>
    %dma_wait3A_162 = tpu.memref_slice %arg11[%dma_wait3A_151] : memref<6x!tpu.dma_semaphore, #tpu.memory_space<semaphore_mem>> -> memref<1x!tpu.dma_semaphore, #tpu.memory_space<semaphore_mem>>
    %dma_wait3A_163 = tpu.memref_squeeze %dma_wait3A_162 : memref<1x!tpu.dma_semaphore, #tpu.memory_space<semaphore_mem>> -> memref<!tpu.dma_semaphore, #tpu.memory_space<semaphore_mem>>
    tpu.wait_indirect_dma semaphore(%dma_wait3A_163 : memref<!tpu.dma_semaphore, #tpu.memory_space<semaphore_mem>>) src(%dma_wait3A_155 : memref<128x16xf32, #tpu.memory_space<vmem>>) dst(%dma_wait3A_161 : memref<10240x16xf32, #tpu.memory_space<vmem_shared>>)
    %convert_element_type3A_164 = arith.extui %lt3A_24 : i1 to i32
    %cond3A_165 = arith.constant 0 : i32
    %cond3A_166 = arith.cmpi ne, %convert_element_type3A_164, %cond3A_165 : i32
    scf.if %cond3A_166 {
      %dma_start3A_172 = arith.constant 78 : i32
      %dma_start3A_173 = arith.constant 0 : i32
      %dma_start3A_174 = arith.constant 0 : i32
      %dma_start3A_175 = arith.constant 0 : i32
      %dma_start3A_176 = arith.constant 0 : i32
      %dma_start3A_177 = tpu.memref_slice %arg8[%dma_start3A_173, %dma_start3A_175, %dma_start3A_176] : memref<6x128x16xf32, #tpu.memory_space<vmem>> -> memref<1x128x16xf32, #tpu.memory_space<vmem>>
      %dma_start3A_178 = tpu.memref_squeeze %dma_start3A_177 : memref<1x128x16xf32, #tpu.memory_space<vmem>> -> memref<128x16xf32, #tpu.memory_space<vmem>>
      %dma_start3A_179 = arith.constant 0 : i32
      %dma_start3A_180 = tpu.memref_slice %arg6[%dma_start3A_172, %dma_start3A_179] : memref<79x128xi32, #tpu.memory_space<vmem>> -> memref<1x128xi32, #tpu.memory_space<vmem>>
      %dma_start3A_181 = tpu.memref_squeeze %dma_start3A_180 : memref<1x128xi32, #tpu.memory_space<vmem>> -> memref<128xi32, #tpu.memory_space<vmem>>
      %dma_start3A_182 = arith.constant 0 : i32
      %dma_start3A_183 = arith.constant 0 : i32
      %dma_start3A_184 = tpu.memref_slice %arg12[%dma_start3A_182, %dma_start3A_183] : memref<10240x16xf32, #tpu.memory_space<vmem_shared>> -> memref<10240x16xf32, #tpu.memory_space<vmem_shared>>
      %dma_start3A_185 = tpu.memref_slice %arg10[%dma_start3A_174] : memref<6x!tpu.dma_semaphore, #tpu.memory_space<semaphore_mem>> -> memref<1x!tpu.dma_semaphore, #tpu.memory_space<semaphore_mem>>
      %dma_start3A_186 = tpu.memref_squeeze %dma_start3A_185 : memref<1x!tpu.dma_semaphore, #tpu.memory_space<semaphore_mem>> -> memref<!tpu.dma_semaphore, #tpu.memory_space<semaphore_mem>>
      tpu.enqueue_indirect_dma source(%dma_start3A_184 : memref<10240x16xf32, #tpu.memory_space<vmem_shared>>) target(%dma_start3A_178 : memref<128x16xf32, #tpu.memory_space<vmem>>) offsets(%dma_start3A_181 : memref<128xi32, #tpu.memory_space<vmem>>) semaphore(%dma_start3A_186 : memref<!tpu.dma_semaphore, #tpu.memory_space<semaphore_mem>>)
      %dma_wait3A_187 = arith.constant 78 : i32
      %dma_wait3A_188 = arith.constant 0 : i32
      %dma_wait3A_189 = arith.constant 0 : i32
      %dma_wait3A_190 = arith.constant 0 : i32
      %dma_wait3A_191 = arith.constant 0 : i32
      %dma_wait3A_192 = tpu.memref_slice %arg8[%dma_wait3A_188, %dma_wait3A_190, %dma_wait3A_191] : memref<6x128x16xf32, #tpu.memory_space<vmem>> -> memref<1x128x16xf32, #tpu.memory_space<vmem>>
      %dma_wait3A_193 = tpu.memref_squeeze %dma_wait3A_192 : memref<1x128x16xf32, #tpu.memory_space<vmem>> -> memref<128x16xf32, #tpu.memory_space<vmem>>
      %dma_wait3A_194 = arith.constant 0 : i32
      %dma_wait3A_195 = tpu.memref_slice %arg6[%dma_wait3A_187, %dma_wait3A_194] : memref<79x128xi32, #tpu.memory_space<vmem>> -> memref<1x128xi32, #tpu.memory_space<vmem>>
      %dma_wait3A_196 = tpu.memref_squeeze %dma_wait3A_195 : memref<1x128xi32, #tpu.memory_space<vmem>> -> memref<128xi32, #tpu.memory_space<vmem>>
      %dma_wait3A_197 = arith.constant 0 : i32
      %dma_wait3A_198 = arith.constant 0 : i32
      %dma_wait3A_199 = tpu.memref_slice %arg12[%dma_wait3A_197, %dma_wait3A_198] : memref<10240x16xf32, #tpu.memory_space<vmem_shared>> -> memref<10240x16xf32, #tpu.memory_space<vmem_shared>>
      %dma_wait3A_200 = tpu.memref_slice %arg10[%dma_wait3A_189] : memref<6x!tpu.dma_semaphore, #tpu.memory_space<semaphore_mem>> -> memref<1x!tpu.dma_semaphore, #tpu.memory_space<semaphore_mem>>
      %dma_wait3A_201 = tpu.memref_squeeze %dma_wait3A_200 : memref<1x!tpu.dma_semaphore, #tpu.memory_space<semaphore_mem>> -> memref<!tpu.dma_semaphore, #tpu.memory_space<semaphore_mem>>
      tpu.wait_indirect_dma semaphore(%dma_wait3A_201 : memref<!tpu.dma_semaphore, #tpu.memory_space<semaphore_mem>>) src(%dma_wait3A_199 : memref<10240x16xf32, #tpu.memory_space<vmem_shared>>) dst(%dma_wait3A_193 : memref<128x16xf32, #tpu.memory_space<vmem>>)
      %dma_start3A_202 = arith.constant 0 : i32
      %dma_start3A_203 = arith.constant 78 : i32
      %dma_start3A_204 = arith.constant 0 : i32
      %dma_start3A_205 = arith.constant 0 : i32
      %dma_start3A_206 = arith.constant 0 : i32
      %dma_start3A_207 = tpu.memref_slice %arg8[%dma_start3A_202, %dma_start3A_205, %dma_start3A_206] : memref<6x128x16xf32, #tpu.memory_space<vmem>> -> memref<1x128x16xf32, #tpu.memory_space<vmem>>
      %dma_start3A_208 = tpu.memref_squeeze %dma_start3A_207 : memref<1x128x16xf32, #tpu.memory_space<vmem>> -> memref<128x16xf32, #tpu.memory_space<vmem>>
      %dma_start3A_209 = arith.constant 0 : i32
      %dma_start3A_210 = tpu.memref_slice %arg7[%dma_start3A_203, %dma_start3A_209] : memref<79x128xi32, #tpu.memory_space<vmem>> -> memref<1x128xi32, #tpu.memory_space<vmem>>
      %dma_start3A_211 = tpu.memref_squeeze %dma_start3A_210 : memref<1x128xi32, #tpu.memory_space<vmem>> -> memref<128xi32, #tpu.memory_space<vmem>>
      %dma_start3A_212 = arith.constant 0 : i32
      %dma_start3A_213 = arith.constant 0 : i32
      %dma_start3A_214 = tpu.memref_slice %arg9[%dma_start3A_212, %dma_start3A_213] : memref<10240x16xf32, #tpu.memory_space<vmem_shared>> -> memref<10240x16xf32, #tpu.memory_space<vmem_shared>>
      %dma_start3A_215 = tpu.memref_slice %arg11[%dma_start3A_204] : memref<6x!tpu.dma_semaphore, #tpu.memory_space<semaphore_mem>> -> memref<1x!tpu.dma_semaphore, #tpu.memory_space<semaphore_mem>>
      %dma_start3A_216 = tpu.memref_squeeze %dma_start3A_215 : memref<1x!tpu.dma_semaphore, #tpu.memory_space<semaphore_mem>> -> memref<!tpu.dma_semaphore, #tpu.memory_space<semaphore_mem>>
      tpu.enqueue_indirect_dma source(%dma_start3A_208 : memref<128x16xf32, #tpu.memory_space<vmem>>) target(%dma_start3A_214 : memref<10240x16xf32, #tpu.memory_space<vmem_shared>>) offsets(%dma_start3A_211 : memref<128xi32, #tpu.memory_space<vmem>>) semaphore(%dma_start3A_216 : memref<!tpu.dma_semaphore, #tpu.memory_space<semaphore_mem>>) {add = true}
      %dma_wait3A_217 = arith.constant 0 : i32
      %dma_wait3A_218 = arith.constant 78 : i32
      %dma_wait3A_219 = arith.constant 0 : i32
      %dma_wait3A_220 = arith.constant 0 : i32
      %dma_wait3A_221 = arith.constant 0 : i32
      %dma_wait3A_222 = tpu.memref_slice %arg8[%dma_wait3A_217, %dma_wait3A_220, %dma_wait3A_221] : memref<6x128x16xf32, #tpu.memory_space<vmem>> -> memref<1x128x16xf32, #tpu.memory_space<vmem>>
      %dma_wait3A_223 = tpu.memref_squeeze %dma_wait3A_222 : memref<1x128x16xf32, #tpu.memory_space<vmem>> -> memref<128x16xf32, #tpu.memory_space<vmem>>
      %dma_wait3A_224 = arith.constant 0 : i32
      %dma_wait3A_225 = tpu.memref_slice %arg7[%dma_wait3A_218, %dma_wait3A_224] : memref<79x128xi32, #tpu.memory_space<vmem>> -> memref<1x128xi32, #tpu.memory_space<vmem>>
      %dma_wait3A_226 = tpu.memref_squeeze %dma_wait3A_225 : memref<1x128xi32, #tpu.memory_space<vmem>> -> memref<128xi32, #tpu.memory_space<vmem>>
      %dma_wait3A_227 = arith.constant 0 : i32
      %dma_wait3A_228 = arith.constant 0 : i32
      %dma_wait3A_229 = tpu.memref_slice %arg9[%dma_wait3A_227, %dma_wait3A_228] : memref<10240x16xf32, #tpu.memory_space<vmem_shared>> -> memref<10240x16xf32, #tpu.memory_space<vmem_shared>>
      %dma_wait3A_230 = tpu.memref_slice %arg11[%dma_wait3A_219] : memref<6x!tpu.dma_semaphore, #tpu.memory_space<semaphore_mem>> -> memref<1x!tpu.dma_semaphore, #tpu.memory_space<semaphore_mem>>
      %dma_wait3A_231 = tpu.memref_squeeze %dma_wait3A_230 : memref<1x!tpu.dma_semaphore, #tpu.memory_space<semaphore_mem>> -> memref<!tpu.dma_semaphore, #tpu.memory_space<semaphore_mem>>
      tpu.wait_indirect_dma semaphore(%dma_wait3A_231 : memref<!tpu.dma_semaphore, #tpu.memory_space<semaphore_mem>>) src(%dma_wait3A_223 : memref<128x16xf32, #tpu.memory_space<vmem>>) dst(%dma_wait3A_229 : memref<10240x16xf32, #tpu.memory_space<vmem_shared>>)
    } else {
    }
    %barrier3A_167 = arith.constant 0 : index
    tpu.barrier barrier_id(%barrier3A_167)
    %mul3A_168 = arith.constant 640 : i32
    %mul3A_169 = arith.muli %arg1, %mul3A_168 : i32
    %mul3A_170 = arith.constant 640 : i32
    %mul3A_171 = arith.muli %arg1, %mul3A_170 : i32
    "tpu.region"() ({
      %run_scoped3A_172 = tpu.sem_alloc : memref<!tpu.dma_semaphore, #tpu.memory_space<semaphore_mem>>
      %dma_start3A_173 = arith.constant 0 : i32
      %dma_start3A_174 = tpu.memref_slice %arg5[%arg0, %mul3A_171, %dma_start3A_173] : memref<2x10240x16xf32, #tpu.memory_space<hbm>> -> memref<1x640x16xf32, #tpu.memory_space<hbm>>
      %dma_start3A_175 = tpu.memref_squeeze %dma_start3A_174 : memref<1x640x16xf32, #tpu.memory_space<hbm>> -> memref<640x16xf32, #tpu.memory_space<hbm>>
      %dma_start3A_176 = arith.constant 0 : i32
      %dma_start3A_177 = tpu.memref_slice %arg9[%mul3A_169, %dma_start3A_176] : memref<10240x16xf32, #tpu.memory_space<vmem_shared>> -> memref<640x16xf32, #tpu.memory_space<vmem_shared>>
      tpu.enqueue_dma source(%dma_start3A_177 : memref<640x16xf32, #tpu.memory_space<vmem_shared>>) target(%dma_start3A_175 : memref<640x16xf32, #tpu.memory_space<hbm>>) target_semaphore(%run_scoped3A_172 : memref<!tpu.dma_semaphore, #tpu.memory_space<semaphore_mem>>)
      %dma_wait3A_178 = arith.constant 0 : i32
      %dma_wait3A_179 = tpu.memref_slice %arg5[%arg0, %mul3A_171, %dma_wait3A_178] : memref<2x10240x16xf32, #tpu.memory_space<hbm>> -> memref<1x640x16xf32, #tpu.memory_space<hbm>>
      %dma_wait3A_180 = tpu.memref_squeeze %dma_wait3A_179 : memref<1x640x16xf32, #tpu.memory_space<hbm>> -> memref<640x16xf32, #tpu.memory_space<hbm>>
      %dma_wait3A_181 = arith.constant 0 : i32
      %dma_wait3A_182 = tpu.memref_slice %arg9[%mul3A_169, %dma_wait3A_181] : memref<10240x16xf32, #tpu.memory_space<vmem_shared>> -> memref<640x16xf32, #tpu.memory_space<vmem_shared>>
      tpu.wait_dma2 semaphore(%run_scoped3A_172 : memref<!tpu.dma_semaphore, #tpu.memory_space<semaphore_mem>>) src(%dma_wait3A_182 : memref<640x16xf32, #tpu.memory_space<vmem_shared>>) dst(%dma_wait3A_180 : memref<640x16xf32, #tpu.memory_space<hbm>>)
      tpu.yield
    }) : () -> ()
    return
  }
}

module attributes {stable_mosaic.version = 14 : i64} {
  func.func @body(%arg0: i32, %arg1: memref<2000x128xf32, #tpu.memory_space<vmem>>, %arg2: memref<128x16xf32, #tpu.memory_space<vmem>>, %arg3: memref<2000x16xf32, #tpu.memory_space<vmem>>) attributes {dimension_semantics = [#tpu.dimension_semantics<arbitrary>], iteration_bounds = array<i64: 5>, scalar_prefetch = 0 : i64, scratch_operands = 0 : i64, tpu.core_type = #tpu.core_type<tc>, window_params = [{transform_indices = @transform_0, window_bounds = array<i64: 2000, 128>}, {pipeline_mode = #tpu.pipeline_mode<synchronous>, transform_indices = @transform_1, window_bounds = array<i64: 128, 16>}, {transform_indices = @transform_2, window_bounds = array<i64: 2000, 16>}]} {
    %get3A = arith.constant 0 : index
    %get3A_0 = arith.constant 0 : index
    %get3A_1 = vector.load %arg1[%get3A, %get3A_0] : memref<2000x128xf32, #tpu.memory_space<vmem>>, vector<2000x128xf32>
    %get3A_2 = arith.constant 0 : index
    %get3A_3 = arith.constant 0 : index
    %get3A_4 = vector.load %arg2[%get3A_2, %get3A_3] : memref<128x16xf32, #tpu.memory_space<vmem>>, vector<128x16xf32>
    %dot_general3A = arith.constant dense<0.000000e+00> : vector<2000x16xf32>
    %dot_general3A_5 = tpu.matmul %get3A_1, %get3A_4, %dot_general3A {dimension_numbers = #tpu.dot_dimension_numbers<[1], [0], [0], [1], [0, 0, 1, 1], [], []>, transpose_lhs_hint = false} : vector<2000x128xf32>, vector<128x16xf32>, vector<2000x16xf32> -> vector<2000x16xf32>
    %swap3A = arith.constant 0 : index
    %swap3A_6 = arith.constant 0 : index
    %swap3A_7 = vector.load %arg3[%swap3A, %swap3A_6] : memref<2000x16xf32, #tpu.memory_space<vmem>>, vector<2000x16xf32>
    tpu.vector_store %arg3[%swap3A, %swap3A_6], %dot_general3A_5 {strides = array<i32>} : memref<2000x16xf32, #tpu.memory_space<vmem>>, vector<2000x16xf32>,
    return
  }
  func.func @transform_0(%arg0: i32) -> (i32, i32) {
    %c0_i32 = arith.constant 0 : i32
    %c0_i32_0 = arith.constant 0 : i32
    return %arg0, %c0_i32 : i32, i32
  }
  func.func @transform_1(%arg0: i32) -> (i32, i32) {
    %c0_i32 = arith.constant 0 : i32
    %c0_i32_0 = arith.constant 0 : i32
    %c0_i32_1 = arith.constant 0 : i32
    return %c0_i32, %c0_i32_0 : i32, i32
  }
  func.func @transform_2(%arg0: i32) -> (i32, i32) {
    %c0_i32 = arith.constant 0 : i32
    %c0_i32_0 = arith.constant 0 : i32
    return %arg0, %c0_i32 : i32, i32
  }
}

module attributes {stable_mosaic.version = 14 : i64} {
  func.func @body(%arg0: i32, %arg1: memref<2x2000x16xf32, #tpu.memory_space<vmem>>, %arg2: memref<16x64xf32, #tpu.memory_space<vmem>>, %arg3: memref<2000x64xf32, #tpu.memory_space<vmem>>) attributes {dimension_semantics = [#tpu.dimension_semantics<arbitrary>], iteration_bounds = array<i64: 5>, scalar_prefetch = 0 : i64, scratch_operands = 0 : i64, tpu.core_type = #tpu.core_type<tc>, window_params = [{transform_indices = @transform_0, window_bounds = array<i64: 2, 2000, 16>}, {pipeline_mode = #tpu.pipeline_mode<synchronous>, transform_indices = @transform_1, window_bounds = array<i64: 16, 64>}, {transform_indices = @transform_2, window_bounds = array<i64: 2000, 64>}]} {
    %get3A = arith.constant 0 : index
    %get3A_0 = arith.constant 0 : index
    %get3A_1 = arith.constant 0 : index
    %get3A_2 = vector.load %arg1[%get3A, %get3A_0, %get3A_1] : memref<2x2000x16xf32, #tpu.memory_space<vmem>>, vector<1x2000x16xf32>
    %get3A_3 = vector.shape_cast %get3A_2 : vector<1x2000x16xf32> to vector<2000x16xf32>
    %get3A_4 = arith.constant 1 : index
    %get3A_5 = arith.constant 0 : index
    %get3A_6 = arith.constant 0 : index
    %get3A_7 = vector.load %arg1[%get3A_4, %get3A_5, %get3A_6] : memref<2x2000x16xf32, #tpu.memory_space<vmem>>, vector<1x2000x16xf32>
    %get3A_8 = vector.shape_cast %get3A_7 : vector<1x2000x16xf32> to vector<2000x16xf32>
    %add3A = arith.addf %get3A_3, %get3A_8 : vector<2000x16xf32>
    %get3A_9 = arith.constant 0 : index
    %get3A_10 = arith.constant 0 : index
    %get3A_11 = vector.load %arg2[%get3A_9, %get3A_10] : memref<16x64xf32, #tpu.memory_space<vmem>>, vector<16x64xf32>
    %dot_general3A = arith.constant dense<0.000000e+00> : vector<2000x64xf32>
    %dot_general3A_12 = tpu.matmul %add3A, %get3A_11, %dot_general3A {dimension_numbers = #tpu.dot_dimension_numbers<[1], [0], [0], [1], [0, 0, 1, 1], [], []>, transpose_lhs_hint = false} : vector<2000x16xf32>, vector<16x64xf32>, vector<2000x64xf32> -> vector<2000x64xf32>
    %swap3A = arith.constant 0 : index
    %swap3A_13 = arith.constant 0 : index
    %swap3A_14 = vector.load %arg3[%swap3A, %swap3A_13] : memref<2000x64xf32, #tpu.memory_space<vmem>>, vector<2000x64xf32>
    tpu.vector_store %arg3[%swap3A, %swap3A_13], %dot_general3A_12 {strides = array<i32>} : memref<2000x64xf32, #tpu.memory_space<vmem>>, vector<2000x64xf32>,
    return
  }
  func.func @transform_0(%arg0: i32) -> (i32, i32, i32) {
    %c0_i32 = arith.constant 0 : i32
    %c0_i32_0 = arith.constant 0 : i32
    %c0_i32_1 = arith.constant 0 : i32
    return %c0_i32, %arg0, %c0_i32_0 : i32, i32, i32
  }
  func.func @transform_1(%arg0: i32) -> (i32, i32) {
    %c0_i32 = arith.constant 0 : i32
    %c0_i32_0 = arith.constant 0 : i32
    %c0_i32_1 = arith.constant 0 : i32
    return %c0_i32, %c0_i32_0 : i32, i32
  }
  func.func @transform_2(%arg0: i32) -> (i32, i32) {
    %c0_i32 = arith.constant 0 : i32
    %c0_i32_0 = arith.constant 0 : i32
    return %arg0, %c0_i32 : i32, i32
  }
}

</mosaic_0001>

<sc_bundles>
// kernel: kernel.6.cloned.1.call-start
scs
__scs_entry_jumppad:
0x0: {  	(pc) =	sbr.rel $0x88, $3  }
0x1: {  	(tag) =	ssettag $0x0;
	lr =	simm.s32 $0x1  }
0x2: {  	[smem:$0x3F9D] =	sst lr;
	_ =	strace $0xD0000000  }
0x3: {  	_ = 	snop  }
0x4: {  	_ = 	snop  }
0x5: {  	_ = 	snop  }
0x6: {  	_ = 	snop  }
0x7: {  	_ = 	snop  }
__scs_overlays_trampoline_lowered:
0x8: {  	[smem:$0x3FAC] =	sst s0  }
0x9: {  	[smem:$0x3FAD] =	sst s1  }
0xa: {  	[smem:$0x3FAE] =	sst s2  }
0xb: {  	[smem:$0x3FAF] =	sst s3  }
0xc: {  	[smem:$0x3FB0] =	sst s4  }
0xd: {  	[smem:$0x3FB1] =	sst s5  }
0xe: {  	[smem:$0x3FB2] =	sst s6  }
0xf: {  	[smem:$0x3FB3] =	sst s7  }
0x10: {  	[smem:$0x3FB4] =	sst s8  }
0x11: {  	[smem:$0x3FB5] =	sst s9;
	s0 =	simm.s32 @!p0 $0x0  }
0x12: {  	s1 =	sld [smem:$0x3F9B];
	s0 =	simm.s32 @p0 $0x1  }
0x13: {  	[smem:$0x3FB6] =	sst s0;
	s0 =	simm.s32 @!p1 $0x0  }
0x14: {  	s2 =	sld [smem:$0x3F9A];
	s0 =	simm.s32 @p1 $0x1  }
0x15: {  	[smem:$0x3FB7] =	sst s0;
	s0 =	simm.s32 @!p2 $0x0  }
0x16: {  	s3 =	sld [smem:$0x3FDB];
	s0 =	simm.s32 @p2 $0x1  }
0x17: {  	s4 =	simm.s32 $0x1BF5;
	[smem:$0x3FB9] =	sst s0  }
0x18: {  	s0 =	sld [smem:$0x3F9C];
	_ =	swait.ge [sflag:s4], $0x0  }
0x19: {  	s7 =	sld [smem:$0x3F9D]  }
0x1a: {  	s8 =	sadd.s32 $0xFFFFE003, lr  }
0x1b: {  	s9 =	sadd.s32 $0xFFFFFEF7, lr;
	s5 =	simm.s32 $0xFFFFFFFF;
	p2 =	slt.u32 s8, $0xFFFFF086  }
0x1c: {  	p1 =	slt.u32 s9, $0xF7A;
	s5 =	simm.s32 @!p2 $0x0  }
0x1d: {  	s5 =	simm.s32 @p1 $0x1;
	p0 =	seq.s32 s7, s2  }
0x1e: {  	s7 =	smul.u32 @!p0 $0xF7A, s2;
	p2 =	seq.s32 @!p0 s5, $0x0  }
0x1f: {  	s9 =	smul.u32 $0xF7A, s1;
	s8 =	simm.s32 @!p0 $0x1BF5;
	p2 =	por !p2, p0  }
0x20: {  	[sflag:s8] =	ssyncset.s32 @!p0 $0xFFFFF086;
	s6 =	sadd.s32 @!p0 s3, s7;
	s7 =	simm.s32 @!p0 $0x108  }
0x21: {  	s3 =	sadd.s32 s3, s9;
	s6 =	sadd.s32 @!p0 $0x88, s6;
	s7 =	simm.s32 @p2 $0x1082  }
0x22: {  	[simem:s7], [sflag:s8] =	dma.local @!p0 [hbm:s6], $0xF7A  }
0x23: {  	s9 =	sor.u32 $0xD0000000, s2;
	s6 =	simm.s32 $0x108;
	_ =	swait.ge @!p0 [sflag:s8], $0x0  }
0x24: {  	s3 =	sadd.s32 $0x88, s3;
	s6 =	simm.s32 @!p1 $0x1082;
	[sflag:s4] =	ssyncset.s32 $0xFFFFF086  }
0x25: {  	[simem:s6], [sflag:s4] =	dma.local [hbm:s3], $0xF7A  }
0x26: {  	[smem:$0x3F9D] =	sst s1;
	(tag) =	ssettag s2;
	_ =	strace s9  }
0x27: {  	s1 =	sld [smem:$0x3FAD]  }
0x28: {  	s2 =	sld [smem:$0x3FAE]  }
0x29: {  	s4 =	sld [smem:$0x3FB0]  }
0x2a: {  	p0 =	seq.s32 s5, $0x0;
	s5 =	sld [smem:$0x3FB1]  }
0x2b: {  	s6 =	sld [smem:$0x3FB2]  }
0x2c: {  	s7 =	sld [smem:$0x3FB3]  }
0x2d: {  	s3 =	simm.s32 $0x108;
	s8 =	sld [smem:$0x3FB4]  }
0x2e: {  	s3 =	simm.s32 @!p0 $0x1082;
	s9 =	sld [smem:$0x3FB5]  }
0x2f: {  	lr =	sadd.s32 s0, s3;
	s0 =	sld [smem:$0x3FAC]  }
0x30: {  	s3 =	sld [smem:$0x3FAF]  }
0x31: {  	[smem:$0x3FB8] =	sst s10  }
0x32: {  	s10 =	sld [smem:$0x3FB6];
	_ =	sdelay $0x3  }
0x33: {  	p0 =	seq.s32 s10, $0x1;
	s10 =	sld [smem:$0x3FB8];
	_ =	sdelay $0x3  }
0x34: {  	[smem:$0x3FB8] =	sst s10  }
0x35: {  	s10 =	sld [smem:$0x3FB7];
	_ =	sdelay $0x3  }
0x36: {  	p1 =	seq.s32 s10, $0x1;
	s10 =	sld [smem:$0x3FB8];
	_ =	sdelay $0x3  }
0x37: {  	[smem:$0x3FB8] =	sst s10  }
0x38: {  	s10 =	sld [smem:$0x3FB9]  }
0x39: {  	_ = 	snop;
	(pc) =	sbr.ind lr, $3  }
0x3a: {  	_ = 	snop  }
0x3b: {  	_ = 	snop  }
0x3c: {  	p2 =	seq.s32 s10, $0x1;
	s10 =	sld [smem:$0x3FB8]  }
0x3d: {  	_ =	shalt  }
0x3e: {  	_ =	shalt  }
0x3f: {  	_ =	shalt  }
0x40: {  	_ =	shalt  }
0x41: {  	_ =	shalt  }
0x42: {  	_ =	shalt  }
0x43: {  	_ =	shalt  }
0x44: {  	_ =	shalt  }
0x45: {  	_ =	shalt  }
0x46: {  	_ =	shalt  }
0x47: {  	_ =	shalt  }
0x48: {  	_ =	shalt  }
0x49: {  	_ =	shalt  }
0x4a: {  	_ =	shalt  }
0x4b: {  	_ =	shalt  }
0x4c: {  	_ =	shalt  }
0x4d: {  	_ =	shalt  }
0x4e: {  	_ =	shalt  }
0x4f: {  	_ =	shalt  }
0x50: {  	_ =	shalt  }
0x51: {  	_ =	shalt  }
0x52: {  	_ =	shalt  }
0x53: {  	_ =	shalt  }
0x54: {  	_ =	shalt  }
0x55: {  	_ =	shalt  }
0x56: {  	_ =	shalt  }
0x57: {  	_ =	shalt  }
0x58: {  	_ =	shalt  }
0x59: {  	_ =	shalt  }
0x5a: {  	_ =	shalt  }
0x5b: {  	_ =	shalt  }
0x5c: {  	_ =	shalt  }
0x5d: {  	_ =	shalt  }
0x5e: {  	_ =	shalt  }
0x5f: {  	_ =	shalt  }
0x60: {  	_ =	shalt  }
0x61: {  	_ =	shalt  }
0x62: {  	_ =	shalt  }
0x63: {  	_ =	shalt  }
0x64: {  	_ =	shalt  }
0x65: {  	_ =	shalt  }
0x66: {  	_ =	shalt  }
0x67: {  	_ =	shalt  }
0x68: {  	_ =	shalt  }
0x69: {  	_ =	shalt  }
0x6a: {  	_ =	shalt  }
0x6b: {  	_ =	shalt  }
0x6c: {  	_ =	shalt  }
0x6d: {  	_ =	shalt  }
0x6e: {  	_ =	shalt  }
0x6f: {  	_ =	shalt  }
0x70: {  	_ =	shalt  }
0x71: {  	_ =	shalt  }
0x72: {  	_ =	shalt  }
0x73: {  	_ =	shalt  }
0x74: {  	_ =	shalt  }
0x75: {  	_ =	shalt  }
0x76: {  	_ =	shalt  }
0x77: {  	_ =	shalt  }
0x78: {  	_ =	shalt  }
0x79: {  	_ =	shalt  }
0x7a: {  	_ =	shalt  }
0x7b: {  	_ =	shalt  }
0x7c: {  	_ =	shalt  }
0x7d: {  	_ =	shalt  }
0x7e: {  	_ =	shalt  }
0x7f: {  	_ =	shalt  }
0x80: {  	_ =	shalt  }
0x81: {  	_ =	shalt  }
0x82: {  	_ =	shalt  }
0x83: {  	_ =	shalt  }
0x84: {  	_ =	shalt  }
0x85: {  	_ =	shalt  }
0x86: {  	_ =	shalt  }
0x87: {  	_ =	shalt  }
.Lfunc_end0:
.L_simem_size_0:
called_computation_lowered:
.L_overlay_start_0:
0x88: {  	s2 =	sld [smem:$0x3FD9]  }
0x89: {  	s3 =	sld [smem:$0x3FFE];
	_ =	sdelay $0x1  }
0x8a: {  	s1 =	srdreg.scid  }
0x8b: {  	s0 =	sand.u32 $0x1, s1  }
0x8c: {  	s17 =	sshll.u32 s0, $0xA;
	s2 =	sadd.s32 s3, s2  }
0x8d: {  	s2 =	sadd.s32 s2, s17  }
0x8e: {  	[smem:$0x3FC4] =	sst s2  }
0x8f: {  	_ = 	snop  }
0x90: {  	s2 =	sld [smem:$0x3FD0];
	(tm) =	ssettm $0x1  }
0x91: {  	s18 =	sld [smem:$0x3FFB];
	_ =	sdelay $0x3  }
0x92: {  	_ =	strace s18  }
0x93: {  	s3 =	sld [smem:$0x3FFC];
	_ =	sdelay $0x3  }
0x94: {  	_ =	strace s3  }
0x95: {  	s3 =	sld [smem:$0x3FFD];
	_ =	sdelay $0x3  }
0x96: {  	_ =	strace s3  }
0x97: {  	_ =	strace $0x8FFFFFFF  }
0x98: {  	s19 =	sld [smem:$0x3FDB];
	_ =	sdelay $0x1  }
0x99: {  	s4 =	simm.s32 $_scs_section_size  }
0x9a: {  	s5 =	simm.s32 $_size__tile_overlayer_lowered;
	s6 =	simm.s32 $_tile_overlayer_lowered  }
0x9b: {  	s22 =	simm.s32 $0x1BFF;
	s21 =	sshll.u32 s6, $0x1;
	s3 =	sadd.s32 s4, s19  }
0x9c: {  	s7 =	simm.s32 $0x0;
	s20 =	sshll.u32 s5, $0x1;
	s5 =	sadd.s32 s21, s3  }
0x9d: {  	[timem:s7], [sflag:s22] =	dma.local [hbm:s5], s20  }
0x9e: {  	_ =	swait.ge [sflag:s22], s20  }
0x9f: {  	s4 =	ssub.s32 $0x0, s20;
	[sflag:s22] =	ssyncset.done $0x0  }
0xa0: {  	[sflag:s22] =	ssyncadd.s32 s4;
	_ =	sdelay $0x1  }
0xa1: {  	s23 =	simm.s32 $0x1B8B  }
0xa2: {  	_ =	swait.ge [sflag:s23], $0x1  }
0xa3: {  	[sflag:s23] =	ssyncset.done $0x0  }
0xa4: {  	s25 =	simm.s32 $0x1B8E;
	s24 =	sld [smem:$0x3FFE];
	[sflag:s23] =	ssyncadd.s32 $0xFFFFFFFF  }
0xa5: {  	s26 =	simm.s32 $execute0_lowered;
	[smem:$0x3FD2] =	sst s25  }
0xa6: {  	s5 =	sshll.u32 s26, $0x1;
	_ =	strace $0x80000046;
	[dreg:$0x1] =	wrdreg $0xFFFFFFFF  }
0xa7: {  	s28 =	simm.s32 $_size_execute0_lowered;
	s3 =	sadd.s32 s3, s5;
	[dreg:$0x0] =	wrdreg $0x0  }
0xa8: {  	s5 =	sshll.u32 s28, $0x1;
	[dreg:$0x2] =	wrdreg s3  }
0xa9: {  	[dreg:$0x3] =	wrdreg s5  }
0xaa: {  	[dreg:$0x4] =	wrdreg $0xC0  }
0xab: {  	_ =	task [dreg:s7], $0x5FFFF  }
0xac: {  	[dreg:$0x1] =	wrdreg $0xFFFFFFFF  }
0xad: {  	[dreg:$0x0] =	wrdreg $0x60  }
0xae: {  	[dreg:$0x2] =	wrdreg s24  }
0xaf: {  	[dreg:$0x3] =	wrdreg s2  }
0xb0: {  	[dreg:$0x4] =	wrdreg $0x7F000  }
0xb1: {  	[dreg:$0x5] =	wrdreg $0xA7000  }
0xb2: {  	[dreg:$0x6] =	wrdreg $0x9  }
0xb3: {  	_ =	task.clear_ibuf [dreg:s7], $0x7FFFF;
	_ =	strace $0x90000046  }
0xb4: {  	s29 =	simm.s32 $0x9;
	_ =	strace $0x80000048  }
0xb5: {  	_ =	swait.ge [sflag:s29], $0x1  }
0xb6: {  	[sflag:s29] =	ssyncadd.s32 $0xFFFFFFFF  }
0xb7: {  	_ =	strace $0x90000048  }
0xb8: {  	_ =	sfence  }
0xb9: {  	s30 =	sld [smem:$0x0];
	_ =	sdelay $0x2  }
0xba: {  	s31 =	sshll.u32 s1, $0xD;
	s1 =	sshrl.u32 s1, $0x2  }
0xbb: {  	s3 =	sand.u32 $0x4000, s31;
	s1 =	sadd.s32 s1, s30  }
0xbc: {  	s0 =	sor.u32 s3, s0;
	s1 =	sshll.u32 s1, $0x11  }
0xbd: {  	s0 =	sor.u32 s1, s0  }
0xbe: {  	s0 =	sadd.s32 $0x8F2B, s0  }
0xbf: {  	[sflag:s0] =	ssyncadd.remote.s32 $0x1  }
0xc0: {  	_ =	sfence.sel $0xFFFF  }
0xc1: {  	[dreg:$0x0] =	wrdreg $0xFFFFFFFF;
	(pc) =	sbr.abs _section_cstart, $3  }
0xc2: {  	[dreg:$0x1] =	wrdreg $0xFFFFFFFF  }
0xc3: {  	_ =	task.clear_ibuf [dreg:s7], $0x2FFFF;
	_ =	strace $0x9FFFFFFF  }
0xc4: {  	(tm) =	ssettm $0x7FFFFFFF  }
0xc5: {  	_ =	shalt  }
tec
execute0_lowered:
.L_overlay_start_1:
0x0: {  	(tag) =	ssettag $0x1  }
0x1: {  	s0 =	rddreg [dreg:$0x0]  }
0x2: {  	s1 =	rddreg [dreg:$0x1]  }
0x3: {  	s2 =	rddreg [dreg:$0x2]  }
0x4: {  	s3 =	rddreg [dreg:$0x3]  }
0x5: {  	s4 =	stileid.u32;
	s6 =	srdreg.scid;
	s8 =	simm.s32 $0x0  }
0x6: {  	s15 =	simm.s32 $0xD;
	s30 =	simm.s32 $0x6F00;
	s31 =	simm.s32 $0x3  }
0x7: {  	s29 =	simm.s32 $0x7;
	s28 =	simm.s32 $0x6;
	s5 =	smul.u32 $0x2710, s4  }
0x8: {  	s6 =	sand.u32 $0x1, s6;
	s7 =	smul.u32 $0x2800, s4;
	[smem:$0x7FF] =	sst s8  }
0x9: {  	s11 =	sadd.s32 $0x5C00, s0;
	s21 =	sshll.u32 s4, $0x6;
	s9 =	smul.u32 $0x28000, s6  }
0xa: {  	_ =	strace $0x80000047;
	s10 =	sshll.u32 s6, $0x4;
	[dreg:$0x5] =	wrdreg s11  }
0xb: {  	s6 =	ssub.s32 $0x2, s6;
	s18 =	sshrl.u32 s5, $0x3;
	s10 =	sor.u32 s4, s10  }
0xc: {  	s20 =	sshrl.u32 s6, $0x1;
	s5 =	sadd.s32 s5, s3;
	s8 =	sadd.s32 s18, s0  }
0xd: {  	s9 =	sadd.s32 s7, s9;
	s19 =	smul.u32 $0x4E, s10;
	s12 =	smin.u32 s10, $0x4  }
0xe: {  	s7 =	sadd.s32 s7, s2;
	p0 =	sgt.u32 s10, $0x3;
	s26 =	sshrl.u32 s5, $0x3  }
0xf: {  	s18 =	simm.s32 $0x80;
	s5 =	simm.s32 $0x9;
	s10 =	simm.s32 $0xC  }
0x10: {  	s9 =	sshrl.u32 s9, $0x3;
	s22 =	sadd.s32 $0xC00, s8;
	s14 =	sshrl.u32 s7, $0x3  }
0x11: {  	[dreg:$0xd] =	wrdreg s26;
	s26 =	simm.s32 $0x2;
	s7 =	simm.s32 $0xA  }
0x12: {  	s0 =	sadd.s32 s9, s0;
	s9 =	ssub.s32 s6, s20;
	s11 =	sadd.s32 s12, s19  }
0x13: {  	s6 =	sor.u32 $0x1C0D, s21;
	[dreg:$0x6] =	wrdreg s22;
	s19 =	simm.s32 $0x4F00  }
0x14: {  	s20 =	simm.s32 $0x5700;
	s22 =	simm.s32 $0x5F00;
	s0 =	sadd.s32 $0x6200, s0  }
0x15: {  	s11 =	sshll.u32 s11, $0x4;
	s25 =	smax.u32 s9, $0x1;
	[dreg:$0xb] =	wrdreg s0  }
0x16: {  	s21 =	simm.s32 $0x7700;
	s1 =	sadd.s32 s1, s11;
	[dreg:$0xc] =	wrdreg s25  }
.Ltmp0:
0x17: {  	s23 =	sadd.s32 $0x9C40, s1;
	[dreg:$0x7] =	wrdreg s1;
	(pc) =	sbr.rel .LBB2_1-.Ltmp0, $4  }
0x18: {  	s9 =	simm.s32 $0xB;
	s24 =	sadd.s32 $0x4E0, s1;
	[dreg:$0x8] =	wrdreg s23  }
0x19: {  	s25 =	simm.s32 $0x6700;
	s1 =	sadd.s32 $0xA120, s1;
	[dreg:$0x9] =	wrdreg s24  }
0x1a: {  	s0 =	simm.s32 $0x8;
	s11 =	simm.s32 $0x0;
	[dreg:$0xa] =	wrdreg s1  }
0x1b: {  	s23 =	simm.s32 $0x1;
	s24 =	simm.s32 $0x4;
	s1 =	simm.s32 $0x5  }
.LBB2_4:
0x1c: {  	_ =	swait.ge [sflag:s29], $0x800  }
0x1d: {  	[sflag:s29] =	ssyncset.done $0x0  }
0x1e: {  	[sflag:s29] =	ssyncadd.s32 $0xFFFFF800  }
0x1f: {  	_ =	swait.ge [sflag:s0], $0x800  }
0x20: {  	[sflag:s0] =	ssyncset.done $0x0  }
0x21: {  	[sflag:s0] =	ssyncadd.s32 $0xFFFFF800  }
0x22: {  	_ =	swait.ge [sflag:s5], $0x800  }
0x23: {  	[sflag:s5] =	ssyncset.done $0x0  }
0x24: {  	[sflag:s5] =	ssyncadd.s32 $0xFFFFF800  }
0x25: {  	_ =	swait.ge [sflag:s7], $0x800  }
0x26: {  	[sflag:s7] =	ssyncset.done $0x0  }
0x27: {  	[sflag:s7] =	ssyncadd.s32 $0xFFFFF800  }
0x28: {  	_ =	swait.ge [sflag:s9], $0x800  }
0x29: {  	[sflag:s9] =	ssyncset.done $0x0  }
0x2a: {  	[sflag:s9] =	ssyncadd.s32 $0xFFFFF800  }
0x2b: {  	_ =	swait.ge [sflag:s10], $0x800  }
0x2c: {  	s4 =	simm.s32 @!p0 $0x80;
	[sflag:s10] =	ssyncset.done $0x0  }
0x2d: {  	s8 =	simm.s32 @!p0 $0x2700;
	s12 =	simm.s32 @!p0 $0x4F00;
	[sflag:s10] =	ssyncadd.s32 $0xFFFFF800  }
0x2e: {  	[tilespmem:s12], [sflag:$0x1] =	stream.indirect.gather @!p0 [spmem:s3], $0x10, s8, s4, $0xb8;
	[tilespmem:$0xCE10] =	vst v63  }
0x2f: {  	s8 =	simm.s32 @!p0 $0x1  }
0x30: {  	_ =	swait.ge @!p0 [sflag:s8], $0x800  }
0x31: {  	[sflag:s8] =	ssyncset.done @!p0 $0x0  }
0x32: {  	[sflag:s8] =	ssyncadd.s32 @!p0 $0xFFFFF800;
	s8 =	simm.s32 @!p0 $0x4E80  }
0x33: {  	[spmem:s2] =	stream.indirect.scatter.add.f32 @!p0 [tilespmem:s12], [sflag:$0x7], $0x10, s8, s4, $0xb8;
	[tilespmem:$0xCE10] =	vst v63  }
0x34: {  	s4 =	simm.s32 @!p0 $0x7  }
0x35: {  	_ =	swait.ge @!p0 [sflag:s4], $0x800  }
0x36: {  	[sflag:s4] =	ssyncset.done @!p0 $0x0  }
0x37: {  	[sflag:s4] =	ssyncadd.s32 @!p0 $0xFFFFF800  }
0x38: {  	[bflag:$0x0] =	sbarrier.arrive $0xFFFF  }
0x39: {  	s16 =	rddreg [dreg:$0xb]  }
0x3a: {  	[hbm:s16], [sflag:s6] =	dma.local [spmem:s14], $0x500  }
0x3b: {  	_ =	swait.ge [sflag:s15], $0x500  }
0x3c: {  	s11 =	sadd.s32 $0x1, s11;
	s17 =	rddreg [dreg:$0xc]  }
0x3d: {  	p1 =	sne.s32 s11, s17  }
.Ltmp1:
0x3e: {  	_ = 	snop;
	(pc) =	sbr.rel @!p1 .LBB2_5-.Ltmp1, $3  }
0x3f: {  	_ =	sdelay $0x1  }
0x40: {  	[sflag:s15] =	ssyncset.done $0x0  }
0x41: {  	[sflag:s15] =	ssyncadd.s32 $0xFFFFFB00  }
.LBB2_1:
0x42: {  	s4 =	rddreg [dreg:$0x5]  }
0x43: {  	[spmem:s14], [sflag:s6] =	dma.local [hbm:s4], $0x500  }
0x44: {  	_ =	swait.ge [sflag:s15], $0x500  }
0x45: {  	[sflag:s15] =	ssyncset.done $0x0;
	s16 =	rddreg [dreg:$0x6]  }
0x46: {  	s8 =	rddreg [dreg:$0xd];
	[sflag:s15] =	ssyncadd.s32 $0xFFFFFB00  }
0x47: {  	[spmem:s8], [sflag:s6] =	dma.local [hbm:s16], $0x4E2  }
0x48: {  	_ =	swait.ge [sflag:s15], $0x4E2  }
0x49: {  	[sflag:s15] =	ssyncset.done $0x0  }
0x4a: {  	s4 =	simm.s32 $0x0;
	s17 =	rddreg [dreg:$0x7];
	[sflag:s15] =	ssyncadd.s32 $0xFFFFFB1E  }
0x4b: {  	[tilespmem:s4], [sflag:$0xD] =	stream.linear.gather [hbm4b:s17+s4], $0x2700, $0x38;
	[tilespmem:$0xCE10] =	vst v63  }
0x4c: {  	_ =	swait.ge [sflag:s15], $0x2700  }
0x4d: {  	[sflag:s15] =	ssyncset.done $0x0  }
0x4e: {  	s16 =	simm.s32 $0x2780;
	s12 =	rddreg [dreg:$0x8];
	[sflag:s15] =	ssyncadd.s32 $0xFFFFD900  }
0x4f: {  	[tilespmem:s16], [sflag:$0xD] =	stream.linear.gather [hbm4b:s12+s4], $0x2700, $0x38;
	[tilespmem:$0xCE10] =	vst v63  }
0x50: {  	_ =	swait.ge [sflag:s15], $0x2700  }
0x51: {  	s13 =	simm.s32 @!p0 $0x2700;
	[sflag:s15] =	ssyncset.done $0x0  }
0x52: {  	s12 =	simm.s32 @!p0 $0x0;
	s8 =	rddreg [dreg:$0x9];
	[sflag:s15] =	ssyncadd.s32 $0xFFFFD900  }
0x53: {  	[tilespmem:s13], [sflag:$0xD] =	stream.linear.gather @!p0 [hbm4b:s8+s12], $0x80, $0x38;
	[tilespmem:$0xCE10] =	vst v63  }
0x54: {  	s13 =	simm.s32 @!p0 $0xD  }
0x55: {  	_ =	swait.ge @!p0 [sflag:s13], $0x80  }
0x56: {  	[sflag:s13] =	ssyncset.done @!p0 $0x0  }
0x57: {  	s17 =	simm.s32 @!p0 $0x4E80;
	s8 =	rddreg [dreg:$0xa];
	[sflag:s13] =	ssyncadd.s32 @!p0 $0xFFFFFF80  }
0x58: {  	[tilespmem:s17], [sflag:$0xD] =	stream.linear.gather @!p0 [hbm4b:s8+s12], $0x80, $0x38;
	[tilespmem:$0xCE10] =	vst v63  }
0x59: {  	_ =	swait.ge @!p0 [sflag:s13], $0x80  }
0x5a: {  	[sflag:s13] =	ssyncset.done @!p0 $0x0  }
0x5b: {  	[sflag:s13] =	ssyncadd.s32 @!p0 $0xFFFFFF80  }
0x5c: {  	[bflag:$0x0] =	sbarrier.arrive $0xFFFF  }
0x5d: {  	[tilespmem:s19], [sflag:$0x1] =	stream.indirect.gather [spmem:s3], $0x10, s4, s18, $0xb8;
	[tilespmem:$0xCE10] =	vst v63  }
0x5e: {  	_ = 	snop  }
0x5f: {  	[tilespmem:s20], [sflag:$0x2] =	stream.indirect.gather [spmem:s3], $0x10, s18, s18, $0xb8;
	[tilespmem:$0xCE10] =	vst v63  }
0x60: {  	s13 =	simm.s32 $0x100  }
0x61: {  	[tilespmem:s22], [sflag:$0x3] =	stream.indirect.gather [spmem:s3], $0x10, s13, s18, $0xb8;
	[tilespmem:$0xCE10] =	vst v63  }
0x62: {  	_ =	swait.ge [sflag:s23], $0x800  }
0x63: {  	[sflag:s23] =	ssyncset.done $0x0  }
0x64: {  	[sflag:s23] =	ssyncadd.s32 $0xFFFFF800  }
0x65: {  	[spmem:s2] =	stream.indirect.scatter.add.f32 [tilespmem:s19], [sflag:$0x7], $0x10, s16, s18, $0xb8;
	[tilespmem:$0xCE10] =	vst v63  }
0x66: {  	s17 =	simm.s32 $0x180  }
0x67: {  	[tilespmem:s25], [sflag:$0x4] =	stream.indirect.gather [spmem:s3], $0x10, s17, s18, $0xb8;
	[tilespmem:$0xCE10] =	vst v63  }
0x68: {  	_ =	swait.ge [sflag:s26], $0x800  }
0x69: {  	[sflag:s26] =	ssyncset.done $0x0  }
0x6a: {  	s8 =	simm.s32 $0x2800;
	[sflag:s26] =	ssyncadd.s32 $0xFFFFF800  }
0x6b: {  	[spmem:s2] =	stream.indirect.scatter.add.f32 [tilespmem:s20], [sflag:$0x8], $0x10, s8, s18, $0xb8;
	[tilespmem:$0xCE10] =	vst v63  }
0x6c: {  	s12 =	simm.s32 $0x200  }
0x6d: {  	[tilespmem:s30], [sflag:$0x5] =	stream.indirect.gather [spmem:s3], $0x10, s12, s18, $0xb8;
	[tilespmem:$0xCE10] =	vst v63  }
0x6e: {  	_ =	swait.ge [sflag:s31], $0x800  }
0x6f: {  	[sflag:s31] =	ssyncset.done $0x0  }
0x70: {  	s13 =	simm.s32 $0x2880;
	[sflag:s31] =	ssyncadd.s32 $0xFFFFF800  }
0x71: {  	[spmem:s2] =	stream.indirect.scatter.add.f32 [tilespmem:s22], [sflag:$0x9], $0x10, s13, s18, $0xb8;
	[tilespmem:$0xCE10] =	vst v63  }
0x72: {  	s16 =	simm.s32 $0x280  }
0x73: {  	[tilespmem:s21], [sflag:$0x6] =	stream.indirect.gather [spmem:s3], $0x10, s16, s18, $0xb8;
	[tilespmem:$0xCE10] =	vst v63  }
0x74: {  	_ =	swait.ge [sflag:s24], $0x800  }
0x75: {  	[sflag:s24] =	ssyncset.done $0x0  }
0x76: {  	s17 =	simm.s32 $0x2900;
	[sflag:s24] =	ssyncadd.s32 $0xFFFFF800  }
0x77: {  	[spmem:s2] =	stream.indirect.scatter.add.f32 [tilespmem:s25], [sflag:$0xA], $0x10, s17, s18, $0xb8;
	[tilespmem:$0xCE10] =	vst v63  }
0x78: {  	_ =	swait.ge [sflag:s29], $0x800  }
0x79: {  	[sflag:s29] =	ssyncset.done $0x0  }
0x7a: {  	s8 =	simm.s32 $0x300;
	[sflag:s29] =	ssyncadd.s32 $0xFFFFF800  }
0x7b: {  	[tilespmem:s19], [sflag:$0x1] =	stream.indirect.gather [spmem:s3], $0x10, s8, s18, $0xb8;
	[tilespmem:$0xCE10] =	vst v63  }
0x7c: {  	_ =	swait.ge [sflag:s1], $0x800  }
0x7d: {  	[sflag:s1] =	ssyncset.done $0x0  }
0x7e: {  	s12 =	simm.s32 $0x2980;
	[sflag:s1] =	ssyncadd.s32 $0xFFFFF800  }
0x7f: {  	[spmem:s2] =	stream.indirect.scatter.add.f32 [tilespmem:s30], [sflag:$0xB], $0x10, s12, s18, $0xb8;
	[tilespmem:$0xCE10] =	vst v63  }
0x80: {  	_ =	swait.ge [sflag:s0], $0x800  }
0x81: {  	[sflag:s0] =	ssyncset.done $0x0  }
0x82: {  	s13 =	simm.s32 $0x380;
	[sflag:s0] =	ssyncadd.s32 $0xFFFFF800  }
0x83: {  	[tilespmem:s20], [sflag:$0x2] =	stream.indirect.gather [spmem:s3], $0x10, s13, s18, $0xb8;
	[tilespmem:$0xCE10] =	vst v63  }
0x84: {  	_ =	swait.ge [sflag:s28], $0x800  }
0x85: {  	[sflag:s28] =	ssyncset.done $0x0  }
0x86: {  	s16 =	simm.s32 $0x2A00;
	[sflag:s28] =	ssyncadd.s32 $0xFFFFF800  }
0x87: {  	[spmem:s2] =	stream.indirect.scatter.add.f32 [tilespmem:s21], [sflag:$0xC], $0x10, s16, s18, $0xb8;
	[tilespmem:$0xCE10] =	vst v63  }
0x88: {  	_ =	swait.ge [sflag:s5], $0x800  }
0x89: {  	[sflag:s5] =	ssyncset.done $0x0  }
0x8a: {  	s17 =	simm.s32 $0x400;
	s12 =	simm.s32 $0x0;
	[sflag:s5] =	ssyncadd.s32 $0xFFFFF800  }
0x8b: {  	[tilespmem:s22], [sflag:$0x3] =	stream.indirect.gather [spmem:s3], $0x10, s17, s18, $0xb8;
	[tilespmem:$0xCE10] =	vst v63  }
.LBB2_2:
0x8c: {  	_ =	swait.ge [sflag:s23], $0x800  }
0x8d: {  	s13 =	sshra.s32 s12, $0x2;
	[sflag:s23] =	ssyncset.done $0x0  }
0x8e: {  	s17 =	sadd.s32 $0x2A80, s13;
	[sflag:s23] =	ssyncadd.s32 $0xFFFFF800  }
0x8f: {  	[spmem:s2] =	stream.indirect.scatter.add.f32 [tilespmem:s19], [sflag:$0x7], $0x10, s17, s18, $0xb8;
	[tilespmem:$0xCE10] =	vst v63  }
0x90: {  	_ =	swait.ge [sflag:s7], $0x800  }
0x91: {  	[sflag:s7] =	ssyncset.done $0x0  }
0x92: {  	s4 =	sadd.s32 $0x480, s13;
	[sflag:s7] =	ssyncadd.s32 $0xFFFFF800  }
0x93: {  	[tilespmem:s25], [sflag:$0x4] =	stream.indirect.gather [spmem:s3], $0x10, s4, s18, $0xb8;
	[tilespmem:$0xCE10] =	vst v63  }
0x94: {  	_ =	swait.ge [sflag:s26], $0x800  }
0x95: {  	[sflag:s26] =	ssyncset.done $0x0  }
0x96: {  	s8 =	sadd.s32 $0x2B00, s13;
	[sflag:s26] =	ssyncadd.s32 $0xFFFFF800  }
0x97: {  	[spmem:s2] =	stream.indirect.scatter.add.f32 [tilespmem:s20], [sflag:$0x8], $0x10, s8, s18, $0xb8;
	[tilespmem:$0xCE10] =	vst v63  }
0x98: {  	_ =	swait.ge [sflag:s9], $0x800  }
0x99: {  	[sflag:s9] =	ssyncset.done $0x0  }
0x9a: {  	s16 =	sadd.s32 $0x500, s13;
	[sflag:s9] =	ssyncadd.s32 $0xFFFFF800  }
0x9b: {  	[tilespmem:s30], [sflag:$0x5] =	stream.indirect.gather [spmem:s3], $0x10, s16, s18, $0xb8;
	[tilespmem:$0xCE10] =	vst v63  }
0x9c: {  	_ =	swait.ge [sflag:s31], $0x800  }
0x9d: {  	[sflag:s31] =	ssyncset.done $0x0  }
0x9e: {  	s4 =	sadd.s32 $0x2B80, s13;
	[sflag:s31] =	ssyncadd.s32 $0xFFFFF800  }
0x9f: {  	[spmem:s2] =	stream.indirect.scatter.add.f32 [tilespmem:s22], [sflag:$0x9], $0x10, s4, s18, $0xb8;
	[tilespmem:$0xCE10] =	vst v63  }
0xa0: {  	_ =	swait.ge [sflag:s10], $0x800  }
0xa1: {  	[sflag:s10] =	ssyncset.done $0x0  }
0xa2: {  	s8 =	sadd.s32 $0x580, s13;
	[sflag:s10] =	ssyncadd.s32 $0xFFFFF800  }
0xa3: {  	[tilespmem:s21], [sflag:$0x6] =	stream.indirect.gather [spmem:s3], $0x10, s8, s18, $0xb8;
	[tilespmem:$0xCE10] =	vst v63  }
0xa4: {  	_ =	swait.ge [sflag:s24], $0x800  }
0xa5: {  	p1 =	seq.s32 s12, $0x8400;
	[sflag:s24] =	ssyncset.done $0x0  }
0xa6: {  	s17 =	simm.s32 @p1 $0x5;
	s16 =	sadd.s32 $0x2C00, s13;
	[sflag:s24] =	ssyncadd.s32 $0xFFFFF800  }
0xa7: {  	[spmem:s2] =	stream.indirect.scatter.add.f32 [tilespmem:s25], [sflag:$0xA], $0x10, s16, s18, $0xb8;
	[tilespmem:$0xCE10] =	vst v63  }
0xa8: {  	_ =	swait.ge @p1 [sflag:s17], $0x800  }
0xa9: {  	[sflag:s17] =	ssyncset.done @p1 $0x0  }
0xaa: {  	[sflag:s17] =	ssyncadd.s32 @p1 $0xFFFFF800;
	s17 =	sshra.s32 @p1 s12, $0x2  }
0xab: {  	s8 =	simm.s32 @p1 $0x6F00;
	s16 =	simm.s32 @p1 $0x80;
	s17 =	sadd.s32 @p1 $0x2C80, s17  }
0xac: {  	[spmem:s2] =	stream.indirect.scatter.add.f32 @p1 [tilespmem:s8], [sflag:$0xB], $0x10, s17, s16, $0xb8;
	[tilespmem:$0xCE10] =	vst v63  }
0xad: {  	s8 =	simm.s32 @!p1 $0x7  }
0xae: {  	_ =	swait.ge @!p1 [sflag:s8], $0x800  }
0xaf: {  	[sflag:s8] =	ssyncset.done @!p1 $0x0  }
0xb0: {  	[sflag:s8] =	ssyncadd.s32 @!p1 $0xFFFFF800;
	s8 =	sshra.s32 @!p1 s12, $0x2  }
0xb1: {  	s4 =	simm.s32 @!p1 $0x4F00;
	s17 =	simm.s32 @!p1 $0x80;
	s16 =	sadd.s32 @!p1 $0x600, s8  }
0xb2: {  	[tilespmem:s4], [sflag:$0x1] =	stream.indirect.gather @!p1 [spmem:s3], $0x10, s16, s17, $0xb8;
	[tilespmem:$0xCE10] =	vst v63  }
0xb3: {  	s4 =	simm.s32 @!p1 $0x5  }
0xb4: {  	_ =	swait.ge @!p1 [sflag:s4], $0x800  }
0xb5: {  	[sflag:s4] =	ssyncset.done @!p1 $0x0  }
0xb6: {  	s16 =	simm.s32 @!p1 $0x6F00;
	[sflag:s4] =	ssyncadd.s32 @!p1 $0xFFFFF800;
	s4 =	sadd.s32 @!p1 $0x2C80, s8  }
0xb7: {  	[spmem:s2] =	stream.indirect.scatter.add.f32 @!p1 [tilespmem:s16], [sflag:$0xB], $0x10, s4, s17, $0xb8;
	[tilespmem:$0xCE10] =	vst v63  }
0xb8: {  	s4 =	simm.s32 @!p1 $0x8  }
0xb9: {  	_ =	swait.ge @!p1 [sflag:s4], $0x800  }
0xba: {  	[sflag:s4] =	ssyncset.done @!p1 $0x0  }
0xbb: {  	[sflag:s4] =	ssyncadd.s32 @!p1 $0xFFFFF800;
	s4 =	sadd.s32 @!p1 $0x680, s8;
	s8 =	simm.s32 @!p1 $0x5700  }
0xbc: {  	[tilespmem:s8], [sflag:$0x2] =	stream.indirect.gather @!p1 [spmem:s3], $0x10, s4, s17, $0xb8;
	[tilespmem:$0xCE10] =	vst v63  }
.Ltmp2:
0xbd: {  	_ = 	snop;
	(pc) =	sbr.rel @p1 .LBB2_4-.Ltmp2, $4  }
0xbe: {  	_ =	swait.ge [sflag:s28], $0x800  }
0xbf: {  	[sflag:s28] =	ssyncset.done $0x0  }
0xc0: {  	s17 =	sadd.s32 $0x2D00, s13;
	[sflag:s28] =	ssyncadd.s32 $0xFFFFF800  }
0xc1: {  	[spmem:s2] =	stream.indirect.scatter.add.f32 [tilespmem:s21], [sflag:$0xC], $0x10, s17, s18, $0xb8;
	[tilespmem:$0xCE10] =	vst v63  }
.Ltmp3:
0xc2: {  	(pc) =	sbr.rel .LBB2_2-.Ltmp3, $4  }
0xc3: {  	_ =	swait.ge [sflag:s5], $0x800  }
0xc4: {  	[sflag:s5] =	ssyncset.done $0x0  }
0xc5: {  	s4 =	sadd.s32 $0x700, s13;
	s12 =	sadd.s32 $0xC00, s12;
	[sflag:s5] =	ssyncadd.s32 $0xFFFFF800  }
0xc6: {  	[tilespmem:s22], [sflag:$0x3] =	stream.indirect.gather [spmem:s3], $0x10, s4, s18, $0xb8;
	[tilespmem:$0xCE10] =	vst v63  }
.LBB2_5:
0xc7: {  	_ =	sfence.sel $0x180000  }
0xc8: {  	[bflag:$0x0] =	sbarrier.arrive $0xFFFF  }
0xc9: {  	_ =	strace $0x90000047  }
0xca: {  	s0 =	stileid.u32;
	[bflag:$0x2] =	sbarrier.arrive $0xFFFF  }
0xcb: {  	p0 =	sne.s32 s0, $0x0;
	s0 =	rddreg [dreg:$0x4]  }
0xcc: {  	s0 =	sadd.s32 @!p0 $0x100000, s0  }
0xcd: {  	[sflag:s0] =	ssyncadd.tile.s32 @!p0 $0x1;
	_ =	shalt  }
.Lfunc_end2:
_tile_overlayer_lowered:
.L_overlay_start_2:
0xce: {  	(tag) =	ssettag $0x2  }
0xcf: {  	s0 =	rddreg [dreg:$0x0];
	s2 =	stileid.u32  }
0xd0: {  	s1 =	rddreg [dreg:$0x1];
	p0 =	sne.s32 s2, $0x0  }
0xd1: {  	s3 =	rddreg [dreg:$0x2];
	[bflag:$0x3] =	sbarrier.arrive $0xFFFF;
	s2 =	simm.s32 @!p0 $0x1C0D  }
0xd2: {  	[timem:s3], [sflag:s2] =	dma.local @!p0 [hbm:s0], s1  }
0xd3: {  	s0 =	simm.s32 @!p0 $0xD  }
0xd4: {  	_ =	swait.ge @!p0 [sflag:s0], s1  }
0xd5: {  	s1 =	ssub.s32 @!p0 $0x0, s1;
	[sflag:s0] =	ssyncset.done @!p0 $0x0  }
0xd6: {  	[sflag:s0] =	ssyncadd.s32 @!p0 s1  }
0xd7: {  	[bflag:$0x3] =	sbarrier.arrive $0xFFFF  }
0xd8: {  	_ =	shalt  }

// kernel: kernel.9.cloned.1.call-start
scs
__scs_entry_jumppad:
0x0: {  	(pc) =	sbr.rel $0x88, $3  }
0x1: {  	(tag) =	ssettag $0x0;
	lr =	simm.s32 $0x1  }
0x2: {  	[smem:$0x3F9D] =	sst lr;
	_ =	strace $0xD0000000  }
0x3: {  	_ = 	snop  }
0x4: {  	_ = 	snop  }
0x5: {  	_ = 	snop  }
0x6: {  	_ = 	snop  }
0x7: {  	_ = 	snop  }
__scs_overlays_trampoline_lowered:
0x8: {  	[smem:$0x3FAC] =	sst s0  }
0x9: {  	[smem:$0x3FAD] =	sst s1  }
0xa: {  	[smem:$0x3FAE] =	sst s2  }
0xb: {  	[smem:$0x3FAF] =	sst s3  }
0xc: {  	[smem:$0x3FB0] =	sst s4  }
0xd: {  	[smem:$0x3FB1] =	sst s5  }
0xe: {  	[smem:$0x3FB2] =	sst s6  }
0xf: {  	[smem:$0x3FB3] =	sst s7  }
0x10: {  	[smem:$0x3FB4] =	sst s8  }
0x11: {  	[smem:$0x3FB5] =	sst s9;
	s0 =	simm.s32 @!p0 $0x0  }
0x12: {  	s1 =	sld [smem:$0x3F9B];
	s0 =	simm.s32 @p0 $0x1  }
0x13: {  	[smem:$0x3FB6] =	sst s0;
	s0 =	simm.s32 @!p1 $0x0  }
0x14: {  	s2 =	sld [smem:$0x3F9A];
	s0 =	simm.s32 @p1 $0x1  }
0x15: {  	[smem:$0x3FB7] =	sst s0;
	s0 =	simm.s32 @!p2 $0x0  }
0x16: {  	s3 =	sld [smem:$0x3FDB];
	s0 =	simm.s32 @p2 $0x1  }
0x17: {  	s4 =	simm.s32 $0x1BF5;
	[smem:$0x3FB9] =	sst s0  }
0x18: {  	s0 =	sld [smem:$0x3F9C];
	_ =	swait.ge [sflag:s4], $0x0  }
0x19: {  	s7 =	sld [smem:$0x3F9D]  }
0x1a: {  	s8 =	sadd.s32 $0xFFFFE003, lr  }
0x1b: {  	s9 =	sadd.s32 $0xFFFFFEF7, lr;
	s5 =	simm.s32 $0xFFFFFFFF;
	p2 =	slt.u32 s8, $0xFFFFF086  }
0x1c: {  	p1 =	slt.u32 s9, $0xF7A;
	s5 =	simm.s32 @!p2 $0x0  }
0x1d: {  	s5 =	simm.s32 @p1 $0x1;
	p0 =	seq.s32 s7, s2  }
0x1e: {  	s7 =	smul.u32 @!p0 $0xF7A, s2;
	p2 =	seq.s32 @!p0 s5, $0x0  }
0x1f: {  	s9 =	smul.u32 $0xF7A, s1;
	s8 =	simm.s32 @!p0 $0x1BF5;
	p2 =	por !p2, p0  }
0x20: {  	[sflag:s8] =	ssyncset.s32 @!p0 $0xFFFFF086;
	s6 =	sadd.s32 @!p0 s3, s7;
	s7 =	simm.s32 @!p0 $0x108  }
0x21: {  	s3 =	sadd.s32 s3, s9;
	s6 =	sadd.s32 @!p0 $0x88, s6;
	s7 =	simm.s32 @p2 $0x1082  }
0x22: {  	[simem:s7], [sflag:s8] =	dma.local @!p0 [hbm:s6], $0xF7A  }
0x23: {  	s9 =	sor.u32 $0xD0000000, s2;
	s6 =	simm.s32 $0x108;
	_ =	swait.ge @!p0 [sflag:s8], $0x0  }
0x24: {  	s3 =	sadd.s32 $0x88, s3;
	s6 =	simm.s32 @!p1 $0x1082;
	[sflag:s4] =	ssyncset.s32 $0xFFFFF086  }
0x25: {  	[simem:s6], [sflag:s4] =	dma.local [hbm:s3], $0xF7A  }
0x26: {  	[smem:$0x3F9D] =	sst s1;
	(tag) =	ssettag s2;
	_ =	strace s9  }
0x27: {  	s1 =	sld [smem:$0x3FAD]  }
0x28: {  	s2 =	sld [smem:$0x3FAE]  }
0x29: {  	s4 =	sld [smem:$0x3FB0]  }
0x2a: {  	p0 =	seq.s32 s5, $0x0;
	s5 =	sld [smem:$0x3FB1]  }
0x2b: {  	s6 =	sld [smem:$0x3FB2]  }
0x2c: {  	s7 =	sld [smem:$0x3FB3]  }
0x2d: {  	s3 =	simm.s32 $0x108;
	s8 =	sld [smem:$0x3FB4]  }
0x2e: {  	s3 =	simm.s32 @!p0 $0x1082;
	s9 =	sld [smem:$0x3FB5]  }
0x2f: {  	lr =	sadd.s32 s0, s3;
	s0 =	sld [smem:$0x3FAC]  }
0x30: {  	s3 =	sld [smem:$0x3FAF]  }
0x31: {  	[smem:$0x3FB8] =	sst s10  }
0x32: {  	s10 =	sld [smem:$0x3FB6];
	_ =	sdelay $0x3  }
0x33: {  	p0 =	seq.s32 s10, $0x1;
	s10 =	sld [smem:$0x3FB8];
	_ =	sdelay $0x3  }
0x34: {  	[smem:$0x3FB8] =	sst s10  }
0x35: {  	s10 =	sld [smem:$0x3FB7];
	_ =	sdelay $0x3  }
0x36: {  	p1 =	seq.s32 s10, $0x1;
	s10 =	sld [smem:$0x3FB8];
	_ =	sdelay $0x3  }
0x37: {  	[smem:$0x3FB8] =	sst s10  }
0x38: {  	s10 =	sld [smem:$0x3FB9]  }
0x39: {  	_ = 	snop;
	(pc) =	sbr.ind lr, $3  }
0x3a: {  	_ = 	snop  }
0x3b: {  	_ = 	snop  }
0x3c: {  	p2 =	seq.s32 s10, $0x1;
	s10 =	sld [smem:$0x3FB8]  }
0x3d: {  	_ =	shalt  }
0x3e: {  	_ =	shalt  }
0x3f: {  	_ =	shalt  }
0x40: {  	_ =	shalt  }
0x41: {  	_ =	shalt  }
0x42: {  	_ =	shalt  }
0x43: {  	_ =	shalt  }
0x44: {  	_ =	shalt  }
0x45: {  	_ =	shalt  }
0x46: {  	_ =	shalt  }
0x47: {  	_ =	shalt  }
0x48: {  	_ =	shalt  }
0x49: {  	_ =	shalt  }
0x4a: {  	_ =	shalt  }
0x4b: {  	_ =	shalt  }
0x4c: {  	_ =	shalt  }
0x4d: {  	_ =	shalt  }
0x4e: {  	_ =	shalt  }
0x4f: {  	_ =	shalt  }
0x50: {  	_ =	shalt  }
0x51: {  	_ =	shalt  }
0x52: {  	_ =	shalt  }
0x53: {  	_ =	shalt  }
0x54: {  	_ =	shalt  }
0x55: {  	_ =	shalt  }
0x56: {  	_ =	shalt  }
0x57: {  	_ =	shalt  }
0x58: {  	_ =	shalt  }
0x59: {  	_ =	shalt  }
0x5a: {  	_ =	shalt  }
0x5b: {  	_ =	shalt  }
0x5c: {  	_ =	shalt  }
0x5d: {  	_ =	shalt  }
0x5e: {  	_ =	shalt  }
0x5f: {  	_ =	shalt  }
0x60: {  	_ =	shalt  }
0x61: {  	_ =	shalt  }
0x62: {  	_ =	shalt  }
0x63: {  	_ =	shalt  }
0x64: {  	_ =	shalt  }
0x65: {  	_ =	shalt  }
0x66: {  	_ =	shalt  }
0x67: {  	_ =	shalt  }
0x68: {  	_ =	shalt  }
0x69: {  	_ =	shalt  }
0x6a: {  	_ =	shalt  }
0x6b: {  	_ =	shalt  }
0x6c: {  	_ =	shalt  }
0x6d: {  	_ =	shalt  }
0x6e: {  	_ =	shalt  }
0x6f: {  	_ =	shalt  }
0x70: {  	_ =	shalt  }
0x71: {  	_ =	shalt  }
0x72: {  	_ =	shalt  }
0x73: {  	_ =	shalt  }
0x74: {  	_ =	shalt  }
0x75: {  	_ =	shalt  }
0x76: {  	_ =	shalt  }
0x77: {  	_ =	shalt  }
0x78: {  	_ =	shalt  }
0x79: {  	_ =	shalt  }
0x7a: {  	_ =	shalt  }
0x7b: {  	_ =	shalt  }
0x7c: {  	_ =	shalt  }
0x7d: {  	_ =	shalt  }
0x7e: {  	_ =	shalt  }
0x7f: {  	_ =	shalt  }
0x80: {  	_ =	shalt  }
0x81: {  	_ =	shalt  }
0x82: {  	_ =	shalt  }
0x83: {  	_ =	shalt  }
0x84: {  	_ =	shalt  }
0x85: {  	_ =	shalt  }
0x86: {  	_ =	shalt  }
0x87: {  	_ =	shalt  }
.Lfunc_end0:
.L_simem_size_0:
called_computation.1_lowered:
.L_overlay_start_0:
0x88: {  	s2 =	sld [smem:$0x3FD9]  }
0x89: {  	s3 =	sld [smem:$0x3FFE];
	_ =	sdelay $0x1  }
0x8a: {  	s1 =	srdreg.scid  }
0x8b: {  	s0 =	sand.u32 $0x1, s1  }
0x8c: {  	s17 =	sshll.u32 s0, $0xA;
	s2 =	sadd.s32 s3, s2  }
0x8d: {  	s2 =	sadd.s32 s2, s17  }
0x8e: {  	[smem:$0x3FC4] =	sst s2  }
0x8f: {  	_ = 	snop  }
0x90: {  	s2 =	sld [smem:$0x3FD0];
	(tm) =	ssettm $0x1  }
0x91: {  	s18 =	sld [smem:$0x3FFB];
	_ =	sdelay $0x3  }
0x92: {  	_ =	strace s18  }
0x93: {  	s3 =	sld [smem:$0x3FFC];
	_ =	sdelay $0x3  }
0x94: {  	_ =	strace s3  }
0x95: {  	s3 =	sld [smem:$0x3FFD];
	_ =	sdelay $0x3  }
0x96: {  	_ =	strace s3  }
0x97: {  	_ =	strace $0x8FFFFFFF  }
0x98: {  	s19 =	sld [smem:$0x3FDB];
	_ =	sdelay $0x1  }
0x99: {  	s4 =	simm.s32 $_scs_section_size  }
0x9a: {  	s5 =	simm.s32 $_size__tile_overlayer_lowered;
	s6 =	simm.s32 $_tile_overlayer_lowered  }
0x9b: {  	s22 =	simm.s32 $0x1BFF;
	s21 =	sshll.u32 s6, $0x1;
	s3 =	sadd.s32 s4, s19  }
0x9c: {  	s7 =	simm.s32 $0x0;
	s20 =	sshll.u32 s5, $0x1;
	s5 =	sadd.s32 s21, s3  }
0x9d: {  	[timem:s7], [sflag:s22] =	dma.local [hbm:s5], s20  }
0x9e: {  	_ =	swait.ge [sflag:s22], s20  }
0x9f: {  	s4 =	ssub.s32 $0x0, s20;
	[sflag:s22] =	ssyncset.done $0x0  }
0xa0: {  	[sflag:s22] =	ssyncadd.s32 s4;
	_ =	sdelay $0x1  }
0xa1: {  	s23 =	simm.s32 $0x1B8B  }
0xa2: {  	_ =	swait.ge [sflag:s23], $0x1  }
0xa3: {  	[sflag:s23] =	ssyncset.done $0x0  }
0xa4: {  	s25 =	simm.s32 $0x1B8E;
	s24 =	sld [smem:$0x3FFE];
	[sflag:s23] =	ssyncadd.s32 $0xFFFFFFFF  }
0xa5: {  	s26 =	simm.s32 $execute0_lowered;
	[smem:$0x3FD2] =	sst s25  }
0xa6: {  	s5 =	sshll.u32 s26, $0x1;
	_ =	strace $0x80000049;
	[dreg:$0x1] =	wrdreg $0xFFFFFFFF  }
0xa7: {  	s28 =	simm.s32 $_size_execute0_lowered;
	s3 =	sadd.s32 s3, s5;
	[dreg:$0x0] =	wrdreg $0x0  }
0xa8: {  	s5 =	sshll.u32 s28, $0x1;
	[dreg:$0x2] =	wrdreg s3  }
0xa9: {  	[dreg:$0x3] =	wrdreg s5  }
0xaa: {  	[dreg:$0x4] =	wrdreg $0xC0  }
0xab: {  	_ =	task [dreg:s7], $0x5FFFF  }
0xac: {  	[dreg:$0x1] =	wrdreg $0xFFFFFFFF  }
0xad: {  	[dreg:$0x0] =	wrdreg $0x60  }
0xae: {  	[dreg:$0x2] =	wrdreg s24  }
0xaf: {  	[dreg:$0x3] =	wrdreg s2  }
0xb0: {  	[dreg:$0x4] =	wrdreg $0x7F000  }
0xb1: {  	[dreg:$0x5] =	wrdreg $0xA7000  }
0xb2: {  	[dreg:$0x6] =	wrdreg $0x9  }
0xb3: {  	_ =	task.clear_ibuf [dreg:s7], $0x7FFFF;
	_ =	strace $0x90000049  }
0xb4: {  	s29 =	simm.s32 $0x9;
	_ =	strace $0x8000004B  }
0xb5: {  	_ =	swait.ge [sflag:s29], $0x1  }
0xb6: {  	[sflag:s29] =	ssyncadd.s32 $0xFFFFFFFF  }
0xb7: {  	_ =	strace $0x9000004B  }
0xb8: {  	_ =	sfence  }
0xb9: {  	s30 =	sld [smem:$0x0];
	_ =	sdelay $0x2  }
0xba: {  	s31 =	sshll.u32 s1, $0xD;
	s1 =	sshrl.u32 s1, $0x2  }
0xbb: {  	s3 =	sand.u32 $0x4000, s31;
	s1 =	sadd.s32 s1, s30  }
0xbc: {  	s0 =	sor.u32 s3, s0;
	s1 =	sshll.u32 s1, $0x11  }
0xbd: {  	s0 =	sor.u32 s1, s0  }
0xbe: {  	s0 =	sadd.s32 $0x8F2B, s0  }
0xbf: {  	[sflag:s0] =	ssyncadd.remote.s32 $0x1  }
0xc0: {  	_ =	sfence.sel $0xFFFF  }
0xc1: {  	[dreg:$0x0] =	wrdreg $0xFFFFFFFF;
	(pc) =	sbr.abs _section_cstart, $3  }
0xc2: {  	[dreg:$0x1] =	wrdreg $0xFFFFFFFF  }
0xc3: {  	_ =	task.clear_ibuf [dreg:s7], $0x2FFFF;
	_ =	strace $0x9FFFFFFF  }
0xc4: {  	(tm) =	ssettm $0x7FFFFFFF  }
0xc5: {  	_ =	shalt  }
tec
execute0_lowered:
.L_overlay_start_1:
0x0: {  	(tag) =	ssettag $0x1  }
0x1: {  	s0 =	rddreg [dreg:$0x0]  }
0x2: {  	s1 =	rddreg [dreg:$0x1]  }
0x3: {  	s2 =	rddreg [dreg:$0x2]  }
0x4: {  	s3 =	rddreg [dreg:$0x3];
	s12 =	stileid.u32  }
0x5: {  	s5 =	srdreg.scid;
	s4 =	simm.s32 $0x0;
	s29 =	simm.s32 $0x6700  }
0x6: {  	s30 =	simm.s32 $0x2;
	s31 =	simm.s32 $0x7700;
	s28 =	simm.s32 $0x7  }
0x7: {  	s13 =	simm.s32 $0x0;
	s8 =	smul.u32 $0x2800, s12;
	s5 =	sand.u32 $0x1, s5  }
0x8: {  	[smem:$0x7FF] =	sst s4;
	s15 =	sadd.s32 $0x5C00, s0;
	s19 =	sshll.u32 s12, $0x6  }
0x9: {  	s6 =	sshll.u32 s5, $0x4;
	s9 =	smul.u32 $0x28000, s5;
	_ =	strace $0x8000004A  }
0xa: {  	[dreg:$0x5] =	wrdreg s15;
	s5 =	ssub.s32 $0x2, s5;
	s7 =	sshrl.u32 s8, $0x3  }
0xb: {  	s10 =	sor.u32 s12, s6;
	s18 =	sshrl.u32 s5, $0x1;
	s20 =	sadd.s32 s8, s2  }
0xc: {  	s25 =	sadd.s32 s8, s3;
	s12 =	simm.s32 $0xC;
	s11 =	sadd.s32 s7, s0  }
0xd: {  	s6 =	smul.u32 $0x4E, s10;
	s16 =	sadd.s32 s8, s9;
	s17 =	smin.u32 s10, $0x4  }
0xe: {  	s5 =	ssub.s32 s5, s18;
	[dreg:$0xc] =	wrdreg s25;
	p0 =	sgt.u32 s10, $0x3  }
0xf: {  	s25 =	simm.s32 $0x5F00;
	s8 =	simm.s32 $0x6;
	s9 =	simm.s32 $0x9  }
0x10: {  	s10 =	simm.s32 $0xA;
	s7 =	sshrl.u32 s16, $0x3;
	s23 =	sadd.s32 $0x6200, s11  }
0x11: {  	s24 =	sadd.s32 $0xB200, s11;
	s26 =	smax.u32 s5, $0x1;
	s16 =	sshrl.u32 s20, $0x3  }
0x12: {  	s20 =	simm.s32 $0x3;
	s5 =	simm.s32 $0x8;
	[dreg:$0xa] =	wrdreg s23  }
0x13: {  	s11 =	simm.s32 $0xB;
	s6 =	sadd.s32 s17, s6;
	[dreg:$0xb] =	wrdreg s24  }
0x14: {  	s0 =	sadd.s32 s7, s0;
	s7 =	sor.u32 $0x1C0D, s19;
	[dreg:$0xe] =	wrdreg s26  }
0x15: {  	s17 =	simm.s32 $0xD;
	s19 =	simm.s32 $0x2780;
	s24 =	simm.s32 $0xCF00  }
0x16: {  	s23 =	simm.s32 $0x5700;
	s6 =	sshll.u32 s6, $0x4;
	s0 =	sadd.s32 $0x10200, s0  }
.Ltmp0:
0x17: {  	s6 =	sadd.s32 s1, s6;
	[dreg:$0xd] =	wrdreg s0;
	(pc) =	sbr.rel .LBB2_1-.Ltmp0, $4  }
0x18: {  	s26 =	simm.s32 $0x1;
	s21 =	sadd.s32 $0x9C40, s6;
	[dreg:$0x6] =	wrdreg s6  }
0x19: {  	s1 =	simm.s32 $0x6F00;
	s22 =	sadd.s32 $0x4E0, s6;
	[dreg:$0x7] =	wrdreg s21  }
0x1a: {  	s0 =	simm.s32 $0x4;
	s6 =	sadd.s32 $0xA120, s6;
	[dreg:$0x8] =	wrdreg s22  }
0x1b: {  	[dreg:$0x9] =	wrdreg s6;
	s21 =	simm.s32 $0x80;
	s22 =	simm.s32 $0x4F00  }
.LBB2_6:
0x1c: {  	_ =	swait.ge [sflag:s28], $0x800  }
0x1d: {  	[sflag:s28] =	ssyncset.done $0x0  }
0x1e: {  	[sflag:s28] =	ssyncadd.s32 $0xFFFFF800  }
0x1f: {  	_ =	swait.ge [sflag:s5], $0x800  }
0x20: {  	[sflag:s5] =	ssyncset.done $0x0  }
0x21: {  	[sflag:s5] =	ssyncadd.s32 $0xFFFFF800  }
0x22: {  	_ =	swait.ge [sflag:s9], $0x800  }
0x23: {  	[sflag:s9] =	ssyncset.done $0x0  }
0x24: {  	[sflag:s9] =	ssyncadd.s32 $0xFFFFF800  }
0x25: {  	_ =	swait.ge [sflag:s10], $0x800  }
0x26: {  	[sflag:s10] =	ssyncset.done $0x0  }
0x27: {  	[sflag:s10] =	ssyncadd.s32 $0xFFFFF800  }
0x28: {  	_ =	swait.ge [sflag:s11], $0x800  }
0x29: {  	[sflag:s11] =	ssyncset.done $0x0  }
0x2a: {  	[sflag:s11] =	ssyncadd.s32 $0xFFFFF800  }
0x2b: {  	_ =	swait.ge [sflag:s12], $0x800  }
0x2c: {  	s6 =	simm.s32 @!p0 $0x80;
	[sflag:s12] =	ssyncset.done $0x0  }
0x2d: {  	s14 =	simm.s32 @!p0 $0x2700;
	s15 =	simm.s32 @!p0 $0x4F00;
	[sflag:s12] =	ssyncadd.s32 $0xFFFFF800  }
0x2e: {  	[tilespmem:s15], [sflag:$0x1] =	stream.indirect.gather @!p0 [spmem:s3], $0x10, s14, s6, $0xb8;
	[tilespmem:$0x11F00] =	vst v63  }
0x2f: {  	s14 =	simm.s32 @!p0 $0x1  }
0x30: {  	_ =	swait.ge @!p0 [sflag:s14], $0x800  }
0x31: {  	[sflag:s14] =	ssyncset.done @!p0 $0x0  }
0x32: {  	[sflag:s14] =	ssyncadd.s32 @!p0 $0xFFFFF800;
	s14 =	simm.s32 @!p0 $0x4E80  }
0x33: {  	[spmem:s2] =	stream.indirect.scatter.add.f32 @!p0 [tilespmem:s15], [sflag:$0x7], $0x10, s14, s6, $0xb8;
	[tilespmem:$0x11F00] =	vst v63  }
0x34: {  	s6 =	simm.s32 @!p0 $0x7  }
0x35: {  	_ =	swait.ge @!p0 [sflag:s6], $0x800  }
0x36: {  	[sflag:s6] =	ssyncset.done @!p0 $0x0  }
0x37: {  	[sflag:s6] =	ssyncadd.s32 @!p0 $0xFFFFF800  }
0x38: {  	[bflag:$0x0] =	sbarrier.arrive $0xFFFF  }
0x39: {  	s19 =	rddreg [dreg:$0xd]  }
0x3a: {  	[hbm:s19], [sflag:s7] =	dma.local [spmem:s16], $0x500  }
0x3b: {  	_ =	swait.ge [sflag:s17], $0x500  }
0x3c: {  	s13 =	sadd.s32 $0x1, s13;
	s24 =	rddreg [dreg:$0xe]  }
0x3d: {  	p1 =	sne.s32 s13, s24  }
.Ltmp1:
0x3e: {  	_ = 	snop;
	(pc) =	sbr.rel @!p1 .LBB2_7-.Ltmp1, $3  }
0x3f: {  	_ =	sdelay $0x1  }
0x40: {  	[sflag:s17] =	ssyncset.done $0x0  }
0x41: {  	s19 =	simm.s32 $0x2780;
	[sflag:s17] =	ssyncadd.s32 $0xFFFFFB00;
	s24 =	simm.s32 $0xCF00  }
.LBB2_1:
0x42: {  	s6 =	rddreg [dreg:$0x5]  }
0x43: {  	[spmem:s16], [sflag:s7] =	dma.local [hbm:s6], $0x500  }
0x44: {  	_ =	swait.ge [sflag:s17], $0x500  }
0x45: {  	[sflag:s17] =	ssyncset.done $0x0  }
0x46: {  	s15 =	rddreg [dreg:$0x6];
	[sflag:s17] =	ssyncadd.s32 $0xFFFFFB00  }
0x47: {  	[tilespmem:s4], [sflag:$0xD] =	stream.linear.gather [hbm4b:s15+s4], $0x2700, $0x38;
	[tilespmem:$0x11F00] =	vst v63  }
0x48: {  	_ =	swait.ge [sflag:s17], $0x2700  }
0x49: {  	[sflag:s17] =	ssyncset.done $0x0  }
0x4a: {  	s18 =	rddreg [dreg:$0x7];
	[sflag:s17] =	ssyncadd.s32 $0xFFFFD900  }
0x4b: {  	[tilespmem:s19], [sflag:$0xD] =	stream.linear.gather [hbm4b:s18+s4], $0x2700, $0x38;
	[tilespmem:$0x11F00] =	vst v63  }
0x4c: {  	_ =	swait.ge [sflag:s17], $0x2700  }
0x4d: {  	s14 =	simm.s32 @!p0 $0x0;
	[sflag:s17] =	ssyncset.done $0x0  }
0x4e: {  	s18 =	simm.s32 @!p0 $0x2700;
	s6 =	rddreg [dreg:$0x8];
	[sflag:s17] =	ssyncadd.s32 $0xFFFFD900  }
0x4f: {  	[tilespmem:s18], [sflag:$0xD] =	stream.linear.gather @!p0 [hbm4b:s6+s14], $0x80, $0x38;
	[tilespmem:$0x11F00] =	vst v63  }
0x50: {  	s18 =	simm.s32 @!p0 $0xD  }
0x51: {  	_ =	swait.ge @!p0 [sflag:s18], $0x80  }
0x52: {  	[sflag:s18] =	ssyncset.done @!p0 $0x0  }
0x53: {  	s15 =	simm.s32 @!p0 $0x4E80;
	s6 =	rddreg [dreg:$0x9];
	[sflag:s18] =	ssyncadd.s32 @!p0 $0xFFFFFF80  }
0x54: {  	[tilespmem:s15], [sflag:$0xD] =	stream.linear.gather @!p0 [hbm4b:s6+s14], $0x80, $0x38;
	[tilespmem:$0x11F00] =	vst v63  }
0x55: {  	_ =	swait.ge @!p0 [sflag:s18], $0x80  }
0x56: {  	[sflag:s18] =	ssyncset.done @!p0 $0x0  }
0x57: {  	s14 =	rddreg [dreg:$0xa];
	[sflag:s18] =	ssyncadd.s32 @!p0 $0xFFFFFF80  }
0x58: {  	[tilespmem:s24], [sflag:$0xD] =	stream.linear.gather [hbm4b:s14+s4], $0x2800, $0x38;
	[tilespmem:$0x11F00] =	vst v63  }
0x59: {  	_ =	swait.ge [sflag:s17], $0x2800  }
0x5a: {  	[sflag:s17] =	ssyncset.done $0x0  }
0x5b: {  	s18 =	simm.s32 $0xF700;
	s15 =	rddreg [dreg:$0xb];
	[sflag:s17] =	ssyncadd.s32 $0xFFFFD800  }
0x5c: {  	[tilespmem:s18], [sflag:$0xD] =	stream.linear.gather [hbm4b:s15+s4], $0x2800, $0x38;
	[tilespmem:$0x11F00] =	vst v63  }
0x5d: {  	_ =	swait.ge [sflag:s17], $0x2800  }
0x5e: {  	[sflag:s17] =	ssyncset.done $0x0  }
0x5f: {  	s14 =	simm.s32 $0x0;
	[sflag:s17] =	ssyncadd.s32 $0xFFFFD800  }
0x60: {  	s18 =	simm.s32 $0x40;
	v0 =	vld [tilespmem:s14+$0xF700]  }
.LBB2_2:
0x61: {  	p1 =	sne.s32 s18, $0x9FC0;
	v1 =	vld [tilespmem:s14+$0xCF00];
	_ =	sdelay $0x3  }
.Ltmp2:
0x62: {  	(pc) =	sbr.rel @p1 .LBB2_2-.Ltmp2, $3  }
0x63: {  	v0 =	vadd.f32 v0, v1;
	_ =	sdelay $0x1  }
0x64: {  	s15 =	sshra.s32 s18, $0x2;
	v1 =	vmax.f32 v0, $0.0e+00  }
0x65: {  	s18 =	sadd.s32 $0x40, s18;
	v0 =	vld [tilespmem:s15+$0xF700];
	[tilespmem:s14+$0xCF00] =	vst v1;
	s14 =	smov.u32 s15  }
0x66: {  	v1 =	vld [tilespmem:s14+$0xCF00];
	_ =	sdelay $0x4  }
0x67: {  	v0 =	vadd.f32 v0, v1;
	_ =	sdelay $0x1  }
0x68: {  	v0 =	vmax.f32 v0, $0.0e+00  }
0x69: {  	s6 =	rddreg [dreg:$0xc];
	[tilespmem:s14+$0xCF00] =	vst v0  }
0x6a: {  	[spmem:s6] =	stream.linear.scatter [tilespmem:s24], [sflag:$0xD], $0x2800, $0x38;
	[tilespmem:$0x11F00] =	vst v63  }
0x6b: {  	_ =	swait.ge [sflag:s17], $0x2800  }
0x6c: {  	[sflag:s17] =	ssyncset.done $0x0  }
0x6d: {  	[sflag:s17] =	ssyncadd.s32 $0xFFFFD800  }
0x6e: {  	s14 =	simm.s32 $0x0;
	[bflag:$0x0] =	sbarrier.arrive $0xFFFF  }
0x6f: {  	[tilespmem:s22], [sflag:$0x1] =	stream.indirect.gather [spmem:s3], $0x10, s14, s21, $0xb8;
	[tilespmem:$0x11F00] =	vst v63  }
0x70: {  	_ = 	snop  }
0x71: {  	[tilespmem:s23], [sflag:$0x2] =	stream.indirect.gather [spmem:s3], $0x10, s21, s21, $0xb8;
	[tilespmem:$0x11F00] =	vst v63  }
0x72: {  	s24 =	simm.s32 $0x100  }
0x73: {  	[tilespmem:s25], [sflag:$0x3] =	stream.indirect.gather [spmem:s3], $0x10, s24, s21, $0xb8;
	[tilespmem:$0x11F00] =	vst v63  }
0x74: {  	_ =	swait.ge [sflag:s26], $0x800  }
0x75: {  	[sflag:s26] =	ssyncset.done $0x0  }
0x76: {  	[sflag:s26] =	ssyncadd.s32 $0xFFFFF800  }
0x77: {  	[spmem:s2] =	stream.indirect.scatter.add.f32 [tilespmem:s22], [sflag:$0x7], $0x10, s19, s21, $0xb8;
	[tilespmem:$0x11F00] =	vst v63  }
0x78: {  	s15 =	simm.s32 $0x180  }
0x79: {  	[tilespmem:s29], [sflag:$0x4] =	stream.indirect.gather [spmem:s3], $0x10, s15, s21, $0xb8;
	[tilespmem:$0x11F00] =	vst v63  }
0x7a: {  	_ =	swait.ge [sflag:s30], $0x800  }
0x7b: {  	[sflag:s30] =	ssyncset.done $0x0  }
0x7c: {  	s18 =	simm.s32 $0x2800;
	[sflag:s30] =	ssyncadd.s32 $0xFFFFF800  }
0x7d: {  	[spmem:s2] =	stream.indirect.scatter.add.f32 [tilespmem:s23], [sflag:$0x8], $0x10, s18, s21, $0xb8;
	[tilespmem:$0x11F00] =	vst v63  }
0x7e: {  	s19 =	simm.s32 $0x200  }
0x7f: {  	[tilespmem:s1], [sflag:$0x5] =	stream.indirect.gather [spmem:s3], $0x10, s19, s21, $0xb8;
	[tilespmem:$0x11F00] =	vst v63  }
0x80: {  	_ =	swait.ge [sflag:s20], $0x800  }
0x81: {  	[sflag:s20] =	ssyncset.done $0x0  }
0x82: {  	s24 =	simm.s32 $0x2880;
	[sflag:s20] =	ssyncadd.s32 $0xFFFFF800  }
0x83: {  	[spmem:s2] =	stream.indirect.scatter.add.f32 [tilespmem:s25], [sflag:$0x9], $0x10, s24, s21, $0xb8;
	[tilespmem:$0x11F00] =	vst v63  }
0x84: {  	s15 =	simm.s32 $0x280  }
0x85: {  	[tilespmem:s31], [sflag:$0x6] =	stream.indirect.gather [spmem:s3], $0x10, s15, s21, $0xb8;
	[tilespmem:$0x11F00] =	vst v63  }
0x86: {  	_ =	swait.ge [sflag:s0], $0x800  }
0x87: {  	[sflag:s0] =	ssyncset.done $0x0  }
0x88: {  	s18 =	simm.s32 $0x2900;
	[sflag:s0] =	ssyncadd.s32 $0xFFFFF800  }
0x89: {  	[spmem:s2] =	stream.indirect.scatter.add.f32 [tilespmem:s29], [sflag:$0xA], $0x10, s18, s21, $0xb8;
	[tilespmem:$0x11F00] =	vst v63  }
0x8a: {  	_ =	swait.ge [sflag:s28], $0x800  }
0x8b: {  	[sflag:s28] =	ssyncset.done $0x0  }
0x8c: {  	s19 =	simm.s32 $0x300;
	s24 =	simm.s32 $0x5;
	[sflag:s28] =	ssyncadd.s32 $0xFFFFF800  }
0x8d: {  	[tilespmem:s22], [sflag:$0x1] =	stream.indirect.gather [spmem:s3], $0x10, s19, s21, $0xb8;
	[tilespmem:$0x11F00] =	vst v63  }
0x8e: {  	_ =	swait.ge [sflag:s24], $0x800  }
0x8f: {  	[sflag:s24] =	ssyncset.done $0x0  }
0x90: {  	s15 =	simm.s32 $0x2980;
	[sflag:s24] =	ssyncadd.s32 $0xFFFFF800  }
0x91: {  	[spmem:s2] =	stream.indirect.scatter.add.f32 [tilespmem:s1], [sflag:$0xB], $0x10, s15, s21, $0xb8;
	[tilespmem:$0x11F00] =	vst v63  }
0x92: {  	_ =	swait.ge [sflag:s5], $0x800  }
0x93: {  	[sflag:s5] =	ssyncset.done $0x0  }
0x94: {  	s18 =	simm.s32 $0x380;
	[sflag:s5] =	ssyncadd.s32 $0xFFFFF800  }
0x95: {  	[tilespmem:s23], [sflag:$0x2] =	stream.indirect.gather [spmem:s3], $0x10, s18, s21, $0xb8;
	[tilespmem:$0x11F00] =	vst v63  }
0x96: {  	_ =	swait.ge [sflag:s8], $0x800  }
0x97: {  	[sflag:s8] =	ssyncset.done $0x0  }
0x98: {  	s19 =	simm.s32 $0x2A00;
	[sflag:s8] =	ssyncadd.s32 $0xFFFFF800  }
0x99: {  	[spmem:s2] =	stream.indirect.scatter.add.f32 [tilespmem:s31], [sflag:$0xC], $0x10, s19, s21, $0xb8;
	[tilespmem:$0x11F00] =	vst v63  }
0x9a: {  	_ =	swait.ge [sflag:s9], $0x800  }
0x9b: {  	[sflag:s9] =	ssyncset.done $0x0  }
0x9c: {  	s24 =	simm.s32 $0x400;
	[sflag:s9] =	ssyncadd.s32 $0xFFFFF800  }
0x9d: {  	[tilespmem:s25], [sflag:$0x3] =	stream.indirect.gather [spmem:s3], $0x10, s24, s21, $0xb8;
	[tilespmem:$0x11F00] =	vst v63  }
.LBB2_4:
0x9e: {  	_ =	swait.ge [sflag:s26], $0x800  }
0x9f: {  	s18 =	sshra.s32 s14, $0x2;
	[sflag:s26] =	ssyncset.done $0x0  }
0xa0: {  	s15 =	sadd.s32 $0x2A80, s18;
	[sflag:s26] =	ssyncadd.s32 $0xFFFFF800  }
0xa1: {  	[spmem:s2] =	stream.indirect.scatter.add.f32 [tilespmem:s22], [sflag:$0x7], $0x10, s15, s21, $0xb8;
	[tilespmem:$0x11F00] =	vst v63  }
0xa2: {  	_ =	swait.ge [sflag:s10], $0x800  }
0xa3: {  	[sflag:s10] =	ssyncset.done $0x0  }
0xa4: {  	s24 =	sadd.s32 $0x480, s18;
	[sflag:s10] =	ssyncadd.s32 $0xFFFFF800  }
0xa5: {  	[tilespmem:s29], [sflag:$0x4] =	stream.indirect.gather [spmem:s3], $0x10, s24, s21, $0xb8;
	[tilespmem:$0x11F00] =	vst v63  }
0xa6: {  	_ =	swait.ge [sflag:s30], $0x800  }
0xa7: {  	[sflag:s30] =	ssyncset.done $0x0  }
0xa8: {  	s6 =	sadd.s32 $0x2B00, s18;
	[sflag:s30] =	ssyncadd.s32 $0xFFFFF800  }
0xa9: {  	[spmem:s2] =	stream.indirect.scatter.add.f32 [tilespmem:s23], [sflag:$0x8], $0x10, s6, s21, $0xb8;
	[tilespmem:$0x11F00] =	vst v63  }
0xaa: {  	_ =	swait.ge [sflag:s11], $0x800  }
0xab: {  	[sflag:s11] =	ssyncset.done $0x0  }
0xac: {  	s19 =	sadd.s32 $0x500, s18;
	[sflag:s11] =	ssyncadd.s32 $0xFFFFF800  }
0xad: {  	[tilespmem:s1], [sflag:$0x5] =	stream.indirect.gather [spmem:s3], $0x10, s19, s21, $0xb8;
	[tilespmem:$0x11F00] =	vst v63  }
0xae: {  	_ =	swait.ge [sflag:s20], $0x800  }
0xaf: {  	[sflag:s20] =	ssyncset.done $0x0  }
0xb0: {  	s24 =	sadd.s32 $0x2B80, s18;
	[sflag:s20] =	ssyncadd.s32 $0xFFFFF800  }
0xb1: {  	[spmem:s2] =	stream.indirect.scatter.add.f32 [tilespmem:s25], [sflag:$0x9], $0x10, s24, s21, $0xb8;
	[tilespmem:$0x11F00] =	vst v63  }
0xb2: {  	_ =	swait.ge [sflag:s12], $0x800  }
0xb3: {  	[sflag:s12] =	ssyncset.done $0x0  }
0xb4: {  	s6 =	sadd.s32 $0x580, s18;
	[sflag:s12] =	ssyncadd.s32 $0xFFFFF800  }
0xb5: {  	[tilespmem:s31], [sflag:$0x6] =	stream.indirect.gather [spmem:s3], $0x10, s6, s21, $0xb8;
	[tilespmem:$0x11F00] =	vst v63  }
0xb6: {  	_ =	swait.ge [sflag:s0], $0x800  }
0xb7: {  	p1 =	seq.s32 s14, $0x8400;
	[sflag:s0] =	ssyncset.done $0x0  }
0xb8: {  	s15 =	simm.s32 @p1 $0x5;
	s19 =	sadd.s32 $0x2C00, s18;
	[sflag:s0] =	ssyncadd.s32 $0xFFFFF800  }
0xb9: {  	[spmem:s2] =	stream.indirect.scatter.add.f32 [tilespmem:s29], [sflag:$0xA], $0x10, s19, s21, $0xb8;
	[tilespmem:$0x11F00] =	vst v63  }
0xba: {  	_ =	swait.ge @p1 [sflag:s15], $0x800  }
0xbb: {  	[sflag:s15] =	ssyncset.done @p1 $0x0  }
0xbc: {  	[sflag:s15] =	ssyncadd.s32 @p1 $0xFFFFF800;
	s15 =	sshra.s32 @p1 s14, $0x2  }
0xbd: {  	s6 =	simm.s32 @p1 $0x6F00;
	s19 =	simm.s32 @p1 $0x80;
	s15 =	sadd.s32 @p1 $0x2C80, s15  }
0xbe: {  	[spmem:s2] =	stream.indirect.scatter.add.f32 @p1 [tilespmem:s6], [sflag:$0xB], $0x10, s15, s19, $0xb8;
	[tilespmem:$0x11F00] =	vst v63  }
0xbf: {  	s6 =	simm.s32 @!p1 $0x7  }
0xc0: {  	_ =	swait.ge @!p1 [sflag:s6], $0x800  }
0xc1: {  	[sflag:s6] =	ssyncset.done @!p1 $0x0  }
0xc2: {  	[sflag:s6] =	ssyncadd.s32 @!p1 $0xFFFFF800;
	s6 =	sshra.s32 @!p1 s14, $0x2  }
0xc3: {  	s24 =	simm.s32 @!p1 $0x4F00;
	s19 =	simm.s32 @!p1 $0x80;
	s15 =	sadd.s32 @!p1 $0x600, s6  }
0xc4: {  	[tilespmem:s24], [sflag:$0x1] =	stream.indirect.gather @!p1 [spmem:s3], $0x10, s15, s19, $0xb8;
	[tilespmem:$0x11F00] =	vst v63  }
0xc5: {  	s15 =	simm.s32 @!p1 $0x5  }
0xc6: {  	_ =	swait.ge @!p1 [sflag:s15], $0x800  }
0xc7: {  	[sflag:s15] =	ssyncset.done @!p1 $0x0  }
0xc8: {  	s24 =	simm.s32 @!p1 $0x6F00;
	[sflag:s15] =	ssyncadd.s32 @!p1 $0xFFFFF800;
	s15 =	sadd.s32 @!p1 $0x2C80, s6  }
0xc9: {  	[spmem:s2] =	stream.indirect.scatter.add.f32 @!p1 [tilespmem:s24], [sflag:$0xB], $0x10, s15, s19, $0xb8;
	[tilespmem:$0x11F00] =	vst v63  }
0xca: {  	s15 =	simm.s32 @!p1 $0x8  }
0xcb: {  	_ =	swait.ge @!p1 [sflag:s15], $0x800  }
0xcc: {  	[sflag:s15] =	ssyncset.done @!p1 $0x0  }
0xcd: {  	s6 =	sadd.s32 @!p1 $0x680, s6;
	[sflag:s15] =	ssyncadd.s32 @!p1 $0xFFFFF800;
	s15 =	simm.s32 @!p1 $0x5700  }
0xce: {  	[tilespmem:s15], [sflag:$0x2] =	stream.indirect.gather @!p1 [spmem:s3], $0x10, s6, s19, $0xb8;
	[tilespmem:$0x11F00] =	vst v63  }
.Ltmp3:
0xcf: {  	_ = 	snop;
	(pc) =	sbr.rel @p1 .LBB2_6-.Ltmp3, $4  }
0xd0: {  	_ =	swait.ge [sflag:s8], $0x800  }
0xd1: {  	[sflag:s8] =	ssyncset.done $0x0  }
0xd2: {  	s24 =	sadd.s32 $0x2D00, s18;
	[sflag:s8] =	ssyncadd.s32 $0xFFFFF800  }
0xd3: {  	[spmem:s2] =	stream.indirect.scatter.add.f32 [tilespmem:s31], [sflag:$0xC], $0x10, s24, s21, $0xb8;
	[tilespmem:$0x11F00] =	vst v63  }
.Ltmp4:
0xd4: {  	(pc) =	sbr.rel .LBB2_4-.Ltmp4, $4  }
0xd5: {  	_ =	swait.ge [sflag:s9], $0x800  }
0xd6: {  	[sflag:s9] =	ssyncset.done $0x0  }
0xd7: {  	s6 =	sadd.s32 $0x700, s18;
	s14 =	sadd.s32 $0xC00, s14;
	[sflag:s9] =	ssyncadd.s32 $0xFFFFF800  }
0xd8: {  	[tilespmem:s25], [sflag:$0x3] =	stream.indirect.gather [spmem:s3], $0x10, s6, s21, $0xb8;
	[tilespmem:$0x11F00] =	vst v63  }
.LBB2_7:
0xd9: {  	_ =	sfence.sel $0x180000  }
0xda: {  	[bflag:$0x0] =	sbarrier.arrive $0xFFFF  }
0xdb: {  	_ =	strace $0x9000004A  }
0xdc: {  	s0 =	stileid.u32;
	[bflag:$0x2] =	sbarrier.arrive $0xFFFF  }
0xdd: {  	p0 =	sne.s32 s0, $0x0;
	s0 =	rddreg [dreg:$0x4]  }
0xde: {  	s0 =	sadd.s32 @!p0 $0x100000, s0  }
0xdf: {  	[sflag:s0] =	ssyncadd.tile.s32 @!p0 $0x1;
	_ =	shalt  }
.Lfunc_end2:
_tile_overlayer_lowered:
.L_overlay_start_2:
0xe0: {  	(tag) =	ssettag $0x2  }
0xe1: {  	s0 =	rddreg [dreg:$0x0];
	s2 =	stileid.u32  }
0xe2: {  	s1 =	rddreg [dreg:$0x1];
	p0 =	sne.s32 s2, $0x0  }
0xe3: {  	s3 =	rddreg [dreg:$0x2];
	[bflag:$0x3] =	sbarrier.arrive $0xFFFF;
	s2 =	simm.s32 @!p0 $0x1C0D  }
0xe4: {  	[timem:s3], [sflag:s2] =	dma.local @!p0 [hbm:s0], s1  }
0xe5: {  	s0 =	simm.s32 @!p0 $0xD  }
0xe6: {  	_ =	swait.ge @!p0 [sflag:s0], s1  }
0xe7: {  	s1 =	ssub.s32 @!p0 $0x0, s1;
	[sflag:s0] =	ssyncset.done @!p0 $0x0  }
0xe8: {  	[sflag:s0] =	ssyncadd.s32 @!p0 s1  }
0xe9: {  	[bflag:$0x3] =	sbarrier.arrive $0xFFFF  }
0xea: {  	_ =	shalt  }

</sc_bundles>
